<compile_context>
chip_gen: v7x
topology: tpu7x:2x2x1
jax: 0.10.2.dev20260603
libtpu: 0.0.44.dev20260713+nightly
codegen_flags: <defaults>
</compile_context>

<pallas_src>
import functools

import jax
import jax.numpy as jnp
from jax import lax
from jax.experimental import pallas as pl
from jax.experimental.pallas import tpu as pltpu
from jax.experimental.pallas import tpu_sc as plsc

_NC = 2
_NS = 16
_L = 16

_BLK = 1024
_GRP = 128
_GPB = _BLK // _GRP
_NBUF = 4


def _bcast_lane(v, lane):
    idx = jnp.full((_L, 1), lane, dtype=jnp.int32)
    dn = lax.GatherDimensionNumbers(
        offset_dims=(), collapsed_slice_dims=(0,), start_index_map=(0,))
    return lax.gather(v, idx, dn, (1,),
                      mode=lax.GatherScatterMode.PROMISE_IN_BOUNDS)


def _body(n_nodes, n_blocks, hr, col2, rowi, attr, out,
          idx2, rowb, attb, buf0, buf1, buf2, buf3, acc,
          gs0, gs1, gs2, gs3, ss0, ss1, ss2, ss3):
    c = lax.axis_index("c")
    s = lax.axis_index("s")
    bufs = (buf0, buf1, buf2, buf3)
    gsems = (gs0, gs1, gs2, gs3)
    ssems = (ss0, ss1, ss2, ss3)
    rows_per_tile = n_nodes // _NS
    zchunk = 125

    zero = jnp.zeros((_L,), jnp.float32)

    def zloop(i, _):
        for k in range(4):
            buf0[i, pl.ds(k * _L, _L)] = zero
        return 0
    lax.fori_loop(0, _GRP, zloop, 0)

    r0 = s * rows_per_tile
    for t in range(rows_per_tile // zchunk):
        pltpu.sync_copy(buf0.at[pl.ds(0, zchunk), :],
                        acc.at[pl.ds(r0 + t * zchunk, zchunk), :])
    plsc.subcore_barrier()

    def gather(j, b):
        return pltpu.make_async_copy(hr.at[idx2.at[j]], bufs[b], gsems[b])

    def scatter_start(j, b):
        pltpu.async_copy(bufs[b], acc.at[rowb.at[j]], ssems[b], add=True)

    def scatter_wait(j, b):
        pltpu.make_async_copy(bufs[b], acc.at[rowb.at[j]], ssems[b]).wait()

    def compute(j, b):
        buf = bufs[b]

        def quad_loop(q, _2):
            av = attb[j * (_GRP // 4) + q, :]
            for jj in range(4):
                e = q * 4 + jj
                for hd in range(4):
                    bc = _bcast_lane(av, 4 * jj + hd)
                    sl = pl.ds(hd * _L, _L)
                    buf[e, sl] = buf[e, sl] * bc
            return 0
        lax.fori_loop(0, _GRP // 4, quad_loop, 0)

    def blk_loop(blk, _):
        base128 = s * (n_blocks * _GPB) + blk * _GPB
        qblock = base128 * (_GRP // 4)
        pltpu.sync_copy(col2.at[c, pl.ds(base128, _GPB), :], idx2)
        pltpu.sync_copy(rowi.at[pl.ds(base128, _GPB), :], rowb)
        pltpu.sync_copy(attr.at[c, pl.ds(qblock, _BLK // 4), :], attb)

        gather(0, 0).start()

        def ring_loop(jj, _2):
            for b in range(_NBUF):
                j = jj * _NBUF + b
                nb = (b + 1) % _NBUF

                @pl.when(jnp.logical_and(j >= _NBUF - 1, j < _GPB - 1))
                def _():
                    scatter_wait(j - (_NBUF - 1), nb)

                @pl.when(j < _GPB - 1)
                def _():
                    gather(j + 1, nb).start()

                gather(j, b).wait()
                compute(j, b)
                scatter_start(j, b)
            return 0
        lax.fori_loop(0, _GPB // _NBUF, ring_loop, 0)
        for b in range(_NBUF):
            scatter_wait(_GPB - _NBUF + b, (_GPB - _NBUF + b) % _NBUF)
        return 0
    lax.fori_loop(0, n_blocks, blk_loop, 0)

    plsc.subcore_barrier()
    for t in range(rows_per_tile // zchunk):
        rr = r0 + t * zchunk
        pltpu.sync_copy(acc.at[pl.ds(rr, zchunk), :],
                        out.at[pl.ds(rr, zchunk), pl.ds(c * 64, 64)])


def kernel(attention, h, edge_index):
    E, H = attention.shape
    N, _, D = h.shape
    HD = H * D
    ept = _NS * _BLK
    epad = ((E + ept - 1) // ept) * ept
    n_blocks = epad // ept
    pad = epad - E

    row = edge_index[0].astype(jnp.int32)
    col = edge_index[1].astype(jnp.int32)
    rowp = jnp.pad(row, (0, pad))
    colp = jnp.pad(col, (0, pad))
    attp = jnp.pad(attention, ((0, pad), (0, 0)))

    col2 = jnp.stack([colp, colp + N]).reshape(2, epad // _GRP, _GRP)
    rowi = rowp.reshape(epad // _GRP, _GRP)
    attr = attp.reshape(epad, 2, 4).transpose(1, 0, 2).reshape(2, epad // 4, 16)
    hr = h.reshape(N, 2, 64).transpose(1, 0, 2).reshape(2 * N, 64)

    mesh = plsc.VectorSubcoreMesh(core_axis_name="c", subcore_axis_name="s")
    fn = pl.kernel(
        functools.partial(_body, N, n_blocks),
        out_type=jax.ShapeDtypeStruct((N, HD), jnp.float32),
        mesh=mesh,
        scratch_types=[
            pltpu.VMEM((_GPB, _GRP), jnp.int32),
            pltpu.VMEM((_GPB, _GRP), jnp.int32),
            pltpu.VMEM((_BLK // 4, 16), jnp.float32),
            pltpu.VMEM((_GRP, 64), jnp.float32),
            pltpu.VMEM((_GRP, 64), jnp.float32),
            pltpu.VMEM((_GRP, 64), jnp.float32),
            pltpu.VMEM((_GRP, 64), jnp.float32),
            pltpu.VMEM_SHARED((N, 64), jnp.float32),
            pltpu.SemaphoreType.DMA,
            pltpu.SemaphoreType.DMA,
            pltpu.SemaphoreType.DMA,
            pltpu.SemaphoreType.DMA,
            pltpu.SemaphoreType.DMA,
            pltpu.SemaphoreType.DMA,
            pltpu.SemaphoreType.DMA,
            pltpu.SemaphoreType.DMA,
        ],
        compiler_params=pltpu.CompilerParams(use_tc_tiling_on_sc=False),
    )
    return fn(hr, col2, rowi, attr)

# --- scband reference (transcript-rebuilt; emitter-appended) ---
"""Pipeline reference for scband-multi-head-sp-mm-20968030339290 (READ-ONLY COPY).

The authoritative reference and input builder live on the scoring server;
editing this copy changes nothing except your own understanding.
"""

import jax, jax.numpy as jnp
import numpy as np

N_NODES = 10000
N_EDGES = 320000
N_HEADS = 8
D_HEAD = 16

def setup_inputs(seed: int = 0) -> dict:
    key = jax.random.key(seed)
    k1, k2, k3 = jax.random.split(key, 3)
    attention = jax.random.uniform(k1, (N_EDGES, N_HEADS), dtype=jnp.float32)
    h = jax.random.normal(k2, (N_NODES, N_HEADS, D_HEAD), dtype=jnp.float32)
    edge_index = jax.random.randint(k3, (2, N_EDGES), 0, N_NODES, dtype=jnp.int64)
    return {"attention": attention, "h": h, "edge_index": edge_index}

def reference(attention, h, edge_index):
    # MultiHeadSpMM CPU path: per-head spmm_scatter, then concat over heads.
    # spmm_scatter: out = scatter_add(row, h[col] * edge_weight)
    row = edge_index[0]
    col = edge_index[1]
    n_nodes = h.shape[0]
    nhead = h.shape[1]
    # gather source-node features per edge: [E, H, d]
    msgs = jnp.take(h, col, axis=0) * attention[:, :, None]
    # scatter-add into destination rows per head: [N, H, d]
    h_prime = jax.ops.segment_sum(msgs, row, num_segments=n_nodes)
    # torch.cat(h_prime, dim=1) over heads == reshape to [N, H*d]
    out = h_prime.reshape(n_nodes, nhead * h.shape[2])
    return out

if __name__ == "__main__":
    import jax
    _d = setup_inputs()
    print(jax.jit(kernel)(*tuple(_d.values())))

</pallas_src>

<mosaic_0001>
#map = affine_map<(d0, d1) -> (0, 0)>
#map1 = affine_map<(d0, d1) -> (0, 0, 0)>
module attributes {stable_mosaic.version = 14 : i64} {
  func.func @_body(%arg0: i32, %arg1: i32, %arg2: memref<20000x64xf32, #tpu.memory_space<hbm>>, %arg3: memref<2x2560x128xi32, #tpu.memory_space<hbm>>, %arg4: memref<2560x128xi32, #tpu.memory_space<hbm>>, %arg5: memref<2x81920x16xf32, #tpu.memory_space<hbm>>, %arg6: memref<10000x128xf32, #tpu.memory_space<hbm>>, %arg7: memref<8x128xi32, #tpu.memory_space<vmem>>, %arg8: memref<8x128xi32, #tpu.memory_space<vmem>>, %arg9: memref<256x16xf32, #tpu.memory_space<vmem>>, %arg10: memref<128x64xf32, #tpu.memory_space<vmem>>, %arg11: memref<128x64xf32, #tpu.memory_space<vmem>>, %arg12: memref<128x64xf32, #tpu.memory_space<vmem>>, %arg13: memref<128x64xf32, #tpu.memory_space<vmem>>, %arg14: memref<10000x64xf32, #tpu.memory_space<vmem_shared>>, %arg15: memref<!tpu.dma_semaphore, #tpu.memory_space<semaphore_mem>>, %arg16: memref<!tpu.dma_semaphore, #tpu.memory_space<semaphore_mem>>, %arg17: memref<!tpu.dma_semaphore, #tpu.memory_space<semaphore_mem>>, %arg18: memref<!tpu.dma_semaphore, #tpu.memory_space<semaphore_mem>>, %arg19: memref<!tpu.dma_semaphore, #tpu.memory_space<semaphore_mem>>, %arg20: memref<!tpu.dma_semaphore, #tpu.memory_space<semaphore_mem>>, %arg21: memref<!tpu.dma_semaphore, #tpu.memory_space<semaphore_mem>>, %arg22: memref<!tpu.dma_semaphore, #tpu.memory_space<semaphore_mem>>) attributes {dimension_semantics = [#tpu.dimension_semantics<core_parallel>, #tpu.dimension_semantics<subcore_parallel>], iteration_bounds = array<i64: 2, 16>, scalar_prefetch = 0 : i64, scratch_operands = 16 : i64, tpu.core_type = #tpu.core_type<sc_vector_subcore>, window_params = [{transform_indices = #map}, {transform_indices = #map1}, {transform_indices = #map}, {transform_indices = #map1}, {transform_indices = #map}]} {
    %broadcast_in_dim3A = arith.constant 0.000000e+00 : f32
    %broadcast_in_dim3A_0 = vector.broadcast %broadcast_in_dim3A : f32 to vector<16xf32>
    %scan3A = arith.constant 0 : i32
    %scan3A_1 = arith.constant 0 : i32
    %scan3A_2 = arith.constant 128 : i32
    %scan3A_3 = arith.addi %scan3A_1, %scan3A_2 : i32
    %scan3A_4 = arith.constant 1 : i32
    %scan3A_5 = scf.for %scan3A_45 = %scan3A_1 to %scan3A_3 step %scan3A_4 iter_args(%scan3A_46 = %scan3A) -> (i32)  : i32 {
      %swap3A = arith.index_cast %scan3A_45 : i32 to index
      %swap3A_47 = arith.constant 0 : index
      %swap3A_48 = tpu.vector_load %arg10[%swap3A, %swap3A_47] {strides = array<i32>} : memref<128x64xf32, #tpu.memory_space<vmem>>, vector<1x16xf32>,
      %swap3A_49 = vector.shape_cast %swap3A_48 : vector<1x16xf32> to vector<16xf32>
      %swap3A_50 = vector.shape_cast %broadcast_in_dim3A_0 : vector<16xf32> to vector<1x16xf32>
      tpu.vector_store %arg10[%swap3A, %swap3A_47], %swap3A_50 {strides = array<i32>} : memref<128x64xf32, #tpu.memory_space<vmem>>, vector<1x16xf32>,
      %swap3A_51 = arith.index_cast %scan3A_45 : i32 to index
      %swap3A_52 = arith.constant 16 : index
      %swap3A_53 = tpu.vector_load %arg10[%swap3A_51, %swap3A_52] {strides = array<i32>} : memref<128x64xf32, #tpu.memory_space<vmem>>, vector<1x16xf32>,
      %swap3A_54 = vector.shape_cast %swap3A_53 : vector<1x16xf32> to vector<16xf32>
      %swap3A_55 = vector.shape_cast %broadcast_in_dim3A_0 : vector<16xf32> to vector<1x16xf32>
      tpu.vector_store %arg10[%swap3A_51, %swap3A_52], %swap3A_55 {strides = array<i32>} : memref<128x64xf32, #tpu.memory_space<vmem>>, vector<1x16xf32>,
      %swap3A_56 = arith.index_cast %scan3A_45 : i32 to index
      %swap3A_57 = arith.constant 32 : index
      %swap3A_58 = tpu.vector_load %arg10[%swap3A_56, %swap3A_57] {strides = array<i32>} : memref<128x64xf32, #tpu.memory_space<vmem>>, vector<1x16xf32>,
      %swap3A_59 = vector.shape_cast %swap3A_58 : vector<1x16xf32> to vector<16xf32>
      %swap3A_60 = vector.shape_cast %broadcast_in_dim3A_0 : vector<16xf32> to vector<1x16xf32>
      tpu.vector_store %arg10[%swap3A_56, %swap3A_57], %swap3A_60 {strides = array<i32>} : memref<128x64xf32, #tpu.memory_space<vmem>>, vector<1x16xf32>,
      %swap3A_61 = arith.index_cast %scan3A_45 : i32 to index
      %swap3A_62 = arith.constant 48 : index
      %swap3A_63 = tpu.vector_load %arg10[%swap3A_61, %swap3A_62] {strides = array<i32>} : memref<128x64xf32, #tpu.memory_space<vmem>>, vector<1x16xf32>,
      %swap3A_64 = vector.shape_cast %swap3A_63 : vector<1x16xf32> to vector<16xf32>
      %swap3A_65 = vector.shape_cast %broadcast_in_dim3A_0 : vector<16xf32> to vector<1x16xf32>
      tpu.vector_store %arg10[%swap3A_61, %swap3A_62], %swap3A_65 {strides = array<i32>} : memref<128x64xf32, #tpu.memory_space<vmem>>, vector<1x16xf32>,
      %scan3A_66 = arith.constant 0 : i32
      scf.yield %scan3A_66 : i32
    }
    %scan3A_6 = arith.constant 128 : i32
    %mul3A = arith.constant 625 : i32
    %mul3A_7 = arith.muli %arg1, %mul3A : i32
    %add3A = arith.constant 0 : i32
    %add3A_8 = arith.addi %mul3A_7, %add3A : i32
    "tpu.region"() ({
      %run_scoped3A = tpu.sem_alloc : memref<!tpu.dma_semaphore, #tpu.memory_space<semaphore_mem>>
      %dma_start3A = arith.constant 0 : i32
      %dma_start3A_45 = arith.constant 0 : i32
      %dma_start3A_46 = tpu.memref_slice %arg10[%dma_start3A, %dma_start3A_45] : memref<128x64xf32, #tpu.memory_space<vmem>> -> memref<125x64xf32, #tpu.memory_space<vmem>>
      %dma_start3A_47 = arith.constant 0 : i32
      %dma_start3A_48 = tpu.memref_slice %arg14[%add3A_8, %dma_start3A_47] : memref<10000x64xf32, #tpu.memory_space<vmem_shared>> -> memref<125x64xf32, #tpu.memory_space<vmem_shared>>
      %dma_start3A_49 = arith.constant 0 : i32
      %dma_start3A_50 = tpu.memref_slice %arg14[%add3A_8, %dma_start3A_49] : memref<10000x64xf32, #tpu.memory_space<vmem_shared>> -> memref<125x64xf32, #tpu.memory_space<vmem_shared>>
      %dma_start3A_51 = arith.constant 0 : i32
      %dma_start3A_52 = arith.constant 0 : i32
      %dma_start3A_53 = tpu.memref_slice %arg10[%dma_start3A_51, %dma_start3A_52] : memref<128x64xf32, #tpu.memory_space<vmem>> -> memref<125x64xf32, #tpu.memory_space<vmem>>
      tpu.enqueue_dma source(%dma_start3A_53 : memref<125x64xf32, #tpu.memory_space<vmem>>) target(%dma_start3A_50 : memref<125x64xf32, #tpu.memory_space<vmem_shared>>) target_semaphore(%run_scoped3A : memref<!tpu.dma_semaphore, #tpu.memory_space<semaphore_mem>>)
      %dma_wait3A = arith.constant 0 : i32
      %dma_wait3A_54 = arith.constant 0 : i32
      %dma_wait3A_55 = tpu.memref_slice %arg10[%dma_wait3A, %dma_wait3A_54] : memref<128x64xf32, #tpu.memory_space<vmem>> -> memref<125x64xf32, #tpu.memory_space<vmem>>
      %dma_wait3A_56 = arith.constant 0 : i32
      %dma_wait3A_57 = tpu.memref_slice %arg14[%add3A_8, %dma_wait3A_56] : memref<10000x64xf32, #tpu.memory_space<vmem_shared>> -> memref<125x64xf32, #tpu.memory_space<vmem_shared>>
      %dma_wait3A_58 = arith.constant 0 : i32
      %dma_wait3A_59 = tpu.memref_slice %arg14[%add3A_8, %dma_wait3A_58] : memref<10000x64xf32, #tpu.memory_space<vmem_shared>> -> memref<125x64xf32, #tpu.memory_space<vmem_shared>>
      %dma_wait3A_60 = arith.constant 0 : i32
      %dma_wait3A_61 = arith.constant 0 : i32
      %dma_wait3A_62 = tpu.memref_slice %arg10[%dma_wait3A_60, %dma_wait3A_61] : memref<128x64xf32, #tpu.memory_space<vmem>> -> memref<125x64xf32, #tpu.memory_space<vmem>>
      tpu.wait_dma2 semaphore(%run_scoped3A : memref<!tpu.dma_semaphore, #tpu.memory_space<semaphore_mem>>) src(%dma_wait3A_62 : memref<125x64xf32, #tpu.memory_space<vmem>>) dst(%dma_wait3A_59 : memref<125x64xf32, #tpu.memory_space<vmem_shared>>)
      tpu.yield
    }) : () -> ()
    %add3A_9 = arith.constant 125 : i32
    %add3A_10 = arith.addi %mul3A_7, %add3A_9 : i32
    "tpu.region"() ({
      %run_scoped3A = tpu.sem_alloc : memref<!tpu.dma_semaphore, #tpu.memory_space<semaphore_mem>>
      %dma_start3A = arith.constant 0 : i32
      %dma_start3A_45 = arith.constant 0 : i32
      %dma_start3A_46 = tpu.memref_slice %arg10[%dma_start3A, %dma_start3A_45] : memref<128x64xf32, #tpu.memory_space<vmem>> -> memref<125x64xf32, #tpu.memory_space<vmem>>
      %dma_start3A_47 = arith.constant 0 : i32
      %dma_start3A_48 = tpu.memref_slice %arg14[%add3A_10, %dma_start3A_47] : memref<10000x64xf32, #tpu.memory_space<vmem_shared>> -> memref<125x64xf32, #tpu.memory_space<vmem_shared>>
      %dma_start3A_49 = arith.constant 0 : i32
      %dma_start3A_50 = tpu.memref_slice %arg14[%add3A_10, %dma_start3A_49] : memref<10000x64xf32, #tpu.memory_space<vmem_shared>> -> memref<125x64xf32, #tpu.memory_space<vmem_shared>>
      %dma_start3A_51 = arith.constant 0 : i32
      %dma_start3A_52 = arith.constant 0 : i32
      %dma_start3A_53 = tpu.memref_slice %arg10[%dma_start3A_51, %dma_start3A_52] : memref<128x64xf32, #tpu.memory_space<vmem>> -> memref<125x64xf32, #tpu.memory_space<vmem>>
      tpu.enqueue_dma source(%dma_start3A_53 : memref<125x64xf32, #tpu.memory_space<vmem>>) target(%dma_start3A_50 : memref<125x64xf32, #tpu.memory_space<vmem_shared>>) target_semaphore(%run_scoped3A : memref<!tpu.dma_semaphore, #tpu.memory_space<semaphore_mem>>)
      %dma_wait3A = arith.constant 0 : i32
      %dma_wait3A_54 = arith.constant 0 : i32
      %dma_wait3A_55 = tpu.memref_slice %arg10[%dma_wait3A, %dma_wait3A_54] : memref<128x64xf32, #tpu.memory_space<vmem>> -> memref<125x64xf32, #tpu.memory_space<vmem>>
      %dma_wait3A_56 = arith.constant 0 : i32
      %dma_wait3A_57 = tpu.memref_slice %arg14[%add3A_10, %dma_wait3A_56] : memref<10000x64xf32, #tpu.memory_space<vmem_shared>> -> memref<125x64xf32, #tpu.memory_space<vmem_shared>>
      %dma_wait3A_58 = arith.constant 0 : i32
      %dma_wait3A_59 = tpu.memref_slice %arg14[%add3A_10, %dma_wait3A_58] : memref<10000x64xf32, #tpu.memory_space<vmem_shared>> -> memref<125x64xf32, #tpu.memory_space<vmem_shared>>
      %dma_wait3A_60 = arith.constant 0 : i32
      %dma_wait3A_61 = arith.constant 0 : i32
      %dma_wait3A_62 = tpu.memref_slice %arg10[%dma_wait3A_60, %dma_wait3A_61] : memref<128x64xf32, #tpu.memory_space<vmem>> -> memref<125x64xf32, #tpu.memory_space<vmem>>
      tpu.wait_dma2 semaphore(%run_scoped3A : memref<!tpu.dma_semaphore, #tpu.memory_space<semaphore_mem>>) src(%dma_wait3A_62 : memref<125x64xf32, #tpu.memory_space<vmem>>) dst(%dma_wait3A_59 : memref<125x64xf32, #tpu.memory_space<vmem_shared>>)
      tpu.yield
    }) : () -> ()
    %add3A_11 = arith.constant 250 : i32
    %add3A_12 = arith.addi %mul3A_7, %add3A_11 : i32
    "tpu.region"() ({
      %run_scoped3A = tpu.sem_alloc : memref<!tpu.dma_semaphore, #tpu.memory_space<semaphore_mem>>
      %dma_start3A = arith.constant 0 : i32
      %dma_start3A_45 = arith.constant 0 : i32
      %dma_start3A_46 = tpu.memref_slice %arg10[%dma_start3A, %dma_start3A_45] : memref<128x64xf32, #tpu.memory_space<vmem>> -> memref<125x64xf32, #tpu.memory_space<vmem>>
      %dma_start3A_47 = arith.constant 0 : i32
      %dma_start3A_48 = tpu.memref_slice %arg14[%add3A_12, %dma_start3A_47] : memref<10000x64xf32, #tpu.memory_space<vmem_shared>> -> memref<125x64xf32, #tpu.memory_space<vmem_shared>>
      %dma_start3A_49 = arith.constant 0 : i32
      %dma_start3A_50 = tpu.memref_slice %arg14[%add3A_12, %dma_start3A_49] : memref<10000x64xf32, #tpu.memory_space<vmem_shared>> -> memref<125x64xf32, #tpu.memory_space<vmem_shared>>
      %dma_start3A_51 = arith.constant 0 : i32
      %dma_start3A_52 = arith.constant 0 : i32
      %dma_start3A_53 = tpu.memref_slice %arg10[%dma_start3A_51, %dma_start3A_52] : memref<128x64xf32, #tpu.memory_space<vmem>> -> memref<125x64xf32, #tpu.memory_space<vmem>>
      tpu.enqueue_dma source(%dma_start3A_53 : memref<125x64xf32, #tpu.memory_space<vmem>>) target(%dma_start3A_50 : memref<125x64xf32, #tpu.memory_space<vmem_shared>>) target_semaphore(%run_scoped3A : memref<!tpu.dma_semaphore, #tpu.memory_space<semaphore_mem>>)
      %dma_wait3A = arith.constant 0 : i32
      %dma_wait3A_54 = arith.constant 0 : i32
      %dma_wait3A_55 = tpu.memref_slice %arg10[%dma_wait3A, %dma_wait3A_54] : memref<128x64xf32, #tpu.memory_space<vmem>> -> memref<125x64xf32, #tpu.memory_space<vmem>>
      %dma_wait3A_56 = arith.constant 0 : i32
      %dma_wait3A_57 = tpu.memref_slice %arg14[%add3A_12, %dma_wait3A_56] : memref<10000x64xf32, #tpu.memory_space<vmem_shared>> -> memref<125x64xf32, #tpu.memory_space<vmem_shared>>
      %dma_wait3A_58 = arith.constant 0 : i32
      %dma_wait3A_59 = tpu.memref_slice %arg14[%add3A_12, %dma_wait3A_58] : memref<10000x64xf32, #tpu.memory_space<vmem_shared>> -> memref<125x64xf32, #tpu.memory_space<vmem_shared>>
      %dma_wait3A_60 = arith.constant 0 : i32
      %dma_wait3A_61 = arith.constant 0 : i32
      %dma_wait3A_62 = tpu.memref_slice %arg10[%dma_wait3A_60, %dma_wait3A_61] : memref<128x64xf32, #tpu.memory_space<vmem>> -> memref<125x64xf32, #tpu.memory_space<vmem>>
      tpu.wait_dma2 semaphore(%run_scoped3A : memref<!tpu.dma_semaphore, #tpu.memory_space<semaphore_mem>>) src(%dma_wait3A_62 : memref<125x64xf32, #tpu.memory_space<vmem>>) dst(%dma_wait3A_59 : memref<125x64xf32, #tpu.memory_space<vmem_shared>>)
      tpu.yield
    }) : () -> ()
    %add3A_13 = arith.constant 375 : i32
    %add3A_14 = arith.addi %mul3A_7, %add3A_13 : i32
    "tpu.region"() ({
      %run_scoped3A = tpu.sem_alloc : memref<!tpu.dma_semaphore, #tpu.memory_space<semaphore_mem>>
      %dma_start3A = arith.constant 0 : i32
      %dma_start3A_45 = arith.constant 0 : i32
      %dma_start3A_46 = tpu.memref_slice %arg10[%dma_start3A, %dma_start3A_45] : memref<128x64xf32, #tpu.memory_space<vmem>> -> memref<125x64xf32, #tpu.memory_space<vmem>>
      %dma_start3A_47 = arith.constant 0 : i32
      %dma_start3A_48 = tpu.memref_slice %arg14[%add3A_14, %dma_start3A_47] : memref<10000x64xf32, #tpu.memory_space<vmem_shared>> -> memref<125x64xf32, #tpu.memory_space<vmem_shared>>
      %dma_start3A_49 = arith.constant 0 : i32
      %dma_start3A_50 = tpu.memref_slice %arg14[%add3A_14, %dma_start3A_49] : memref<10000x64xf32, #tpu.memory_space<vmem_shared>> -> memref<125x64xf32, #tpu.memory_space<vmem_shared>>
      %dma_start3A_51 = arith.constant 0 : i32
      %dma_start3A_52 = arith.constant 0 : i32
      %dma_start3A_53 = tpu.memref_slice %arg10[%dma_start3A_51, %dma_start3A_52] : memref<128x64xf32, #tpu.memory_space<vmem>> -> memref<125x64xf32, #tpu.memory_space<vmem>>
      tpu.enqueue_dma source(%dma_start3A_53 : memref<125x64xf32, #tpu.memory_space<vmem>>) target(%dma_start3A_50 : memref<125x64xf32, #tpu.memory_space<vmem_shared>>) target_semaphore(%run_scoped3A : memref<!tpu.dma_semaphore, #tpu.memory_space<semaphore_mem>>)
      %dma_wait3A = arith.constant 0 : i32
      %dma_wait3A_54 = arith.constant 0 : i32
      %dma_wait3A_55 = tpu.memref_slice %arg10[%dma_wait3A, %dma_wait3A_54] : memref<128x64xf32, #tpu.memory_space<vmem>> -> memref<125x64xf32, #tpu.memory_space<vmem>>
      %dma_wait3A_56 = arith.constant 0 : i32
      %dma_wait3A_57 = tpu.memref_slice %arg14[%add3A_14, %dma_wait3A_56] : memref<10000x64xf32, #tpu.memory_space<vmem_shared>> -> memref<125x64xf32, #tpu.memory_space<vmem_shared>>
      %dma_wait3A_58 = arith.constant 0 : i32
      %dma_wait3A_59 = tpu.memref_slice %arg14[%add3A_14, %dma_wait3A_58] : memref<10000x64xf32, #tpu.memory_space<vmem_shared>> -> memref<125x64xf32, #tpu.memory_space<vmem_shared>>
      %dma_wait3A_60 = arith.constant 0 : i32
      %dma_wait3A_61 = arith.constant 0 : i32
      %dma_wait3A_62 = tpu.memref_slice %arg10[%dma_wait3A_60, %dma_wait3A_61] : memref<128x64xf32, #tpu.memory_space<vmem>> -> memref<125x64xf32, #tpu.memory_space<vmem>>
      tpu.wait_dma2 semaphore(%run_scoped3A : memref<!tpu.dma_semaphore, #tpu.memory_space<semaphore_mem>>) src(%dma_wait3A_62 : memref<125x64xf32, #tpu.memory_space<vmem>>) dst(%dma_wait3A_59 : memref<125x64xf32, #tpu.memory_space<vmem_shared>>)
      tpu.yield
    }) : () -> ()
    %add3A_15 = arith.constant 500 : i32
    %add3A_16 = arith.addi %mul3A_7, %add3A_15 : i32
    "tpu.region"() ({
      %run_scoped3A = tpu.sem_alloc : memref<!tpu.dma_semaphore, #tpu.memory_space<semaphore_mem>>
      %dma_start3A = arith.constant 0 : i32
      %dma_start3A_45 = arith.constant 0 : i32
      %dma_start3A_46 = tpu.memref_slice %arg10[%dma_start3A, %dma_start3A_45] : memref<128x64xf32, #tpu.memory_space<vmem>> -> memref<125x64xf32, #tpu.memory_space<vmem>>
      %dma_start3A_47 = arith.constant 0 : i32
      %dma_start3A_48 = tpu.memref_slice %arg14[%add3A_16, %dma_start3A_47] : memref<10000x64xf32, #tpu.memory_space<vmem_shared>> -> memref<125x64xf32, #tpu.memory_space<vmem_shared>>
      %dma_start3A_49 = arith.constant 0 : i32
      %dma_start3A_50 = tpu.memref_slice %arg14[%add3A_16, %dma_start3A_49] : memref<10000x64xf32, #tpu.memory_space<vmem_shared>> -> memref<125x64xf32, #tpu.memory_space<vmem_shared>>
      %dma_start3A_51 = arith.constant 0 : i32
      %dma_start3A_52 = arith.constant 0 : i32
      %dma_start3A_53 = tpu.memref_slice %arg10[%dma_start3A_51, %dma_start3A_52] : memref<128x64xf32, #tpu.memory_space<vmem>> -> memref<125x64xf32, #tpu.memory_space<vmem>>
      tpu.enqueue_dma source(%dma_start3A_53 : memref<125x64xf32, #tpu.memory_space<vmem>>) target(%dma_start3A_50 : memref<125x64xf32, #tpu.memory_space<vmem_shared>>) target_semaphore(%run_scoped3A : memref<!tpu.dma_semaphore, #tpu.memory_space<semaphore_mem>>)
      %dma_wait3A = arith.constant 0 : i32
      %dma_wait3A_54 = arith.constant 0 : i32
      %dma_wait3A_55 = tpu.memref_slice %arg10[%dma_wait3A, %dma_wait3A_54] : memref<128x64xf32, #tpu.memory_space<vmem>> -> memref<125x64xf32, #tpu.memory_space<vmem>>
      %dma_wait3A_56 = arith.constant 0 : i32
      %dma_wait3A_57 = tpu.memref_slice %arg14[%add3A_16, %dma_wait3A_56] : memref<10000x64xf32, #tpu.memory_space<vmem_shared>> -> memref<125x64xf32, #tpu.memory_space<vmem_shared>>
      %dma_wait3A_58 = arith.constant 0 : i32
      %dma_wait3A_59 = tpu.memref_slice %arg14[%add3A_16, %dma_wait3A_58] : memref<10000x64xf32, #tpu.memory_space<vmem_shared>> -> memref<125x64xf32, #tpu.memory_space<vmem_shared>>
      %dma_wait3A_60 = arith.constant 0 : i32
      %dma_wait3A_61 = arith.constant 0 : i32
      %dma_wait3A_62 = tpu.memref_slice %arg10[%dma_wait3A_60, %dma_wait3A_61] : memref<128x64xf32, #tpu.memory_space<vmem>> -> memref<125x64xf32, #tpu.memory_space<vmem>>
      tpu.wait_dma2 semaphore(%run_scoped3A : memref<!tpu.dma_semaphore, #tpu.memory_space<semaphore_mem>>) src(%dma_wait3A_62 : memref<125x64xf32, #tpu.memory_space<vmem>>) dst(%dma_wait3A_59 : memref<125x64xf32, #tpu.memory_space<vmem_shared>>)
      tpu.yield
    }) : () -> ()
    %barrier3A = arith.constant 0 : index
    tpu.barrier barrier_id(%barrier3A)
    %scan3A_17 = arith.constant 0 : i32
    %scan3A_18 = arith.constant 0 : i32
    %scan3A_19 = arith.constant 20 : i32
    %scan3A_20 = arith.addi %scan3A_18, %scan3A_19 : i32
    %scan3A_21 = arith.constant 1 : i32
    %scan3A_22 = scf.for %scan3A_45 = %scan3A_18 to %scan3A_20 step %scan3A_21 iter_args(%scan3A_46 = %scan3A_17) -> (i32)  : i32 {
      %mul3A_47 = arith.constant 160 : i32
      %mul3A_48 = arith.muli %arg1, %mul3A_47 : i32
      %mul3A_49 = arith.constant 8 : i32
      %mul3A_50 = arith.muli %scan3A_45, %mul3A_49 : i32
      %add3A_51 = arith.addi %mul3A_48, %mul3A_50 : i32
      %mul3A_52 = arith.constant 32 : i32
      %mul3A_53 = arith.muli %add3A_51, %mul3A_52 : i32
      "tpu.region"() ({
        %run_scoped3A = tpu.sem_alloc : memref<!tpu.dma_semaphore, #tpu.memory_space<semaphore_mem>>
        %dma_start3A_95 = arith.constant 0 : i32
        %dma_start3A_96 = tpu.memref_slice %arg3[%arg0, %add3A_51, %dma_start3A_95] : memref<2x2560x128xi32, #tpu.memory_space<hbm>> -> memref<1x8x128xi32, #tpu.memory_space<hbm>>
        %dma_start3A_97 = tpu.memref_squeeze %dma_start3A_96 : memref<1x8x128xi32, #tpu.memory_space<hbm>> -> memref<8x128xi32, #tpu.memory_space<hbm>>
        %dma_start3A_98 = arith.constant 0 : i32
        %dma_start3A_99 = tpu.memref_slice %arg3[%arg0, %add3A_51, %dma_start3A_98] : memref<2x2560x128xi32, #tpu.memory_space<hbm>> -> memref<1x8x128xi32, #tpu.memory_space<hbm>>
        %dma_start3A_100 = tpu.memref_squeeze %dma_start3A_99 : memref<1x8x128xi32, #tpu.memory_space<hbm>> -> memref<8x128xi32, #tpu.memory_space<hbm>>
        tpu.enqueue_dma source(%dma_start3A_100 : memref<8x128xi32, #tpu.memory_space<hbm>>) target(%arg7 : memref<8x128xi32, #tpu.memory_space<vmem>>) target_semaphore(%run_scoped3A : memref<!tpu.dma_semaphore, #tpu.memory_space<semaphore_mem>>)
        %dma_wait3A_101 = arith.constant 0 : i32
        %dma_wait3A_102 = tpu.memref_slice %arg3[%arg0, %add3A_51, %dma_wait3A_101] : memref<2x2560x128xi32, #tpu.memory_space<hbm>> -> memref<1x8x128xi32, #tpu.memory_space<hbm>>
        %dma_wait3A_103 = tpu.memref_squeeze %dma_wait3A_102 : memref<1x8x128xi32, #tpu.memory_space<hbm>> -> memref<8x128xi32, #tpu.memory_space<hbm>>
        %dma_wait3A_104 = arith.constant 0 : i32
        %dma_wait3A_105 = tpu.memref_slice %arg3[%arg0, %add3A_51, %dma_wait3A_104] : memref<2x2560x128xi32, #tpu.memory_space<hbm>> -> memref<1x8x128xi32, #tpu.memory_space<hbm>>
        %dma_wait3A_106 = tpu.memref_squeeze %dma_wait3A_105 : memref<1x8x128xi32, #tpu.memory_space<hbm>> -> memref<8x128xi32, #tpu.memory_space<hbm>>
        tpu.wait_dma2 semaphore(%run_scoped3A : memref<!tpu.dma_semaphore, #tpu.memory_space<semaphore_mem>>) src(%dma_wait3A_106 : memref<8x128xi32, #tpu.memory_space<hbm>>) dst(%arg7 : memref<8x128xi32, #tpu.memory_space<vmem>>)
        tpu.yield
      }) : () -> ()
      "tpu.region"() ({
        %run_scoped3A = tpu.sem_alloc : memref<!tpu.dma_semaphore, #tpu.memory_space<semaphore_mem>>
        %dma_start3A_95 = arith.constant 0 : i32
        %dma_start3A_96 = tpu.memref_slice %arg4[%add3A_51, %dma_start3A_95] : memref<2560x128xi32, #tpu.memory_space<hbm>> -> memref<8x128xi32, #tpu.memory_space<hbm>>
        %dma_start3A_97 = arith.constant 0 : i32
        %dma_start3A_98 = tpu.memref_slice %arg4[%add3A_51, %dma_start3A_97] : memref<2560x128xi32, #tpu.memory_space<hbm>> -> memref<8x128xi32, #tpu.memory_space<hbm>>
        tpu.enqueue_dma source(%dma_start3A_98 : memref<8x128xi32, #tpu.memory_space<hbm>>) target(%arg8 : memref<8x128xi32, #tpu.memory_space<vmem>>) target_semaphore(%run_scoped3A : memref<!tpu.dma_semaphore, #tpu.memory_space<semaphore_mem>>)
        %dma_wait3A_99 = arith.constant 0 : i32
        %dma_wait3A_100 = tpu.memref_slice %arg4[%add3A_51, %dma_wait3A_99] : memref<2560x128xi32, #tpu.memory_space<hbm>> -> memref<8x128xi32, #tpu.memory_space<hbm>>
        %dma_wait3A_101 = arith.constant 0 : i32
        %dma_wait3A_102 = tpu.memref_slice %arg4[%add3A_51, %dma_wait3A_101] : memref<2560x128xi32, #tpu.memory_space<hbm>> -> memref<8x128xi32, #tpu.memory_space<hbm>>
        tpu.wait_dma2 semaphore(%run_scoped3A : memref<!tpu.dma_semaphore, #tpu.memory_space<semaphore_mem>>) src(%dma_wait3A_102 : memref<8x128xi32, #tpu.memory_space<hbm>>) dst(%arg8 : memref<8x128xi32, #tpu.memory_space<vmem>>)
        tpu.yield
      }) : () -> ()
      "tpu.region"() ({
        %run_scoped3A = tpu.sem_alloc : memref<!tpu.dma_semaphore, #tpu.memory_space<semaphore_mem>>
        %dma_start3A_95 = arith.constant 0 : i32
        %dma_start3A_96 = tpu.memref_slice %arg5[%arg0, %mul3A_53, %dma_start3A_95] : memref<2x81920x16xf32, #tpu.memory_space<hbm>> -> memref<1x256x16xf32, #tpu.memory_space<hbm>>
        %dma_start3A_97 = tpu.memref_squeeze %dma_start3A_96 : memref<1x256x16xf32, #tpu.memory_space<hbm>> -> memref<256x16xf32, #tpu.memory_space<hbm>>
        %dma_start3A_98 = arith.constant 0 : i32
        %dma_start3A_99 = tpu.memref_slice %arg5[%arg0, %mul3A_53, %dma_start3A_98] : memref<2x81920x16xf32, #tpu.memory_space<hbm>> -> memref<1x256x16xf32, #tpu.memory_space<hbm>>
        %dma_start3A_100 = tpu.memref_squeeze %dma_start3A_99 : memref<1x256x16xf32, #tpu.memory_space<hbm>> -> memref<256x16xf32, #tpu.memory_space<hbm>>
        tpu.enqueue_dma source(%dma_start3A_100 : memref<256x16xf32, #tpu.memory_space<hbm>>) target(%arg9 : memref<256x16xf32, #tpu.memory_space<vmem>>) target_semaphore(%run_scoped3A : memref<!tpu.dma_semaphore, #tpu.memory_space<semaphore_mem>>)
        %dma_wait3A_101 = arith.constant 0 : i32
        %dma_wait3A_102 = tpu.memref_slice %arg5[%arg0, %mul3A_53, %dma_wait3A_101] : memref<2x81920x16xf32, #tpu.memory_space<hbm>> -> memref<1x256x16xf32, #tpu.memory_space<hbm>>
        %dma_wait3A_103 = tpu.memref_squeeze %dma_wait3A_102 : memref<1x256x16xf32, #tpu.memory_space<hbm>> -> memref<256x16xf32, #tpu.memory_space<hbm>>
        %dma_wait3A_104 = arith.constant 0 : i32
        %dma_wait3A_105 = tpu.memref_slice %arg5[%arg0, %mul3A_53, %dma_wait3A_104] : memref<2x81920x16xf32, #tpu.memory_space<hbm>> -> memref<1x256x16xf32, #tpu.memory_space<hbm>>
        %dma_wait3A_106 = tpu.memref_squeeze %dma_wait3A_105 : memref<1x256x16xf32, #tpu.memory_space<hbm>> -> memref<256x16xf32, #tpu.memory_space<hbm>>
        tpu.wait_dma2 semaphore(%run_scoped3A : memref<!tpu.dma_semaphore, #tpu.memory_space<semaphore_mem>>) src(%dma_wait3A_106 : memref<256x16xf32, #tpu.memory_space<hbm>>) dst(%arg9 : memref<256x16xf32, #tpu.memory_space<vmem>>)
        tpu.yield
      }) : () -> ()
      %dma_start3A = arith.constant 0 : i32
      %dma_start3A_54 = arith.constant 0 : i32
      %dma_start3A_55 = tpu.memref_slice %arg7[%dma_start3A, %dma_start3A_54] : memref<8x128xi32, #tpu.memory_space<vmem>> -> memref<1x128xi32, #tpu.memory_space<vmem>>
      %dma_start3A_56 = tpu.memref_squeeze %dma_start3A_55 : memref<1x128xi32, #tpu.memory_space<vmem>> -> memref<128xi32, #tpu.memory_space<vmem>>
      %dma_start3A_57 = arith.constant 0 : i32
      %dma_start3A_58 = arith.constant 0 : i32
      %dma_start3A_59 = tpu.memref_slice %arg2[%dma_start3A_57, %dma_start3A_58] : memref<20000x64xf32, #tpu.memory_space<hbm>> -> memref<20000x64xf32, #tpu.memory_space<hbm>>
      tpu.enqueue_indirect_dma source(%dma_start3A_59 : memref<20000x64xf32, #tpu.memory_space<hbm>>) target(%arg10 : memref<128x64xf32, #tpu.memory_space<vmem>>) offsets(%dma_start3A_56 : memref<128xi32, #tpu.memory_space<vmem>>) semaphore(%arg15 : memref<!tpu.dma_semaphore, #tpu.memory_space<semaphore_mem>>)
      %scan3A_60 = arith.constant 0 : i32
      %scan3A_61 = arith.constant 0 : i32
      %scan3A_62 = arith.constant 2 : i32
      %scan3A_63 = arith.addi %scan3A_61, %scan3A_62 : i32
      %scan3A_64 = arith.constant 1 : i32
      %scan3A_65 = scf.for %scan3A_95 = %scan3A_61 to %scan3A_63 step %scan3A_64 iter_args(%scan3A_96 = %scan3A_60) -> (i32)  : i32 {
        %mul3A_97 = arith.constant 4 : i32
        %mul3A_98 = arith.muli %scan3A_95, %mul3A_97 : i32
        %add3A_99 = arith.constant 0 : i32
        %add3A_100 = arith.addi %mul3A_98, %add3A_99 : i32
        %ge3A = arith.constant 3 : i32
        %ge3A_101 = arith.cmpi sge, %add3A_100, %ge3A : i32
        %lt3A = arith.constant 7 : i32
        %lt3A_102 = arith.cmpi slt, %add3A_100, %lt3A : i32
        %and3A = arith.andi %ge3A_101, %lt3A_102 : i1
        %convert_element_type3A = arith.extui %and3A : i1 to i32
        %cond3A = arith.constant 0 : i32
        %cond3A_103 = arith.cmpi ne, %convert_element_type3A, %cond3A : i32
        scf.if %cond3A_103 {
          %sub3A = arith.constant 3 : i32
          %sub3A_237 = arith.subi %add3A_100, %sub3A : i32
          %dma_wait3A_238 = arith.constant 0 : i32
          %dma_wait3A_239 = tpu.memref_slice %arg8[%sub3A_237, %dma_wait3A_238] : memref<8x128xi32, #tpu.memory_space<vmem>> -> memref<1x128xi32, #tpu.memory_space<vmem>>
          %dma_wait3A_240 = tpu.memref_squeeze %dma_wait3A_239 : memref<1x128xi32, #tpu.memory_space<vmem>> -> memref<128xi32, #tpu.memory_space<vmem>>
          %dma_wait3A_241 = arith.constant 0 : i32
          %dma_wait3A_242 = arith.constant 0 : i32
          %dma_wait3A_243 = tpu.memref_slice %arg14[%dma_wait3A_241, %dma_wait3A_242] : memref<10000x64xf32, #tpu.memory_space<vmem_shared>> -> memref<10000x64xf32, #tpu.memory_space<vmem_shared>>
          tpu.wait_indirect_dma semaphore(%arg20 : memref<!tpu.dma_semaphore, #tpu.memory_space<semaphore_mem>>) src(%arg11 : memref<128x64xf32, #tpu.memory_space<vmem>>) dst(%dma_wait3A_243 : memref<10000x64xf32, #tpu.memory_space<vmem_shared>>)
        } else {
        }
        %lt3A_104 = arith.constant 7 : i32
        %lt3A_105 = arith.cmpi slt, %add3A_100, %lt3A_104 : i32
        %convert_element_type3A_106 = arith.extui %lt3A_105 : i1 to i32
        %cond3A_107 = arith.constant 0 : i32
        %cond3A_108 = arith.cmpi ne, %convert_element_type3A_106, %cond3A_107 : i32
        scf.if %cond3A_108 {
          %add3A_237 = arith.constant 1 : i32
          %add3A_238 = arith.addi %add3A_100, %add3A_237 : i32
          %dma_start3A_239 = arith.constant 0 : i32
          %dma_start3A_240 = tpu.memref_slice %arg7[%add3A_238, %dma_start3A_239] : memref<8x128xi32, #tpu.memory_space<vmem>> -> memref<1x128xi32, #tpu.memory_space<vmem>>
          %dma_start3A_241 = tpu.memref_squeeze %dma_start3A_240 : memref<1x128xi32, #tpu.memory_space<vmem>> -> memref<128xi32, #tpu.memory_space<vmem>>
          %dma_start3A_242 = arith.constant 0 : i32
          %dma_start3A_243 = arith.constant 0 : i32
          %dma_start3A_244 = tpu.memref_slice %arg2[%dma_start3A_242, %dma_start3A_243] : memref<20000x64xf32, #tpu.memory_space<hbm>> -> memref<20000x64xf32, #tpu.memory_space<hbm>>
          tpu.enqueue_indirect_dma source(%dma_start3A_244 : memref<20000x64xf32, #tpu.memory_space<hbm>>) target(%arg11 : memref<128x64xf32, #tpu.memory_space<vmem>>) offsets(%dma_start3A_241 : memref<128xi32, #tpu.memory_space<vmem>>) semaphore(%arg16 : memref<!tpu.dma_semaphore, #tpu.memory_space<semaphore_mem>>)
        } else {
        }
        %dma_wait3A_109 = arith.constant 0 : i32
        %dma_wait3A_110 = tpu.memref_slice %arg7[%add3A_100, %dma_wait3A_109] : memref<8x128xi32, #tpu.memory_space<vmem>> -> memref<1x128xi32, #tpu.memory_space<vmem>>
        %dma_wait3A_111 = tpu.memref_squeeze %dma_wait3A_110 : memref<1x128xi32, #tpu.memory_space<vmem>> -> memref<128xi32, #tpu.memory_space<vmem>>
        %dma_wait3A_112 = arith.constant 0 : i32
        %dma_wait3A_113 = arith.constant 0 : i32
        %dma_wait3A_114 = tpu.memref_slice %arg2[%dma_wait3A_112, %dma_wait3A_113] : memref<20000x64xf32, #tpu.memory_space<hbm>> -> memref<20000x64xf32, #tpu.memory_space<hbm>>
        tpu.wait_indirect_dma semaphore(%arg15 : memref<!tpu.dma_semaphore, #tpu.memory_space<semaphore_mem>>) src(%dma_wait3A_114 : memref<20000x64xf32, #tpu.memory_space<hbm>>) dst(%arg10 : memref<128x64xf32, #tpu.memory_space<vmem>>)
        %scan3A_115 = arith.constant 0 : i32
        %scan3A_116 = arith.constant 0 : i32
        %scan3A_117 = arith.constant 32 : i32
        %scan3A_118 = arith.addi %scan3A_116, %scan3A_117 : i32
        %scan3A_119 = arith.constant 1 : i32
        %scan3A_120 = scf.for %scan3A_237 = %scan3A_116 to %scan3A_118 step %scan3A_119 iter_args(%scan3A_238 = %scan3A_115) -> (i32)  : i32 {
          %mul3A_239 = arith.constant 32 : i32
          %mul3A_240 = arith.muli %add3A_100, %mul3A_239 : i32
          %add3A_241 = arith.addi %mul3A_240, %scan3A_237 : i32
          %get3A = arith.index_cast %add3A_241 : i32 to index
          %get3A_242 = arith.constant 0 : index
          %get3A_243 = tpu.vector_load %arg9[%get3A, %get3A_242] {strides = array<i32>} : memref<256x16xf32, #tpu.memory_space<vmem>>, vector<1x16xf32>,
          %get3A_244 = vector.shape_cast %get3A_243 : vector<1x16xf32> to vector<16xf32>
          %mul3A_245 = arith.constant 4 : i32
          %mul3A_246 = arith.muli %scan3A_237, %mul3A_245 : i32
          %add3A_247 = arith.constant 0 : i32
          %add3A_248 = arith.addi %mul3A_246, %add3A_247 : i32
          %broadcast_in_dim3A_249 = arith.constant 0 : i32
          %broadcast_in_dim3A_250 = vector.broadcast %broadcast_in_dim3A_249 : i32 to vector<16x1xi32>
          %gather3A = vector.shape_cast %broadcast_in_dim3A_250 : vector<16x1xi32> to vector<16xi32>
          %gather3A_251 = tpu.dynamic_gather %get3A_244[%gather3A] in [0] : vector<16xf32>, vector<16xi32> -> vector<16xf32>
          %get3A_252 = arith.index_cast %add3A_248 : i32 to index
          %get3A_253 = arith.constant 0 : index
          %get3A_254 = tpu.vector_load %arg10[%get3A_252, %get3A_253] {strides = array<i32>} : memref<128x64xf32, #tpu.memory_space<vmem>>, vector<1x16xf32>,
          %get3A_255 = vector.shape_cast %get3A_254 : vector<1x16xf32> to vector<16xf32>
          %mul3A_256 = arith.mulf %get3A_255, %gather3A_251 : vector<16xf32>
          %swap3A = arith.index_cast %add3A_248 : i32 to index
          %swap3A_257 = arith.constant 0 : index
          %swap3A_258 = tpu.vector_load %arg10[%swap3A, %swap3A_257] {strides = array<i32>} : memref<128x64xf32, #tpu.memory_space<vmem>>, vector<1x16xf32>,
          %swap3A_259 = vector.shape_cast %swap3A_258 : vector<1x16xf32> to vector<16xf32>
          %swap3A_260 = vector.shape_cast %mul3A_256 : vector<16xf32> to vector<1x16xf32>
          tpu.vector_store %arg10[%swap3A, %swap3A_257], %swap3A_260 {strides = array<i32>} : memref<128x64xf32, #tpu.memory_space<vmem>>, vector<1x16xf32>,
          %broadcast_in_dim3A_261 = arith.constant 1 : i32
          %broadcast_in_dim3A_262 = vector.broadcast %broadcast_in_dim3A_261 : i32 to vector<16x1xi32>
          %gather3A_263 = vector.shape_cast %broadcast_in_dim3A_262 : vector<16x1xi32> to vector<16xi32>
          %gather3A_264 = tpu.dynamic_gather %get3A_244[%gather3A_263] in [0] : vector<16xf32>, vector<16xi32> -> vector<16xf32>
          %get3A_265 = arith.index_cast %add3A_248 : i32 to index
          %get3A_266 = arith.constant 16 : index
          %get3A_267 = tpu.vector_load %arg10[%get3A_265, %get3A_266] {strides = array<i32>} : memref<128x64xf32, #tpu.memory_space<vmem>>, vector<1x16xf32>,
          %get3A_268 = vector.shape_cast %get3A_267 : vector<1x16xf32> to vector<16xf32>
          %mul3A_269 = arith.mulf %get3A_268, %gather3A_264 : vector<16xf32>
          %swap3A_270 = arith.index_cast %add3A_248 : i32 to index
          %swap3A_271 = arith.constant 16 : index
          %swap3A_272 = tpu.vector_load %arg10[%swap3A_270, %swap3A_271] {strides = array<i32>} : memref<128x64xf32, #tpu.memory_space<vmem>>, vector<1x16xf32>,
          %swap3A_273 = vector.shape_cast %swap3A_272 : vector<1x16xf32> to vector<16xf32>
          %swap3A_274 = vector.shape_cast %mul3A_269 : vector<16xf32> to vector<1x16xf32>
          tpu.vector_store %arg10[%swap3A_270, %swap3A_271], %swap3A_274 {strides = array<i32>} : memref<128x64xf32, #tpu.memory_space<vmem>>, vector<1x16xf32>,
          %broadcast_in_dim3A_275 = arith.constant 2 : i32
          %broadcast_in_dim3A_276 = vector.broadcast %broadcast_in_dim3A_275 : i32 to vector<16x1xi32>
          %gather3A_277 = vector.shape_cast %broadcast_in_dim3A_276 : vector<16x1xi32> to vector<16xi32>
          %gather3A_278 = tpu.dynamic_gather %get3A_244[%gather3A_277] in [0] : vector<16xf32>, vector<16xi32> -> vector<16xf32>
          %get3A_279 = arith.index_cast %add3A_248 : i32 to index
          %get3A_280 = arith.constant 32 : index
          %get3A_281 = tpu.vector_load %arg10[%get3A_279, %get3A_280] {strides = array<i32>} : memref<128x64xf32, #tpu.memory_space<vmem>>, vector<1x16xf32>,
          %get3A_282 = vector.shape_cast %get3A_281 : vector<1x16xf32> to vector<16xf32>
          %mul3A_283 = arith.mulf %get3A_282, %gather3A_278 : vector<16xf32>
          %swap3A_284 = arith.index_cast %add3A_248 : i32 to index
          %swap3A_285 = arith.constant 32 : index
          %swap3A_286 = tpu.vector_load %arg10[%swap3A_284, %swap3A_285] {strides = array<i32>} : memref<128x64xf32, #tpu.memory_space<vmem>>, vector<1x16xf32>,
          %swap3A_287 = vector.shape_cast %swap3A_286 : vector<1x16xf32> to vector<16xf32>
          %swap3A_288 = vector.shape_cast %mul3A_283 : vector<16xf32> to vector<1x16xf32>
          tpu.vector_store %arg10[%swap3A_284, %swap3A_285], %swap3A_288 {strides = array<i32>} : memref<128x64xf32, #tpu.memory_space<vmem>>, vector<1x16xf32>,
          %broadcast_in_dim3A_289 = arith.constant 3 : i32
          %broadcast_in_dim3A_290 = vector.broadcast %broadcast_in_dim3A_289 : i32 to vector<16x1xi32>
          %gather3A_291 = vector.shape_cast %broadcast_in_dim3A_290 : vector<16x1xi32> to vector<16xi32>
          %gather3A_292 = tpu.dynamic_gather %get3A_244[%gather3A_291] in [0] : vector<16xf32>, vector<16xi32> -> vector<16xf32>
          %get3A_293 = arith.index_cast %add3A_248 : i32 to index
          %get3A_294 = arith.constant 48 : index
          %get3A_295 = tpu.vector_load %arg10[%get3A_293, %get3A_294] {strides = array<i32>} : memref<128x64xf32, #tpu.memory_space<vmem>>, vector<1x16xf32>,
          %get3A_296 = vector.shape_cast %get3A_295 : vector<1x16xf32> to vector<16xf32>
          %mul3A_297 = arith.mulf %get3A_296, %gather3A_292 : vector<16xf32>
          %swap3A_298 = arith.index_cast %add3A_248 : i32 to index
          %swap3A_299 = arith.constant 48 : index
          %swap3A_300 = tpu.vector_load %arg10[%swap3A_298, %swap3A_299] {strides = array<i32>} : memref<128x64xf32, #tpu.memory_space<vmem>>, vector<1x16xf32>,
          %swap3A_301 = vector.shape_cast %swap3A_300 : vector<1x16xf32> to vector<16xf32>
          %swap3A_302 = vector.shape_cast %mul3A_297 : vector<16xf32> to vector<1x16xf32>
          tpu.vector_store %arg10[%swap3A_298, %swap3A_299], %swap3A_302 {strides = array<i32>} : memref<128x64xf32, #tpu.memory_space<vmem>>, vector<1x16xf32>,
          %mul3A_303 = arith.constant 4 : i32
          %mul3A_304 = arith.muli %scan3A_237, %mul3A_303 : i32
          %add3A_305 = arith.constant 1 : i32
          %add3A_306 = arith.addi %mul3A_304, %add3A_305 : i32
          %broadcast_in_dim3A_307 = arith.constant 4 : i32
          %broadcast_in_dim3A_308 = vector.broadcast %broadcast_in_dim3A_307 : i32 to vector<16x1xi32>
          %gather3A_309 = vector.shape_cast %broadcast_in_dim3A_308 : vector<16x1xi32> to vector<16xi32>
          %gather3A_310 = tpu.dynamic_gather %get3A_244[%gather3A_309] in [0] : vector<16xf32>, vector<16xi32> -> vector<16xf32>
          %get3A_311 = arith.index_cast %add3A_306 : i32 to index
          %get3A_312 = arith.constant 0 : index
          %get3A_313 = tpu.vector_load %arg10[%get3A_311, %get3A_312] {strides = array<i32>} : memref<128x64xf32, #tpu.memory_space<vmem>>, vector<1x16xf32>,
          %get3A_314 = vector.shape_cast %get3A_313 : vector<1x16xf32> to vector<16xf32>
          %mul3A_315 = arith.mulf %get3A_314, %gather3A_310 : vector<16xf32>
          %swap3A_316 = arith.index_cast %add3A_306 : i32 to index
          %swap3A_317 = arith.constant 0 : index
          %swap3A_318 = tpu.vector_load %arg10[%swap3A_316, %swap3A_317] {strides = array<i32>} : memref<128x64xf32, #tpu.memory_space<vmem>>, vector<1x16xf32>,
          %swap3A_319 = vector.shape_cast %swap3A_318 : vector<1x16xf32> to vector<16xf32>
          %swap3A_320 = vector.shape_cast %mul3A_315 : vector<16xf32> to vector<1x16xf32>
          tpu.vector_store %arg10[%swap3A_316, %swap3A_317], %swap3A_320 {strides = array<i32>} : memref<128x64xf32, #tpu.memory_space<vmem>>, vector<1x16xf32>,
          %broadcast_in_dim3A_321 = arith.constant 5 : i32
          %broadcast_in_dim3A_322 = vector.broadcast %broadcast_in_dim3A_321 : i32 to vector<16x1xi32>
          %gather3A_323 = vector.shape_cast %broadcast_in_dim3A_322 : vector<16x1xi32> to vector<16xi32>
          %gather3A_324 = tpu.dynamic_gather %get3A_244[%gather3A_323] in [0] : vector<16xf32>, vector<16xi32> -> vector<16xf32>
          %get3A_325 = arith.index_cast %add3A_306 : i32 to index
          %get3A_326 = arith.constant 16 : index
          %get3A_327 = tpu.vector_load %arg10[%get3A_325, %get3A_326] {strides = array<i32>} : memref<128x64xf32, #tpu.memory_space<vmem>>, vector<1x16xf32>,
          %get3A_328 = vector.shape_cast %get3A_327 : vector<1x16xf32> to vector<16xf32>
          %mul3A_329 = arith.mulf %get3A_328, %gather3A_324 : vector<16xf32>
          %swap3A_330 = arith.index_cast %add3A_306 : i32 to index
          %swap3A_331 = arith.constant 16 : index
          %swap3A_332 = tpu.vector_load %arg10[%swap3A_330, %swap3A_331] {strides = array<i32>} : memref<128x64xf32, #tpu.memory_space<vmem>>, vector<1x16xf32>,
          %swap3A_333 = vector.shape_cast %swap3A_332 : vector<1x16xf32> to vector<16xf32>
          %swap3A_334 = vector.shape_cast %mul3A_329 : vector<16xf32> to vector<1x16xf32>
          tpu.vector_store %arg10[%swap3A_330, %swap3A_331], %swap3A_334 {strides = array<i32>} : memref<128x64xf32, #tpu.memory_space<vmem>>, vector<1x16xf32>,
          %broadcast_in_dim3A_335 = arith.constant 6 : i32
          %broadcast_in_dim3A_336 = vector.broadcast %broadcast_in_dim3A_335 : i32 to vector<16x1xi32>
          %gather3A_337 = vector.shape_cast %broadcast_in_dim3A_336 : vector<16x1xi32> to vector<16xi32>
          %gather3A_338 = tpu.dynamic_gather %get3A_244[%gather3A_337] in [0] : vector<16xf32>, vector<16xi32> -> vector<16xf32>
          %get3A_339 = arith.index_cast %add3A_306 : i32 to index
          %get3A_340 = arith.constant 32 : index
          %get3A_341 = tpu.vector_load %arg10[%get3A_339, %get3A_340] {strides = array<i32>} : memref<128x64xf32, #tpu.memory_space<vmem>>, vector<1x16xf32>,
          %get3A_342 = vector.shape_cast %get3A_341 : vector<1x16xf32> to vector<16xf32>
          %mul3A_343 = arith.mulf %get3A_342, %gather3A_338 : vector<16xf32>
          %swap3A_344 = arith.index_cast %add3A_306 : i32 to index
          %swap3A_345 = arith.constant 32 : index
          %swap3A_346 = tpu.vector_load %arg10[%swap3A_344, %swap3A_345] {strides = array<i32>} : memref<128x64xf32, #tpu.memory_space<vmem>>, vector<1x16xf32>,
          %swap3A_347 = vector.shape_cast %swap3A_346 : vector<1x16xf32> to vector<16xf32>
          %swap3A_348 = vector.shape_cast %mul3A_343 : vector<16xf32> to vector<1x16xf32>
          tpu.vector_store %arg10[%swap3A_344, %swap3A_345], %swap3A_348 {strides = array<i32>} : memref<128x64xf32, #tpu.memory_space<vmem>>, vector<1x16xf32>,
          %broadcast_in_dim3A_349 = arith.constant 7 : i32
          %broadcast_in_dim3A_350 = vector.broadcast %broadcast_in_dim3A_349 : i32 to vector<16x1xi32>
          %gather3A_351 = vector.shape_cast %broadcast_in_dim3A_350 : vector<16x1xi32> to vector<16xi32>
          %gather3A_352 = tpu.dynamic_gather %get3A_244[%gather3A_351] in [0] : vector<16xf32>, vector<16xi32> -> vector<16xf32>
          %get3A_353 = arith.index_cast %add3A_306 : i32 to index
          %get3A_354 = arith.constant 48 : index
          %get3A_355 = tpu.vector_load %arg10[%get3A_353, %get3A_354] {strides = array<i32>} : memref<128x64xf32, #tpu.memory_space<vmem>>, vector<1x16xf32>,
          %get3A_356 = vector.shape_cast %get3A_355 : vector<1x16xf32> to vector<16xf32>
          %mul3A_357 = arith.mulf %get3A_356, %gather3A_352 : vector<16xf32>
          %swap3A_358 = arith.index_cast %add3A_306 : i32 to index
          %swap3A_359 = arith.constant 48 : index
          %swap3A_360 = tpu.vector_load %arg10[%swap3A_358, %swap3A_359] {strides = array<i32>} : memref<128x64xf32, #tpu.memory_space<vmem>>, vector<1x16xf32>,
          %swap3A_361 = vector.shape_cast %swap3A_360 : vector<1x16xf32> to vector<16xf32>
          %swap3A_362 = vector.shape_cast %mul3A_357 : vector<16xf32> to vector<1x16xf32>
          tpu.vector_store %arg10[%swap3A_358, %swap3A_359], %swap3A_362 {strides = array<i32>} : memref<128x64xf32, #tpu.memory_space<vmem>>, vector<1x16xf32>,
          %mul3A_363 = arith.constant 4 : i32
          %mul3A_364 = arith.muli %scan3A_237, %mul3A_363 : i32
          %add3A_365 = arith.constant 2 : i32
          %add3A_366 = arith.addi %mul3A_364, %add3A_365 : i32
          %broadcast_in_dim3A_367 = arith.constant 8 : i32
          %broadcast_in_dim3A_368 = vector.broadcast %broadcast_in_dim3A_367 : i32 to vector<16x1xi32>
          %gather3A_369 = vector.shape_cast %broadcast_in_dim3A_368 : vector<16x1xi32> to vector<16xi32>
          %gather3A_370 = tpu.dynamic_gather %get3A_244[%gather3A_369] in [0] : vector<16xf32>, vector<16xi32> -> vector<16xf32>
          %get3A_371 = arith.index_cast %add3A_366 : i32 to index
          %get3A_372 = arith.constant 0 : index
          %get3A_373 = tpu.vector_load %arg10[%get3A_371, %get3A_372] {strides = array<i32>} : memref<128x64xf32, #tpu.memory_space<vmem>>, vector<1x16xf32>,
          %get3A_374 = vector.shape_cast %get3A_373 : vector<1x16xf32> to vector<16xf32>
          %mul3A_375 = arith.mulf %get3A_374, %gather3A_370 : vector<16xf32>
          %swap3A_376 = arith.index_cast %add3A_366 : i32 to index
          %swap3A_377 = arith.constant 0 : index
          %swap3A_378 = tpu.vector_load %arg10[%swap3A_376, %swap3A_377] {strides = array<i32>} : memref<128x64xf32, #tpu.memory_space<vmem>>, vector<1x16xf32>,
          %swap3A_379 = vector.shape_cast %swap3A_378 : vector<1x16xf32> to vector<16xf32>
          %swap3A_380 = vector.shape_cast %mul3A_375 : vector<16xf32> to vector<1x16xf32>
          tpu.vector_store %arg10[%swap3A_376, %swap3A_377], %swap3A_380 {strides = array<i32>} : memref<128x64xf32, #tpu.memory_space<vmem>>, vector<1x16xf32>,
          %broadcast_in_dim3A_381 = arith.constant 9 : i32
          %broadcast_in_dim3A_382 = vector.broadcast %broadcast_in_dim3A_381 : i32 to vector<16x1xi32>
          %gather3A_383 = vector.shape_cast %broadcast_in_dim3A_382 : vector<16x1xi32> to vector<16xi32>
          %gather3A_384 = tpu.dynamic_gather %get3A_244[%gather3A_383] in [0] : vector<16xf32>, vector<16xi32> -> vector<16xf32>
          %get3A_385 = arith.index_cast %add3A_366 : i32 to index
          %get3A_386 = arith.constant 16 : index
          %get3A_387 = tpu.vector_load %arg10[%get3A_385, %get3A_386] {strides = array<i32>} : memref<128x64xf32, #tpu.memory_space<vmem>>, vector<1x16xf32>,
          %get3A_388 = vector.shape_cast %get3A_387 : vector<1x16xf32> to vector<16xf32>
          %mul3A_389 = arith.mulf %get3A_388, %gather3A_384 : vector<16xf32>
          %swap3A_390 = arith.index_cast %add3A_366 : i32 to index
          %swap3A_391 = arith.constant 16 : index
          %swap3A_392 = tpu.vector_load %arg10[%swap3A_390, %swap3A_391] {strides = array<i32>} : memref<128x64xf32, #tpu.memory_space<vmem>>, vector<1x16xf32>,
          %swap3A_393 = vector.shape_cast %swap3A_392 : vector<1x16xf32> to vector<16xf32>
          %swap3A_394 = vector.shape_cast %mul3A_389 : vector<16xf32> to vector<1x16xf32>
          tpu.vector_store %arg10[%swap3A_390, %swap3A_391], %swap3A_394 {strides = array<i32>} : memref<128x64xf32, #tpu.memory_space<vmem>>, vector<1x16xf32>,
          %broadcast_in_dim3A_395 = arith.constant 10 : i32
          %broadcast_in_dim3A_396 = vector.broadcast %broadcast_in_dim3A_395 : i32 to vector<16x1xi32>
          %gather3A_397 = vector.shape_cast %broadcast_in_dim3A_396 : vector<16x1xi32> to vector<16xi32>
          %gather3A_398 = tpu.dynamic_gather %get3A_244[%gather3A_397] in [0] : vector<16xf32>, vector<16xi32> -> vector<16xf32>
          %get3A_399 = arith.index_cast %add3A_366 : i32 to index
          %get3A_400 = arith.constant 32 : index
          %get3A_401 = tpu.vector_load %arg10[%get3A_399, %get3A_400] {strides = array<i32>} : memref<128x64xf32, #tpu.memory_space<vmem>>, vector<1x16xf32>,
          %get3A_402 = vector.shape_cast %get3A_401 : vector<1x16xf32> to vector<16xf32>
          %mul3A_403 = arith.mulf %get3A_402, %gather3A_398 : vector<16xf32>
          %swap3A_404 = arith.index_cast %add3A_366 : i32 to index
          %swap3A_405 = arith.constant 32 : index
          %swap3A_406 = tpu.vector_load %arg10[%swap3A_404, %swap3A_405] {strides = array<i32>} : memref<128x64xf32, #tpu.memory_space<vmem>>, vector<1x16xf32>,
          %swap3A_407 = vector.shape_cast %swap3A_406 : vector<1x16xf32> to vector<16xf32>
          %swap3A_408 = vector.shape_cast %mul3A_403 : vector<16xf32> to vector<1x16xf32>
          tpu.vector_store %arg10[%swap3A_404, %swap3A_405], %swap3A_408 {strides = array<i32>} : memref<128x64xf32, #tpu.memory_space<vmem>>, vector<1x16xf32>,
          %broadcast_in_dim3A_409 = arith.constant 11 : i32
          %broadcast_in_dim3A_410 = vector.broadcast %broadcast_in_dim3A_409 : i32 to vector<16x1xi32>
          %gather3A_411 = vector.shape_cast %broadcast_in_dim3A_410 : vector<16x1xi32> to vector<16xi32>
          %gather3A_412 = tpu.dynamic_gather %get3A_244[%gather3A_411] in [0] : vector<16xf32>, vector<16xi32> -> vector<16xf32>
          %get3A_413 = arith.index_cast %add3A_366 : i32 to index
          %get3A_414 = arith.constant 48 : index
          %get3A_415 = tpu.vector_load %arg10[%get3A_413, %get3A_414] {strides = array<i32>} : memref<128x64xf32, #tpu.memory_space<vmem>>, vector<1x16xf32>,
          %get3A_416 = vector.shape_cast %get3A_415 : vector<1x16xf32> to vector<16xf32>
          %mul3A_417 = arith.mulf %get3A_416, %gather3A_412 : vector<16xf32>
          %swap3A_418 = arith.index_cast %add3A_366 : i32 to index
          %swap3A_419 = arith.constant 48 : index
          %swap3A_420 = tpu.vector_load %arg10[%swap3A_418, %swap3A_419] {strides = array<i32>} : memref<128x64xf32, #tpu.memory_space<vmem>>, vector<1x16xf32>,
          %swap3A_421 = vector.shape_cast %swap3A_420 : vector<1x16xf32> to vector<16xf32>
          %swap3A_422 = vector.shape_cast %mul3A_417 : vector<16xf32> to vector<1x16xf32>
          tpu.vector_store %arg10[%swap3A_418, %swap3A_419], %swap3A_422 {strides = array<i32>} : memref<128x64xf32, #tpu.memory_space<vmem>>, vector<1x16xf32>,
          %mul3A_423 = arith.constant 4 : i32
          %mul3A_424 = arith.muli %scan3A_237, %mul3A_423 : i32
          %add3A_425 = arith.constant 3 : i32
          %add3A_426 = arith.addi %mul3A_424, %add3A_425 : i32
          %broadcast_in_dim3A_427 = arith.constant 12 : i32
          %broadcast_in_dim3A_428 = vector.broadcast %broadcast_in_dim3A_427 : i32 to vector<16x1xi32>
          %gather3A_429 = vector.shape_cast %broadcast_in_dim3A_428 : vector<16x1xi32> to vector<16xi32>
          %gather3A_430 = tpu.dynamic_gather %get3A_244[%gather3A_429] in [0] : vector<16xf32>, vector<16xi32> -> vector<16xf32>
          %get3A_431 = arith.index_cast %add3A_426 : i32 to index
          %get3A_432 = arith.constant 0 : index
          %get3A_433 = tpu.vector_load %arg10[%get3A_431, %get3A_432] {strides = array<i32>} : memref<128x64xf32, #tpu.memory_space<vmem>>, vector<1x16xf32>,
          %get3A_434 = vector.shape_cast %get3A_433 : vector<1x16xf32> to vector<16xf32>
          %mul3A_435 = arith.mulf %get3A_434, %gather3A_430 : vector<16xf32>
          %swap3A_436 = arith.index_cast %add3A_426 : i32 to index
          %swap3A_437 = arith.constant 0 : index
          %swap3A_438 = tpu.vector_load %arg10[%swap3A_436, %swap3A_437] {strides = array<i32>} : memref<128x64xf32, #tpu.memory_space<vmem>>, vector<1x16xf32>,
          %swap3A_439 = vector.shape_cast %swap3A_438 : vector<1x16xf32> to vector<16xf32>
          %swap3A_440 = vector.shape_cast %mul3A_435 : vector<16xf32> to vector<1x16xf32>
          tpu.vector_store %arg10[%swap3A_436, %swap3A_437], %swap3A_440 {strides = array<i32>} : memref<128x64xf32, #tpu.memory_space<vmem>>, vector<1x16xf32>,
          %broadcast_in_dim3A_441 = arith.constant 13 : i32
          %broadcast_in_dim3A_442 = vector.broadcast %broadcast_in_dim3A_441 : i32 to vector<16x1xi32>
          %gather3A_443 = vector.shape_cast %broadcast_in_dim3A_442 : vector<16x1xi32> to vector<16xi32>
          %gather3A_444 = tpu.dynamic_gather %get3A_244[%gather3A_443] in [0] : vector<16xf32>, vector<16xi32> -> vector<16xf32>
          %get3A_445 = arith.index_cast %add3A_426 : i32 to index
          %get3A_446 = arith.constant 16 : index
          %get3A_447 = tpu.vector_load %arg10[%get3A_445, %get3A_446] {strides = array<i32>} : memref<128x64xf32, #tpu.memory_space<vmem>>, vector<1x16xf32>,
          %get3A_448 = vector.shape_cast %get3A_447 : vector<1x16xf32> to vector<16xf32>
          %mul3A_449 = arith.mulf %get3A_448, %gather3A_444 : vector<16xf32>
          %swap3A_450 = arith.index_cast %add3A_426 : i32 to index
          %swap3A_451 = arith.constant 16 : index
          %swap3A_452 = tpu.vector_load %arg10[%swap3A_450, %swap3A_451] {strides = array<i32>} : memref<128x64xf32, #tpu.memory_space<vmem>>, vector<1x16xf32>,
          %swap3A_453 = vector.shape_cast %swap3A_452 : vector<1x16xf32> to vector<16xf32>
          %swap3A_454 = vector.shape_cast %mul3A_449 : vector<16xf32> to vector<1x16xf32>
          tpu.vector_store %arg10[%swap3A_450, %swap3A_451], %swap3A_454 {strides = array<i32>} : memref<128x64xf32, #tpu.memory_space<vmem>>, vector<1x16xf32>,
          %broadcast_in_dim3A_455 = arith.constant 14 : i32
          %broadcast_in_dim3A_456 = vector.broadcast %broadcast_in_dim3A_455 : i32 to vector<16x1xi32>
          %gather3A_457 = vector.shape_cast %broadcast_in_dim3A_456 : vector<16x1xi32> to vector<16xi32>
          %gather3A_458 = tpu.dynamic_gather %get3A_244[%gather3A_457] in [0] : vector<16xf32>, vector<16xi32> -> vector<16xf32>
          %get3A_459 = arith.index_cast %add3A_426 : i32 to index
          %get3A_460 = arith.constant 32 : index
          %get3A_461 = tpu.vector_load %arg10[%get3A_459, %get3A_460] {strides = array<i32>} : memref<128x64xf32, #tpu.memory_space<vmem>>, vector<1x16xf32>,
          %get3A_462 = vector.shape_cast %get3A_461 : vector<1x16xf32> to vector<16xf32>
          %mul3A_463 = arith.mulf %get3A_462, %gather3A_458 : vector<16xf32>
          %swap3A_464 = arith.index_cast %add3A_426 : i32 to index
          %swap3A_465 = arith.constant 32 : index
          %swap3A_466 = tpu.vector_load %arg10[%swap3A_464, %swap3A_465] {strides = array<i32>} : memref<128x64xf32, #tpu.memory_space<vmem>>, vector<1x16xf32>,
          %swap3A_467 = vector.shape_cast %swap3A_466 : vector<1x16xf32> to vector<16xf32>
          %swap3A_468 = vector.shape_cast %mul3A_463 : vector<16xf32> to vector<1x16xf32>
          tpu.vector_store %arg10[%swap3A_464, %swap3A_465], %swap3A_468 {strides = array<i32>} : memref<128x64xf32, #tpu.memory_space<vmem>>, vector<1x16xf32>,
          %broadcast_in_dim3A_469 = arith.constant 15 : i32
          %broadcast_in_dim3A_470 = vector.broadcast %broadcast_in_dim3A_469 : i32 to vector<16x1xi32>
          %gather3A_471 = vector.shape_cast %broadcast_in_dim3A_470 : vector<16x1xi32> to vector<16xi32>
          %gather3A_472 = tpu.dynamic_gather %get3A_244[%gather3A_471] in [0] : vector<16xf32>, vector<16xi32> -> vector<16xf32>
          %get3A_473 = arith.index_cast %add3A_426 : i32 to index
          %get3A_474 = arith.constant 48 : index
          %get3A_475 = tpu.vector_load %arg10[%get3A_473, %get3A_474] {strides = array<i32>} : memref<128x64xf32, #tpu.memory_space<vmem>>, vector<1x16xf32>,
          %get3A_476 = vector.shape_cast %get3A_475 : vector<1x16xf32> to vector<16xf32>
          %mul3A_477 = arith.mulf %get3A_476, %gather3A_472 : vector<16xf32>
          %swap3A_478 = arith.index_cast %add3A_426 : i32 to index
          %swap3A_479 = arith.constant 48 : index
          %swap3A_480 = tpu.vector_load %arg10[%swap3A_478, %swap3A_479] {strides = array<i32>} : memref<128x64xf32, #tpu.memory_space<vmem>>, vector<1x16xf32>,
          %swap3A_481 = vector.shape_cast %swap3A_480 : vector<1x16xf32> to vector<16xf32>
          %swap3A_482 = vector.shape_cast %mul3A_477 : vector<16xf32> to vector<1x16xf32>
          tpu.vector_store %arg10[%swap3A_478, %swap3A_479], %swap3A_482 {strides = array<i32>} : memref<128x64xf32, #tpu.memory_space<vmem>>, vector<1x16xf32>,
          %scan3A_483 = arith.constant 0 : i32
          scf.yield %scan3A_483 : i32
        }
        %scan3A_121 = arith.constant 32 : i32
        %dma_start3A_122 = arith.constant 0 : i32
        %dma_start3A_123 = tpu.memref_slice %arg8[%add3A_100, %dma_start3A_122] : memref<8x128xi32, #tpu.memory_space<vmem>> -> memref<1x128xi32, #tpu.memory_space<vmem>>
        %dma_start3A_124 = tpu.memref_squeeze %dma_start3A_123 : memref<1x128xi32, #tpu.memory_space<vmem>> -> memref<128xi32, #tpu.memory_space<vmem>>
        %dma_start3A_125 = arith.constant 0 : i32
        %dma_start3A_126 = arith.constant 0 : i32
        %dma_start3A_127 = tpu.memref_slice %arg14[%dma_start3A_125, %dma_start3A_126] : memref<10000x64xf32, #tpu.memory_space<vmem_shared>> -> memref<10000x64xf32, #tpu.memory_space<vmem_shared>>
        tpu.enqueue_indirect_dma source(%arg10 : memref<128x64xf32, #tpu.memory_space<vmem>>) target(%dma_start3A_127 : memref<10000x64xf32, #tpu.memory_space<vmem_shared>>) offsets(%dma_start3A_124 : memref<128xi32, #tpu.memory_space<vmem>>) semaphore(%arg19 : memref<!tpu.dma_semaphore, #tpu.memory_space<semaphore_mem>>) {add = true}
        %mul3A_128 = arith.constant 4 : i32
        %mul3A_129 = arith.muli %scan3A_95, %mul3A_128 : i32
        %add3A_130 = arith.constant 1 : i32
        %add3A_131 = arith.addi %mul3A_129, %add3A_130 : i32
        %ge3A_132 = arith.constant 3 : i32
        %ge3A_133 = arith.cmpi sge, %add3A_131, %ge3A_132 : i32
        %lt3A_134 = arith.constant 7 : i32
        %lt3A_135 = arith.cmpi slt, %add3A_131, %lt3A_134 : i32
        %and3A_136 = arith.andi %ge3A_133, %lt3A_135 : i1
        %convert_element_type3A_137 = arith.extui %and3A_136 : i1 to i32
        %cond3A_138 = arith.constant 0 : i32
        %cond3A_139 = arith.cmpi ne, %convert_element_type3A_137, %cond3A_138 : i32
        scf.if %cond3A_139 {
          %sub3A = arith.constant 3 : i32
          %sub3A_237 = arith.subi %add3A_131, %sub3A : i32
          %dma_wait3A_238 = arith.constant 0 : i32
          %dma_wait3A_239 = tpu.memref_slice %arg8[%sub3A_237, %dma_wait3A_238] : memref<8x128xi32, #tpu.memory_space<vmem>> -> memref<1x128xi32, #tpu.memory_space<vmem>>
          %dma_wait3A_240 = tpu.memref_squeeze %dma_wait3A_239 : memref<1x128xi32, #tpu.memory_space<vmem>> -> memref<128xi32, #tpu.memory_space<vmem>>
          %dma_wait3A_241 = arith.constant 0 : i32
          %dma_wait3A_242 = arith.constant 0 : i32
          %dma_wait3A_243 = tpu.memref_slice %arg14[%dma_wait3A_241, %dma_wait3A_242] : memref<10000x64xf32, #tpu.memory_space<vmem_shared>> -> memref<10000x64xf32, #tpu.memory_space<vmem_shared>>
          tpu.wait_indirect_dma semaphore(%arg21 : memref<!tpu.dma_semaphore, #tpu.memory_space<semaphore_mem>>) src(%arg12 : memref<128x64xf32, #tpu.memory_space<vmem>>) dst(%dma_wait3A_243 : memref<10000x64xf32, #tpu.memory_space<vmem_shared>>)
        } else {
        }
        %lt3A_140 = arith.constant 7 : i32
        %lt3A_141 = arith.cmpi slt, %add3A_131, %lt3A_140 : i32
        %convert_element_type3A_142 = arith.extui %lt3A_141 : i1 to i32
        %cond3A_143 = arith.constant 0 : i32
        %cond3A_144 = arith.cmpi ne, %convert_element_type3A_142, %cond3A_143 : i32
        scf.if %cond3A_144 {
          %add3A_237 = arith.constant 1 : i32
          %add3A_238 = arith.addi %add3A_131, %add3A_237 : i32
          %dma_start3A_239 = arith.constant 0 : i32
          %dma_start3A_240 = tpu.memref_slice %arg7[%add3A_238, %dma_start3A_239] : memref<8x128xi32, #tpu.memory_space<vmem>> -> memref<1x128xi32, #tpu.memory_space<vmem>>
          %dma_start3A_241 = tpu.memref_squeeze %dma_start3A_240 : memref<1x128xi32, #tpu.memory_space<vmem>> -> memref<128xi32, #tpu.memory_space<vmem>>
          %dma_start3A_242 = arith.constant 0 : i32
          %dma_start3A_243 = arith.constant 0 : i32
          %dma_start3A_244 = tpu.memref_slice %arg2[%dma_start3A_242, %dma_start3A_243] : memref<20000x64xf32, #tpu.memory_space<hbm>> -> memref<20000x64xf32, #tpu.memory_space<hbm>>
          tpu.enqueue_indirect_dma source(%dma_start3A_244 : memref<20000x64xf32, #tpu.memory_space<hbm>>) target(%arg12 : memref<128x64xf32, #tpu.memory_space<vmem>>) offsets(%dma_start3A_241 : memref<128xi32, #tpu.memory_space<vmem>>) semaphore(%arg17 : memref<!tpu.dma_semaphore, #tpu.memory_space<semaphore_mem>>)
        } else {
        }
        %dma_wait3A_145 = arith.constant 0 : i32
        %dma_wait3A_146 = tpu.memref_slice %arg7[%add3A_131, %dma_wait3A_145] : memref<8x128xi32, #tpu.memory_space<vmem>> -> memref<1x128xi32, #tpu.memory_space<vmem>>
        %dma_wait3A_147 = tpu.memref_squeeze %dma_wait3A_146 : memref<1x128xi32, #tpu.memory_space<vmem>> -> memref<128xi32, #tpu.memory_space<vmem>>
        %dma_wait3A_148 = arith.constant 0 : i32
        %dma_wait3A_149 = arith.constant 0 : i32
        %dma_wait3A_150 = tpu.memref_slice %arg2[%dma_wait3A_148, %dma_wait3A_149] : memref<20000x64xf32, #tpu.memory_space<hbm>> -> memref<20000x64xf32, #tpu.memory_space<hbm>>
        tpu.wait_indirect_dma semaphore(%arg16 : memref<!tpu.dma_semaphore, #tpu.memory_space<semaphore_mem>>) src(%dma_wait3A_150 : memref<20000x64xf32, #tpu.memory_space<hbm>>) dst(%arg11 : memref<128x64xf32, #tpu.memory_space<vmem>>)
        %scan3A_151 = arith.constant 0 : i32
        %scan3A_152 = arith.constant 0 : i32
        %scan3A_153 = arith.constant 32 : i32
        %scan3A_154 = arith.addi %scan3A_152, %scan3A_153 : i32
        %scan3A_155 = arith.constant 1 : i32
        %scan3A_156 = scf.for %scan3A_237 = %scan3A_152 to %scan3A_154 step %scan3A_155 iter_args(%scan3A_238 = %scan3A_151) -> (i32)  : i32 {
          %mul3A_239 = arith.constant 32 : i32
          %mul3A_240 = arith.muli %add3A_131, %mul3A_239 : i32
          %add3A_241 = arith.addi %mul3A_240, %scan3A_237 : i32
          %get3A = arith.index_cast %add3A_241 : i32 to index
          %get3A_242 = arith.constant 0 : index
          %get3A_243 = tpu.vector_load %arg9[%get3A, %get3A_242] {strides = array<i32>} : memref<256x16xf32, #tpu.memory_space<vmem>>, vector<1x16xf32>,
          %get3A_244 = vector.shape_cast %get3A_243 : vector<1x16xf32> to vector<16xf32>
          %mul3A_245 = arith.constant 4 : i32
          %mul3A_246 = arith.muli %scan3A_237, %mul3A_245 : i32
          %add3A_247 = arith.constant 0 : i32
          %add3A_248 = arith.addi %mul3A_246, %add3A_247 : i32
          %broadcast_in_dim3A_249 = arith.constant 0 : i32
          %broadcast_in_dim3A_250 = vector.broadcast %broadcast_in_dim3A_249 : i32 to vector<16x1xi32>
          %gather3A = vector.shape_cast %broadcast_in_dim3A_250 : vector<16x1xi32> to vector<16xi32>
          %gather3A_251 = tpu.dynamic_gather %get3A_244[%gather3A] in [0] : vector<16xf32>, vector<16xi32> -> vector<16xf32>
          %get3A_252 = arith.index_cast %add3A_248 : i32 to index
          %get3A_253 = arith.constant 0 : index
          %get3A_254 = tpu.vector_load %arg11[%get3A_252, %get3A_253] {strides = array<i32>} : memref<128x64xf32, #tpu.memory_space<vmem>>, vector<1x16xf32>,
          %get3A_255 = vector.shape_cast %get3A_254 : vector<1x16xf32> to vector<16xf32>
          %mul3A_256 = arith.mulf %get3A_255, %gather3A_251 : vector<16xf32>
          %swap3A = arith.index_cast %add3A_248 : i32 to index
          %swap3A_257 = arith.constant 0 : index
          %swap3A_258 = tpu.vector_load %arg11[%swap3A, %swap3A_257] {strides = array<i32>} : memref<128x64xf32, #tpu.memory_space<vmem>>, vector<1x16xf32>,
          %swap3A_259 = vector.shape_cast %swap3A_258 : vector<1x16xf32> to vector<16xf32>
          %swap3A_260 = vector.shape_cast %mul3A_256 : vector<16xf32> to vector<1x16xf32>
          tpu.vector_store %arg11[%swap3A, %swap3A_257], %swap3A_260 {strides = array<i32>} : memref<128x64xf32, #tpu.memory_space<vmem>>, vector<1x16xf32>,
          %broadcast_in_dim3A_261 = arith.constant 1 : i32
          %broadcast_in_dim3A_262 = vector.broadcast %broadcast_in_dim3A_261 : i32 to vector<16x1xi32>
          %gather3A_263 = vector.shape_cast %broadcast_in_dim3A_262 : vector<16x1xi32> to vector<16xi32>
          %gather3A_264 = tpu.dynamic_gather %get3A_244[%gather3A_263] in [0] : vector<16xf32>, vector<16xi32> -> vector<16xf32>
          %get3A_265 = arith.index_cast %add3A_248 : i32 to index
          %get3A_266 = arith.constant 16 : index
          %get3A_267 = tpu.vector_load %arg11[%get3A_265, %get3A_266] {strides = array<i32>} : memref<128x64xf32, #tpu.memory_space<vmem>>, vector<1x16xf32>,
          %get3A_268 = vector.shape_cast %get3A_267 : vector<1x16xf32> to vector<16xf32>
          %mul3A_269 = arith.mulf %get3A_268, %gather3A_264 : vector<16xf32>
          %swap3A_270 = arith.index_cast %add3A_248 : i32 to index
          %swap3A_271 = arith.constant 16 : index
          %swap3A_272 = tpu.vector_load %arg11[%swap3A_270, %swap3A_271] {strides = array<i32>} : memref<128x64xf32, #tpu.memory_space<vmem>>, vector<1x16xf32>,
          %swap3A_273 = vector.shape_cast %swap3A_272 : vector<1x16xf32> to vector<16xf32>
          %swap3A_274 = vector.shape_cast %mul3A_269 : vector<16xf32> to vector<1x16xf32>
          tpu.vector_store %arg11[%swap3A_270, %swap3A_271], %swap3A_274 {strides = array<i32>} : memref<128x64xf32, #tpu.memory_space<vmem>>, vector<1x16xf32>,
          %broadcast_in_dim3A_275 = arith.constant 2 : i32
          %broadcast_in_dim3A_276 = vector.broadcast %broadcast_in_dim3A_275 : i32 to vector<16x1xi32>
          %gather3A_277 = vector.shape_cast %broadcast_in_dim3A_276 : vector<16x1xi32> to vector<16xi32>
          %gather3A_278 = tpu.dynamic_gather %get3A_244[%gather3A_277] in [0] : vector<16xf32>, vector<16xi32> -> vector<16xf32>
          %get3A_279 = arith.index_cast %add3A_248 : i32 to index
          %get3A_280 = arith.constant 32 : index
          %get3A_281 = tpu.vector_load %arg11[%get3A_279, %get3A_280] {strides = array<i32>} : memref<128x64xf32, #tpu.memory_space<vmem>>, vector<1x16xf32>,
          %get3A_282 = vector.shape_cast %get3A_281 : vector<1x16xf32> to vector<16xf32>
          %mul3A_283 = arith.mulf %get3A_282, %gather3A_278 : vector<16xf32>
          %swap3A_284 = arith.index_cast %add3A_248 : i32 to index
          %swap3A_285 = arith.constant 32 : index
          %swap3A_286 = tpu.vector_load %arg11[%swap3A_284, %swap3A_285] {strides = array<i32>} : memref<128x64xf32, #tpu.memory_space<vmem>>, vector<1x16xf32>,
          %swap3A_287 = vector.shape_cast %swap3A_286 : vector<1x16xf32> to vector<16xf32>
          %swap3A_288 = vector.shape_cast %mul3A_283 : vector<16xf32> to vector<1x16xf32>
          tpu.vector_store %arg11[%swap3A_284, %swap3A_285], %swap3A_288 {strides = array<i32>} : memref<128x64xf32, #tpu.memory_space<vmem>>, vector<1x16xf32>,
          %broadcast_in_dim3A_289 = arith.constant 3 : i32
          %broadcast_in_dim3A_290 = vector.broadcast %broadcast_in_dim3A_289 : i32 to vector<16x1xi32>
          %gather3A_291 = vector.shape_cast %broadcast_in_dim3A_290 : vector<16x1xi32> to vector<16xi32>
          %gather3A_292 = tpu.dynamic_gather %get3A_244[%gather3A_291] in [0] : vector<16xf32>, vector<16xi32> -> vector<16xf32>
          %get3A_293 = arith.index_cast %add3A_248 : i32 to index
          %get3A_294 = arith.constant 48 : index
          %get3A_295 = tpu.vector_load %arg11[%get3A_293, %get3A_294] {strides = array<i32>} : memref<128x64xf32, #tpu.memory_space<vmem>>, vector<1x16xf32>,
          %get3A_296 = vector.shape_cast %get3A_295 : vector<1x16xf32> to vector<16xf32>
          %mul3A_297 = arith.mulf %get3A_296, %gather3A_292 : vector<16xf32>
          %swap3A_298 = arith.index_cast %add3A_248 : i32 to index
          %swap3A_299 = arith.constant 48 : index
          %swap3A_300 = tpu.vector_load %arg11[%swap3A_298, %swap3A_299] {strides = array<i32>} : memref<128x64xf32, #tpu.memory_space<vmem>>, vector<1x16xf32>,
          %swap3A_301 = vector.shape_cast %swap3A_300 : vector<1x16xf32> to vector<16xf32>
          %swap3A_302 = vector.shape_cast %mul3A_297 : vector<16xf32> to vector<1x16xf32>
          tpu.vector_store %arg11[%swap3A_298, %swap3A_299], %swap3A_302 {strides = array<i32>} : memref<128x64xf32, #tpu.memory_space<vmem>>, vector<1x16xf32>,
          %mul3A_303 = arith.constant 4 : i32
          %mul3A_304 = arith.muli %scan3A_237, %mul3A_303 : i32
          %add3A_305 = arith.constant 1 : i32
          %add3A_306 = arith.addi %mul3A_304, %add3A_305 : i32
          %broadcast_in_dim3A_307 = arith.constant 4 : i32
          %broadcast_in_dim3A_308 = vector.broadcast %broadcast_in_dim3A_307 : i32 to vector<16x1xi32>
          %gather3A_309 = vector.shape_cast %broadcast_in_dim3A_308 : vector<16x1xi32> to vector<16xi32>
          %gather3A_310 = tpu.dynamic_gather %get3A_244[%gather3A_309] in [0] : vector<16xf32>, vector<16xi32> -> vector<16xf32>
          %get3A_311 = arith.index_cast %add3A_306 : i32 to index
          %get3A_312 = arith.constant 0 : index
          %get3A_313 = tpu.vector_load %arg11[%get3A_311, %get3A_312] {strides = array<i32>} : memref<128x64xf32, #tpu.memory_space<vmem>>, vector<1x16xf32>,
          %get3A_314 = vector.shape_cast %get3A_313 : vector<1x16xf32> to vector<16xf32>
          %mul3A_315 = arith.mulf %get3A_314, %gather3A_310 : vector<16xf32>
          %swap3A_316 = arith.index_cast %add3A_306 : i32 to index
          %swap3A_317 = arith.constant 0 : index
          %swap3A_318 = tpu.vector_load %arg11[%swap3A_316, %swap3A_317] {strides = array<i32>} : memref<128x64xf32, #tpu.memory_space<vmem>>, vector<1x16xf32>,
          %swap3A_319 = vector.shape_cast %swap3A_318 : vector<1x16xf32> to vector<16xf32>
          %swap3A_320 = vector.shape_cast %mul3A_315 : vector<16xf32> to vector<1x16xf32>
          tpu.vector_store %arg11[%swap3A_316, %swap3A_317], %swap3A_320 {strides = array<i32>} : memref<128x64xf32, #tpu.memory_space<vmem>>, vector<1x16xf32>,
          %broadcast_in_dim3A_321 = arith.constant 5 : i32
          %broadcast_in_dim3A_322 = vector.broadcast %broadcast_in_dim3A_321 : i32 to vector<16x1xi32>
          %gather3A_323 = vector.shape_cast %broadcast_in_dim3A_322 : vector<16x1xi32> to vector<16xi32>
          %gather3A_324 = tpu.dynamic_gather %get3A_244[%gather3A_323] in [0] : vector<16xf32>, vector<16xi32> -> vector<16xf32>
          %get3A_325 = arith.index_cast %add3A_306 : i32 to index
          %get3A_326 = arith.constant 16 : index
          %get3A_327 = tpu.vector_load %arg11[%get3A_325, %get3A_326] {strides = array<i32>} : memref<128x64xf32, #tpu.memory_space<vmem>>, vector<1x16xf32>,
          %get3A_328 = vector.shape_cast %get3A_327 : vector<1x16xf32> to vector<16xf32>
          %mul3A_329 = arith.mulf %get3A_328, %gather3A_324 : vector<16xf32>
          %swap3A_330 = arith.index_cast %add3A_306 : i32 to index
          %swap3A_331 = arith.constant 16 : index
          %swap3A_332 = tpu.vector_load %arg11[%swap3A_330, %swap3A_331] {strides = array<i32>} : memref<128x64xf32, #tpu.memory_space<vmem>>, vector<1x16xf32>,
          %swap3A_333 = vector.shape_cast %swap3A_332 : vector<1x16xf32> to vector<16xf32>
          %swap3A_334 = vector.shape_cast %mul3A_329 : vector<16xf32> to vector<1x16xf32>
          tpu.vector_store %arg11[%swap3A_330, %swap3A_331], %swap3A_334 {strides = array<i32>} : memref<128x64xf32, #tpu.memory_space<vmem>>, vector<1x16xf32>,
          %broadcast_in_dim3A_335 = arith.constant 6 : i32
          %broadcast_in_dim3A_336 = vector.broadcast %broadcast_in_dim3A_335 : i32 to vector<16x1xi32>
          %gather3A_337 = vector.shape_cast %broadcast_in_dim3A_336 : vector<16x1xi32> to vector<16xi32>
          %gather3A_338 = tpu.dynamic_gather %get3A_244[%gather3A_337] in [0] : vector<16xf32>, vector<16xi32> -> vector<16xf32>
          %get3A_339 = arith.index_cast %add3A_306 : i32 to index
          %get3A_340 = arith.constant 32 : index
          %get3A_341 = tpu.vector_load %arg11[%get3A_339, %get3A_340] {strides = array<i32>} : memref<128x64xf32, #tpu.memory_space<vmem>>, vector<1x16xf32>,
          %get3A_342 = vector.shape_cast %get3A_341 : vector<1x16xf32> to vector<16xf32>
          %mul3A_343 = arith.mulf %get3A_342, %gather3A_338 : vector<16xf32>
          %swap3A_344 = arith.index_cast %add3A_306 : i32 to index
          %swap3A_345 = arith.constant 32 : index
          %swap3A_346 = tpu.vector_load %arg11[%swap3A_344, %swap3A_345] {strides = array<i32>} : memref<128x64xf32, #tpu.memory_space<vmem>>, vector<1x16xf32>,
          %swap3A_347 = vector.shape_cast %swap3A_346 : vector<1x16xf32> to vector<16xf32>
          %swap3A_348 = vector.shape_cast %mul3A_343 : vector<16xf32> to vector<1x16xf32>
          tpu.vector_store %arg11[%swap3A_344, %swap3A_345], %swap3A_348 {strides = array<i32>} : memref<128x64xf32, #tpu.memory_space<vmem>>, vector<1x16xf32>,
          %broadcast_in_dim3A_349 = arith.constant 7 : i32
          %broadcast_in_dim3A_350 = vector.broadcast %broadcast_in_dim3A_349 : i32 to vector<16x1xi32>
          %gather3A_351 = vector.shape_cast %broadcast_in_dim3A_350 : vector<16x1xi32> to vector<16xi32>
          %gather3A_352 = tpu.dynamic_gather %get3A_244[%gather3A_351] in [0] : vector<16xf32>, vector<16xi32> -> vector<16xf32>
          %get3A_353 = arith.index_cast %add3A_306 : i32 to index
          %get3A_354 = arith.constant 48 : index
          %get3A_355 = tpu.vector_load %arg11[%get3A_353, %get3A_354] {strides = array<i32>} : memref<128x64xf32, #tpu.memory_space<vmem>>, vector<1x16xf32>,
          %get3A_356 = vector.shape_cast %get3A_355 : vector<1x16xf32> to vector<16xf32>
          %mul3A_357 = arith.mulf %get3A_356, %gather3A_352 : vector<16xf32>
          %swap3A_358 = arith.index_cast %add3A_306 : i32 to index
          %swap3A_359 = arith.constant 48 : index
          %swap3A_360 = tpu.vector_load %arg11[%swap3A_358, %swap3A_359] {strides = array<i32>} : memref<128x64xf32, #tpu.memory_space<vmem>>, vector<1x16xf32>,
          %swap3A_361 = vector.shape_cast %swap3A_360 : vector<1x16xf32> to vector<16xf32>
          %swap3A_362 = vector.shape_cast %mul3A_357 : vector<16xf32> to vector<1x16xf32>
          tpu.vector_store %arg11[%swap3A_358, %swap3A_359], %swap3A_362 {strides = array<i32>} : memref<128x64xf32, #tpu.memory_space<vmem>>, vector<1x16xf32>,
          %mul3A_363 = arith.constant 4 : i32
          %mul3A_364 = arith.muli %scan3A_237, %mul3A_363 : i32
          %add3A_365 = arith.constant 2 : i32
          %add3A_366 = arith.addi %mul3A_364, %add3A_365 : i32
          %broadcast_in_dim3A_367 = arith.constant 8 : i32
          %broadcast_in_dim3A_368 = vector.broadcast %broadcast_in_dim3A_367 : i32 to vector<16x1xi32>
          %gather3A_369 = vector.shape_cast %broadcast_in_dim3A_368 : vector<16x1xi32> to vector<16xi32>
          %gather3A_370 = tpu.dynamic_gather %get3A_244[%gather3A_369] in [0] : vector<16xf32>, vector<16xi32> -> vector<16xf32>
          %get3A_371 = arith.index_cast %add3A_366 : i32 to index
          %get3A_372 = arith.constant 0 : index
          %get3A_373 = tpu.vector_load %arg11[%get3A_371, %get3A_372] {strides = array<i32>} : memref<128x64xf32, #tpu.memory_space<vmem>>, vector<1x16xf32>,
          %get3A_374 = vector.shape_cast %get3A_373 : vector<1x16xf32> to vector<16xf32>
          %mul3A_375 = arith.mulf %get3A_374, %gather3A_370 : vector<16xf32>
          %swap3A_376 = arith.index_cast %add3A_366 : i32 to index
          %swap3A_377 = arith.constant 0 : index
          %swap3A_378 = tpu.vector_load %arg11[%swap3A_376, %swap3A_377] {strides = array<i32>} : memref<128x64xf32, #tpu.memory_space<vmem>>, vector<1x16xf32>,
          %swap3A_379 = vector.shape_cast %swap3A_378 : vector<1x16xf32> to vector<16xf32>
          %swap3A_380 = vector.shape_cast %mul3A_375 : vector<16xf32> to vector<1x16xf32>
          tpu.vector_store %arg11[%swap3A_376, %swap3A_377], %swap3A_380 {strides = array<i32>} : memref<128x64xf32, #tpu.memory_space<vmem>>, vector<1x16xf32>,
          %broadcast_in_dim3A_381 = arith.constant 9 : i32
          %broadcast_in_dim3A_382 = vector.broadcast %broadcast_in_dim3A_381 : i32 to vector<16x1xi32>
          %gather3A_383 = vector.shape_cast %broadcast_in_dim3A_382 : vector<16x1xi32> to vector<16xi32>
          %gather3A_384 = tpu.dynamic_gather %get3A_244[%gather3A_383] in [0] : vector<16xf32>, vector<16xi32> -> vector<16xf32>
          %get3A_385 = arith.index_cast %add3A_366 : i32 to index
          %get3A_386 = arith.constant 16 : index
          %get3A_387 = tpu.vector_load %arg11[%get3A_385, %get3A_386] {strides = array<i32>} : memref<128x64xf32, #tpu.memory_space<vmem>>, vector<1x16xf32>,
          %get3A_388 = vector.shape_cast %get3A_387 : vector<1x16xf32> to vector<16xf32>
          %mul3A_389 = arith.mulf %get3A_388, %gather3A_384 : vector<16xf32>
          %swap3A_390 = arith.index_cast %add3A_366 : i32 to index
          %swap3A_391 = arith.constant 16 : index
          %swap3A_392 = tpu.vector_load %arg11[%swap3A_390, %swap3A_391] {strides = array<i32>} : memref<128x64xf32, #tpu.memory_space<vmem>>, vector<1x16xf32>,
          %swap3A_393 = vector.shape_cast %swap3A_392 : vector<1x16xf32> to vector<16xf32>
          %swap3A_394 = vector.shape_cast %mul3A_389 : vector<16xf32> to vector<1x16xf32>
          tpu.vector_store %arg11[%swap3A_390, %swap3A_391], %swap3A_394 {strides = array<i32>} : memref<128x64xf32, #tpu.memory_space<vmem>>, vector<1x16xf32>,
          %broadcast_in_dim3A_395 = arith.constant 10 : i32
          %broadcast_in_dim3A_396 = vector.broadcast %broadcast_in_dim3A_395 : i32 to vector<16x1xi32>
          %gather3A_397 = vector.shape_cast %broadcast_in_dim3A_396 : vector<16x1xi32> to vector<16xi32>
          %gather3A_398 = tpu.dynamic_gather %get3A_244[%gather3A_397] in [0] : vector<16xf32>, vector<16xi32> -> vector<16xf32>
          %get3A_399 = arith.index_cast %add3A_366 : i32 to index
          %get3A_400 = arith.constant 32 : index
          %get3A_401 = tpu.vector_load %arg11[%get3A_399, %get3A_400] {strides = array<i32>} : memref<128x64xf32, #tpu.memory_space<vmem>>, vector<1x16xf32>,
          %get3A_402 = vector.shape_cast %get3A_401 : vector<1x16xf32> to vector<16xf32>
          %mul3A_403 = arith.mulf %get3A_402, %gather3A_398 : vector<16xf32>
          %swap3A_404 = arith.index_cast %add3A_366 : i32 to index
          %swap3A_405 = arith.constant 32 : index
          %swap3A_406 = tpu.vector_load %arg11[%swap3A_404, %swap3A_405] {strides = array<i32>} : memref<128x64xf32, #tpu.memory_space<vmem>>, vector<1x16xf32>,
          %swap3A_407 = vector.shape_cast %swap3A_406 : vector<1x16xf32> to vector<16xf32>
          %swap3A_408 = vector.shape_cast %mul3A_403 : vector<16xf32> to vector<1x16xf32>
          tpu.vector_store %arg11[%swap3A_404, %swap3A_405], %swap3A_408 {strides = array<i32>} : memref<128x64xf32, #tpu.memory_space<vmem>>, vector<1x16xf32>,
          %broadcast_in_dim3A_409 = arith.constant 11 : i32
          %broadcast_in_dim3A_410 = vector.broadcast %broadcast_in_dim3A_409 : i32 to vector<16x1xi32>
          %gather3A_411 = vector.shape_cast %broadcast_in_dim3A_410 : vector<16x1xi32> to vector<16xi32>
          %gather3A_412 = tpu.dynamic_gather %get3A_244[%gather3A_411] in [0] : vector<16xf32>, vector<16xi32> -> vector<16xf32>
          %get3A_413 = arith.index_cast %add3A_366 : i32 to index
          %get3A_414 = arith.constant 48 : index
          %get3A_415 = tpu.vector_load %arg11[%get3A_413, %get3A_414] {strides = array<i32>} : memref<128x64xf32, #tpu.memory_space<vmem>>, vector<1x16xf32>,
          %get3A_416 = vector.shape_cast %get3A_415 : vector<1x16xf32> to vector<16xf32>
          %mul3A_417 = arith.mulf %get3A_416, %gather3A_412 : vector<16xf32>
          %swap3A_418 = arith.index_cast %add3A_366 : i32 to index
          %swap3A_419 = arith.constant 48 : index
          %swap3A_420 = tpu.vector_load %arg11[%swap3A_418, %swap3A_419] {strides = array<i32>} : memref<128x64xf32, #tpu.memory_space<vmem>>, vector<1x16xf32>,
          %swap3A_421 = vector.shape_cast %swap3A_420 : vector<1x16xf32> to vector<16xf32>
          %swap3A_422 = vector.shape_cast %mul3A_417 : vector<16xf32> to vector<1x16xf32>
          tpu.vector_store %arg11[%swap3A_418, %swap3A_419], %swap3A_422 {strides = array<i32>} : memref<128x64xf32, #tpu.memory_space<vmem>>, vector<1x16xf32>,
          %mul3A_423 = arith.constant 4 : i32
          %mul3A_424 = arith.muli %scan3A_237, %mul3A_423 : i32
          %add3A_425 = arith.constant 3 : i32
          %add3A_426 = arith.addi %mul3A_424, %add3A_425 : i32
          %broadcast_in_dim3A_427 = arith.constant 12 : i32
          %broadcast_in_dim3A_428 = vector.broadcast %broadcast_in_dim3A_427 : i32 to vector<16x1xi32>
          %gather3A_429 = vector.shape_cast %broadcast_in_dim3A_428 : vector<16x1xi32> to vector<16xi32>
          %gather3A_430 = tpu.dynamic_gather %get3A_244[%gather3A_429] in [0] : vector<16xf32>, vector<16xi32> -> vector<16xf32>
          %get3A_431 = arith.index_cast %add3A_426 : i32 to index
          %get3A_432 = arith.constant 0 : index
          %get3A_433 = tpu.vector_load %arg11[%get3A_431, %get3A_432] {strides = array<i32>} : memref<128x64xf32, #tpu.memory_space<vmem>>, vector<1x16xf32>,
          %get3A_434 = vector.shape_cast %get3A_433 : vector<1x16xf32> to vector<16xf32>
          %mul3A_435 = arith.mulf %get3A_434, %gather3A_430 : vector<16xf32>
          %swap3A_436 = arith.index_cast %add3A_426 : i32 to index
          %swap3A_437 = arith.constant 0 : index
          %swap3A_438 = tpu.vector_load %arg11[%swap3A_436, %swap3A_437] {strides = array<i32>} : memref<128x64xf32, #tpu.memory_space<vmem>>, vector<1x16xf32>,
          %swap3A_439 = vector.shape_cast %swap3A_438 : vector<1x16xf32> to vector<16xf32>
          %swap3A_440 = vector.shape_cast %mul3A_435 : vector<16xf32> to vector<1x16xf32>
          tpu.vector_store %arg11[%swap3A_436, %swap3A_437], %swap3A_440 {strides = array<i32>} : memref<128x64xf32, #tpu.memory_space<vmem>>, vector<1x16xf32>,
          %broadcast_in_dim3A_441 = arith.constant 13 : i32
          %broadcast_in_dim3A_442 = vector.broadcast %broadcast_in_dim3A_441 : i32 to vector<16x1xi32>
          %gather3A_443 = vector.shape_cast %broadcast_in_dim3A_442 : vector<16x1xi32> to vector<16xi32>
          %gather3A_444 = tpu.dynamic_gather %get3A_244[%gather3A_443] in [0] : vector<16xf32>, vector<16xi32> -> vector<16xf32>
          %get3A_445 = arith.index_cast %add3A_426 : i32 to index
          %get3A_446 = arith.constant 16 : index
          %get3A_447 = tpu.vector_load %arg11[%get3A_445, %get3A_446] {strides = array<i32>} : memref<128x64xf32, #tpu.memory_space<vmem>>, vector<1x16xf32>,
          %get3A_448 = vector.shape_cast %get3A_447 : vector<1x16xf32> to vector<16xf32>
          %mul3A_449 = arith.mulf %get3A_448, %gather3A_444 : vector<16xf32>
          %swap3A_450 = arith.index_cast %add3A_426 : i32 to index
          %swap3A_451 = arith.constant 16 : index
          %swap3A_452 = tpu.vector_load %arg11[%swap3A_450, %swap3A_451] {strides = array<i32>} : memref<128x64xf32, #tpu.memory_space<vmem>>, vector<1x16xf32>,
          %swap3A_453 = vector.shape_cast %swap3A_452 : vector<1x16xf32> to vector<16xf32>
          %swap3A_454 = vector.shape_cast %mul3A_449 : vector<16xf32> to vector<1x16xf32>
          tpu.vector_store %arg11[%swap3A_450, %swap3A_451], %swap3A_454 {strides = array<i32>} : memref<128x64xf32, #tpu.memory_space<vmem>>, vector<1x16xf32>,
          %broadcast_in_dim3A_455 = arith.constant 14 : i32
          %broadcast_in_dim3A_456 = vector.broadcast %broadcast_in_dim3A_455 : i32 to vector<16x1xi32>
          %gather3A_457 = vector.shape_cast %broadcast_in_dim3A_456 : vector<16x1xi32> to vector<16xi32>
          %gather3A_458 = tpu.dynamic_gather %get3A_244[%gather3A_457] in [0] : vector<16xf32>, vector<16xi32> -> vector<16xf32>
          %get3A_459 = arith.index_cast %add3A_426 : i32 to index
          %get3A_460 = arith.constant 32 : index
          %get3A_461 = tpu.vector_load %arg11[%get3A_459, %get3A_460] {strides = array<i32>} : memref<128x64xf32, #tpu.memory_space<vmem>>, vector<1x16xf32>,
          %get3A_462 = vector.shape_cast %get3A_461 : vector<1x16xf32> to vector<16xf32>
          %mul3A_463 = arith.mulf %get3A_462, %gather3A_458 : vector<16xf32>
          %swap3A_464 = arith.index_cast %add3A_426 : i32 to index
          %swap3A_465 = arith.constant 32 : index
          %swap3A_466 = tpu.vector_load %arg11[%swap3A_464, %swap3A_465] {strides = array<i32>} : memref<128x64xf32, #tpu.memory_space<vmem>>, vector<1x16xf32>,
          %swap3A_467 = vector.shape_cast %swap3A_466 : vector<1x16xf32> to vector<16xf32>
          %swap3A_468 = vector.shape_cast %mul3A_463 : vector<16xf32> to vector<1x16xf32>
          tpu.vector_store %arg11[%swap3A_464, %swap3A_465], %swap3A_468 {strides = array<i32>} : memref<128x64xf32, #tpu.memory_space<vmem>>, vector<1x16xf32>,
          %broadcast_in_dim3A_469 = arith.constant 15 : i32
          %broadcast_in_dim3A_470 = vector.broadcast %broadcast_in_dim3A_469 : i32 to vector<16x1xi32>
          %gather3A_471 = vector.shape_cast %broadcast_in_dim3A_470 : vector<16x1xi32> to vector<16xi32>
          %gather3A_472 = tpu.dynamic_gather %get3A_244[%gather3A_471] in [0] : vector<16xf32>, vector<16xi32> -> vector<16xf32>
          %get3A_473 = arith.index_cast %add3A_426 : i32 to index
          %get3A_474 = arith.constant 48 : index
          %get3A_475 = tpu.vector_load %arg11[%get3A_473, %get3A_474] {strides = array<i32>} : memref<128x64xf32, #tpu.memory_space<vmem>>, vector<1x16xf32>,
          %get3A_476 = vector.shape_cast %get3A_475 : vector<1x16xf32> to vector<16xf32>
          %mul3A_477 = arith.mulf %get3A_476, %gather3A_472 : vector<16xf32>
          %swap3A_478 = arith.index_cast %add3A_426 : i32 to index
          %swap3A_479 = arith.constant 48 : index
          %swap3A_480 = tpu.vector_load %arg11[%swap3A_478, %swap3A_479] {strides = array<i32>} : memref<128x64xf32, #tpu.memory_space<vmem>>, vector<1x16xf32>,
          %swap3A_481 = vector.shape_cast %swap3A_480 : vector<1x16xf32> to vector<16xf32>
          %swap3A_482 = vector.shape_cast %mul3A_477 : vector<16xf32> to vector<1x16xf32>
          tpu.vector_store %arg11[%swap3A_478, %swap3A_479], %swap3A_482 {strides = array<i32>} : memref<128x64xf32, #tpu.memory_space<vmem>>, vector<1x16xf32>,
          %scan3A_483 = arith.constant 0 : i32
          scf.yield %scan3A_483 : i32
        }
        %scan3A_157 = arith.constant 32 : i32
        %dma_start3A_158 = arith.constant 0 : i32
        %dma_start3A_159 = tpu.memref_slice %arg8[%add3A_131, %dma_start3A_158] : memref<8x128xi32, #tpu.memory_space<vmem>> -> memref<1x128xi32, #tpu.memory_space<vmem>>
        %dma_start3A_160 = tpu.memref_squeeze %dma_start3A_159 : memref<1x128xi32, #tpu.memory_space<vmem>> -> memref<128xi32, #tpu.memory_space<vmem>>
        %dma_start3A_161 = arith.constant 0 : i32
        %dma_start3A_162 = arith.constant 0 : i32
        %dma_start3A_163 = tpu.memref_slice %arg14[%dma_start3A_161, %dma_start3A_162] : memref<10000x64xf32, #tpu.memory_space<vmem_shared>> -> memref<10000x64xf32, #tpu.memory_space<vmem_shared>>
        tpu.enqueue_indirect_dma source(%arg11 : memref<128x64xf32, #tpu.memory_space<vmem>>) target(%dma_start3A_163 : memref<10000x64xf32, #tpu.memory_space<vmem_shared>>) offsets(%dma_start3A_160 : memref<128xi32, #tpu.memory_space<vmem>>) semaphore(%arg20 : memref<!tpu.dma_semaphore, #tpu.memory_space<semaphore_mem>>) {add = true}
        %mul3A_164 = arith.constant 4 : i32
        %mul3A_165 = arith.muli %scan3A_95, %mul3A_164 : i32
        %add3A_166 = arith.constant 2 : i32
        %add3A_167 = arith.addi %mul3A_165, %add3A_166 : i32
        %ge3A_168 = arith.constant 3 : i32
        %ge3A_169 = arith.cmpi sge, %add3A_167, %ge3A_168 : i32
        %lt3A_170 = arith.constant 7 : i32
        %lt3A_171 = arith.cmpi slt, %add3A_167, %lt3A_170 : i32
        %and3A_172 = arith.andi %ge3A_169, %lt3A_171 : i1
        %convert_element_type3A_173 = arith.extui %and3A_172 : i1 to i32
        %cond3A_174 = arith.constant 0 : i32
        %cond3A_175 = arith.cmpi ne, %convert_element_type3A_173, %cond3A_174 : i32
        scf.if %cond3A_175 {
          %sub3A = arith.constant 3 : i32
          %sub3A_237 = arith.subi %add3A_167, %sub3A : i32
          %dma_wait3A_238 = arith.constant 0 : i32
          %dma_wait3A_239 = tpu.memref_slice %arg8[%sub3A_237, %dma_wait3A_238] : memref<8x128xi32, #tpu.memory_space<vmem>> -> memref<1x128xi32, #tpu.memory_space<vmem>>
          %dma_wait3A_240 = tpu.memref_squeeze %dma_wait3A_239 : memref<1x128xi32, #tpu.memory_space<vmem>> -> memref<128xi32, #tpu.memory_space<vmem>>
          %dma_wait3A_241 = arith.constant 0 : i32
          %dma_wait3A_242 = arith.constant 0 : i32
          %dma_wait3A_243 = tpu.memref_slice %arg14[%dma_wait3A_241, %dma_wait3A_242] : memref<10000x64xf32, #tpu.memory_space<vmem_shared>> -> memref<10000x64xf32, #tpu.memory_space<vmem_shared>>
          tpu.wait_indirect_dma semaphore(%arg22 : memref<!tpu.dma_semaphore, #tpu.memory_space<semaphore_mem>>) src(%arg13 : memref<128x64xf32, #tpu.memory_space<vmem>>) dst(%dma_wait3A_243 : memref<10000x64xf32, #tpu.memory_space<vmem_shared>>)
        } else {
        }
        %lt3A_176 = arith.constant 7 : i32
        %lt3A_177 = arith.cmpi slt, %add3A_167, %lt3A_176 : i32
        %convert_element_type3A_178 = arith.extui %lt3A_177 : i1 to i32
        %cond3A_179 = arith.constant 0 : i32
        %cond3A_180 = arith.cmpi ne, %convert_element_type3A_178, %cond3A_179 : i32
        scf.if %cond3A_180 {
          %add3A_237 = arith.constant 1 : i32
          %add3A_238 = arith.addi %add3A_167, %add3A_237 : i32
          %dma_start3A_239 = arith.constant 0 : i32
          %dma_start3A_240 = tpu.memref_slice %arg7[%add3A_238, %dma_start3A_239] : memref<8x128xi32, #tpu.memory_space<vmem>> -> memref<1x128xi32, #tpu.memory_space<vmem>>
          %dma_start3A_241 = tpu.memref_squeeze %dma_start3A_240 : memref<1x128xi32, #tpu.memory_space<vmem>> -> memref<128xi32, #tpu.memory_space<vmem>>
          %dma_start3A_242 = arith.constant 0 : i32
          %dma_start3A_243 = arith.constant 0 : i32
          %dma_start3A_244 = tpu.memref_slice %arg2[%dma_start3A_242, %dma_start3A_243] : memref<20000x64xf32, #tpu.memory_space<hbm>> -> memref<20000x64xf32, #tpu.memory_space<hbm>>
          tpu.enqueue_indirect_dma source(%dma_start3A_244 : memref<20000x64xf32, #tpu.memory_space<hbm>>) target(%arg13 : memref<128x64xf32, #tpu.memory_space<vmem>>) offsets(%dma_start3A_241 : memref<128xi32, #tpu.memory_space<vmem>>) semaphore(%arg18 : memref<!tpu.dma_semaphore, #tpu.memory_space<semaphore_mem>>)
        } else {
        }
        %dma_wait3A_181 = arith.constant 0 : i32
        %dma_wait3A_182 = tpu.memref_slice %arg7[%add3A_167, %dma_wait3A_181] : memref<8x128xi32, #tpu.memory_space<vmem>> -> memref<1x128xi32, #tpu.memory_space<vmem>>
        %dma_wait3A_183 = tpu.memref_squeeze %dma_wait3A_182 : memref<1x128xi32, #tpu.memory_space<vmem>> -> memref<128xi32, #tpu.memory_space<vmem>>
        %dma_wait3A_184 = arith.constant 0 : i32
        %dma_wait3A_185 = arith.constant 0 : i32
        %dma_wait3A_186 = tpu.memref_slice %arg2[%dma_wait3A_184, %dma_wait3A_185] : memref<20000x64xf32, #tpu.memory_space<hbm>> -> memref<20000x64xf32, #tpu.memory_space<hbm>>
        tpu.wait_indirect_dma semaphore(%arg17 : memref<!tpu.dma_semaphore, #tpu.memory_space<semaphore_mem>>) src(%dma_wait3A_186 : memref<20000x64xf32, #tpu.memory_space<hbm>>) dst(%arg12 : memref<128x64xf32, #tpu.memory_space<vmem>>)
        %scan3A_187 = arith.constant 0 : i32
        %scan3A_188 = arith.constant 0 : i32
        %scan3A_189 = arith.constant 32 : i32
        %scan3A_190 = arith.addi %scan3A_188, %scan3A_189 : i32
        %scan3A_191 = arith.constant 1 : i32
        %scan3A_192 = scf.for %scan3A_237 = %scan3A_188 to %scan3A_190 step %scan3A_191 iter_args(%scan3A_238 = %scan3A_187) -> (i32)  : i32 {
          %mul3A_239 = arith.constant 32 : i32
          %mul3A_240 = arith.muli %add3A_167, %mul3A_239 : i32
          %add3A_241 = arith.addi %mul3A_240, %scan3A_237 : i32
          %get3A = arith.index_cast %add3A_241 : i32 to index
          %get3A_242 = arith.constant 0 : index
          %get3A_243 = tpu.vector_load %arg9[%get3A, %get3A_242] {strides = array<i32>} : memref<256x16xf32, #tpu.memory_space<vmem>>, vector<1x16xf32>,
          %get3A_244 = vector.shape_cast %get3A_243 : vector<1x16xf32> to vector<16xf32>
          %mul3A_245 = arith.constant 4 : i32
          %mul3A_246 = arith.muli %scan3A_237, %mul3A_245 : i32
          %add3A_247 = arith.constant 0 : i32
          %add3A_248 = arith.addi %mul3A_246, %add3A_247 : i32
          %broadcast_in_dim3A_249 = arith.constant 0 : i32
          %broadcast_in_dim3A_250 = vector.broadcast %broadcast_in_dim3A_249 : i32 to vector<16x1xi32>
          %gather3A = vector.shape_cast %broadcast_in_dim3A_250 : vector<16x1xi32> to vector<16xi32>
          %gather3A_251 = tpu.dynamic_gather %get3A_244[%gather3A] in [0] : vector<16xf32>, vector<16xi32> -> vector<16xf32>
          %get3A_252 = arith.index_cast %add3A_248 : i32 to index
          %get3A_253 = arith.constant 0 : index
          %get3A_254 = tpu.vector_load %arg12[%get3A_252, %get3A_253] {strides = array<i32>} : memref<128x64xf32, #tpu.memory_space<vmem>>, vector<1x16xf32>,
          %get3A_255 = vector.shape_cast %get3A_254 : vector<1x16xf32> to vector<16xf32>
          %mul3A_256 = arith.mulf %get3A_255, %gather3A_251 : vector<16xf32>
          %swap3A = arith.index_cast %add3A_248 : i32 to index
          %swap3A_257 = arith.constant 0 : index
          %swap3A_258 = tpu.vector_load %arg12[%swap3A, %swap3A_257] {strides = array<i32>} : memref<128x64xf32, #tpu.memory_space<vmem>>, vector<1x16xf32>,
          %swap3A_259 = vector.shape_cast %swap3A_258 : vector<1x16xf32> to vector<16xf32>
          %swap3A_260 = vector.shape_cast %mul3A_256 : vector<16xf32> to vector<1x16xf32>
          tpu.vector_store %arg12[%swap3A, %swap3A_257], %swap3A_260 {strides = array<i32>} : memref<128x64xf32, #tpu.memory_space<vmem>>, vector<1x16xf32>,
          %broadcast_in_dim3A_261 = arith.constant 1 : i32
          %broadcast_in_dim3A_262 = vector.broadcast %broadcast_in_dim3A_261 : i32 to vector<16x1xi32>
          %gather3A_263 = vector.shape_cast %broadcast_in_dim3A_262 : vector<16x1xi32> to vector<16xi32>
          %gather3A_264 = tpu.dynamic_gather %get3A_244[%gather3A_263] in [0] : vector<16xf32>, vector<16xi32> -> vector<16xf32>
          %get3A_265 = arith.index_cast %add3A_248 : i32 to index
          %get3A_266 = arith.constant 16 : index
          %get3A_267 = tpu.vector_load %arg12[%get3A_265, %get3A_266] {strides = array<i32>} : memref<128x64xf32, #tpu.memory_space<vmem>>, vector<1x16xf32>,
          %get3A_268 = vector.shape_cast %get3A_267 : vector<1x16xf32> to vector<16xf32>
          %mul3A_269 = arith.mulf %get3A_268, %gather3A_264 : vector<16xf32>
          %swap3A_270 = arith.index_cast %add3A_248 : i32 to index
          %swap3A_271 = arith.constant 16 : index
          %swap3A_272 = tpu.vector_load %arg12[%swap3A_270, %swap3A_271] {strides = array<i32>} : memref<128x64xf32, #tpu.memory_space<vmem>>, vector<1x16xf32>,
          %swap3A_273 = vector.shape_cast %swap3A_272 : vector<1x16xf32> to vector<16xf32>
          %swap3A_274 = vector.shape_cast %mul3A_269 : vector<16xf32> to vector<1x16xf32>
          tpu.vector_store %arg12[%swap3A_270, %swap3A_271], %swap3A_274 {strides = array<i32>} : memref<128x64xf32, #tpu.memory_space<vmem>>, vector<1x16xf32>,
          %broadcast_in_dim3A_275 = arith.constant 2 : i32
          %broadcast_in_dim3A_276 = vector.broadcast %broadcast_in_dim3A_275 : i32 to vector<16x1xi32>
          %gather3A_277 = vector.shape_cast %broadcast_in_dim3A_276 : vector<16x1xi32> to vector<16xi32>
          %gather3A_278 = tpu.dynamic_gather %get3A_244[%gather3A_277] in [0] : vector<16xf32>, vector<16xi32> -> vector<16xf32>
          %get3A_279 = arith.index_cast %add3A_248 : i32 to index
          %get3A_280 = arith.constant 32 : index
          %get3A_281 = tpu.vector_load %arg12[%get3A_279, %get3A_280] {strides = array<i32>} : memref<128x64xf32, #tpu.memory_space<vmem>>, vector<1x16xf32>,
          %get3A_282 = vector.shape_cast %get3A_281 : vector<1x16xf32> to vector<16xf32>
          %mul3A_283 = arith.mulf %get3A_282, %gather3A_278 : vector<16xf32>
          %swap3A_284 = arith.index_cast %add3A_248 : i32 to index
          %swap3A_285 = arith.constant 32 : index
          %swap3A_286 = tpu.vector_load %arg12[%swap3A_284, %swap3A_285] {strides = array<i32>} : memref<128x64xf32, #tpu.memory_space<vmem>>, vector<1x16xf32>,
          %swap3A_287 = vector.shape_cast %swap3A_286 : vector<1x16xf32> to vector<16xf32>
          %swap3A_288 = vector.shape_cast %mul3A_283 : vector<16xf32> to vector<1x16xf32>
          tpu.vector_store %arg12[%swap3A_284, %swap3A_285], %swap3A_288 {strides = array<i32>} : memref<128x64xf32, #tpu.memory_space<vmem>>, vector<1x16xf32>,
          %broadcast_in_dim3A_289 = arith.constant 3 : i32
          %broadcast_in_dim3A_290 = vector.broadcast %broadcast_in_dim3A_289 : i32 to vector<16x1xi32>
          %gather3A_291 = vector.shape_cast %broadcast_in_dim3A_290 : vector<16x1xi32> to vector<16xi32>
          %gather3A_292 = tpu.dynamic_gather %get3A_244[%gather3A_291] in [0] : vector<16xf32>, vector<16xi32> -> vector<16xf32>
          %get3A_293 = arith.index_cast %add3A_248 : i32 to index
          %get3A_294 = arith.constant 48 : index
          %get3A_295 = tpu.vector_load %arg12[%get3A_293, %get3A_294] {strides = array<i32>} : memref<128x64xf32, #tpu.memory_space<vmem>>, vector<1x16xf32>,
          %get3A_296 = vector.shape_cast %get3A_295 : vector<1x16xf32> to vector<16xf32>
          %mul3A_297 = arith.mulf %get3A_296, %gather3A_292 : vector<16xf32>
          %swap3A_298 = arith.index_cast %add3A_248 : i32 to index
          %swap3A_299 = arith.constant 48 : index
          %swap3A_300 = tpu.vector_load %arg12[%swap3A_298, %swap3A_299] {strides = array<i32>} : memref<128x64xf32, #tpu.memory_space<vmem>>, vector<1x16xf32>,
          %swap3A_301 = vector.shape_cast %swap3A_300 : vector<1x16xf32> to vector<16xf32>
          %swap3A_302 = vector.shape_cast %mul3A_297 : vector<16xf32> to vector<1x16xf32>
          tpu.vector_store %arg12[%swap3A_298, %swap3A_299], %swap3A_302 {strides = array<i32>} : memref<128x64xf32, #tpu.memory_space<vmem>>, vector<1x16xf32>,
          %mul3A_303 = arith.constant 4 : i32
          %mul3A_304 = arith.muli %scan3A_237, %mul3A_303 : i32
          %add3A_305 = arith.constant 1 : i32
          %add3A_306 = arith.addi %mul3A_304, %add3A_305 : i32
          %broadcast_in_dim3A_307 = arith.constant 4 : i32
          %broadcast_in_dim3A_308 = vector.broadcast %broadcast_in_dim3A_307 : i32 to vector<16x1xi32>
          %gather3A_309 = vector.shape_cast %broadcast_in_dim3A_308 : vector<16x1xi32> to vector<16xi32>
          %gather3A_310 = tpu.dynamic_gather %get3A_244[%gather3A_309] in [0] : vector<16xf32>, vector<16xi32> -> vector<16xf32>
          %get3A_311 = arith.index_cast %add3A_306 : i32 to index
          %get3A_312 = arith.constant 0 : index
          %get3A_313 = tpu.vector_load %arg12[%get3A_311, %get3A_312] {strides = array<i32>} : memref<128x64xf32, #tpu.memory_space<vmem>>, vector<1x16xf32>,
          %get3A_314 = vector.shape_cast %get3A_313 : vector<1x16xf32> to vector<16xf32>
          %mul3A_315 = arith.mulf %get3A_314, %gather3A_310 : vector<16xf32>
          %swap3A_316 = arith.index_cast %add3A_306 : i32 to index
          %swap3A_317 = arith.constant 0 : index
          %swap3A_318 = tpu.vector_load %arg12[%swap3A_316, %swap3A_317] {strides = array<i32>} : memref<128x64xf32, #tpu.memory_space<vmem>>, vector<1x16xf32>,
          %swap3A_319 = vector.shape_cast %swap3A_318 : vector<1x16xf32> to vector<16xf32>
          %swap3A_320 = vector.shape_cast %mul3A_315 : vector<16xf32> to vector<1x16xf32>
          tpu.vector_store %arg12[%swap3A_316, %swap3A_317], %swap3A_320 {strides = array<i32>} : memref<128x64xf32, #tpu.memory_space<vmem>>, vector<1x16xf32>,
          %broadcast_in_dim3A_321 = arith.constant 5 : i32
          %broadcast_in_dim3A_322 = vector.broadcast %broadcast_in_dim3A_321 : i32 to vector<16x1xi32>
          %gather3A_323 = vector.shape_cast %broadcast_in_dim3A_322 : vector<16x1xi32> to vector<16xi32>
          %gather3A_324 = tpu.dynamic_gather %get3A_244[%gather3A_323] in [0] : vector<16xf32>, vector<16xi32> -> vector<16xf32>
          %get3A_325 = arith.index_cast %add3A_306 : i32 to index
          %get3A_326 = arith.constant 16 : index
          %get3A_327 = tpu.vector_load %arg12[%get3A_325, %get3A_326] {strides = array<i32>} : memref<128x64xf32, #tpu.memory_space<vmem>>, vector<1x16xf32>,
          %get3A_328 = vector.shape_cast %get3A_327 : vector<1x16xf32> to vector<16xf32>
          %mul3A_329 = arith.mulf %get3A_328, %gather3A_324 : vector<16xf32>
          %swap3A_330 = arith.index_cast %add3A_306 : i32 to index
          %swap3A_331 = arith.constant 16 : index
          %swap3A_332 = tpu.vector_load %arg12[%swap3A_330, %swap3A_331] {strides = array<i32>} : memref<128x64xf32, #tpu.memory_space<vmem>>, vector<1x16xf32>,
          %swap3A_333 = vector.shape_cast %swap3A_332 : vector<1x16xf32> to vector<16xf32>
          %swap3A_334 = vector.shape_cast %mul3A_329 : vector<16xf32> to vector<1x16xf32>
          tpu.vector_store %arg12[%swap3A_330, %swap3A_331], %swap3A_334 {strides = array<i32>} : memref<128x64xf32, #tpu.memory_space<vmem>>, vector<1x16xf32>,
          %broadcast_in_dim3A_335 = arith.constant 6 : i32
          %broadcast_in_dim3A_336 = vector.broadcast %broadcast_in_dim3A_335 : i32 to vector<16x1xi32>
          %gather3A_337 = vector.shape_cast %broadcast_in_dim3A_336 : vector<16x1xi32> to vector<16xi32>
          %gather3A_338 = tpu.dynamic_gather %get3A_244[%gather3A_337] in [0] : vector<16xf32>, vector<16xi32> -> vector<16xf32>
          %get3A_339 = arith.index_cast %add3A_306 : i32 to index
          %get3A_340 = arith.constant 32 : index
          %get3A_341 = tpu.vector_load %arg12[%get3A_339, %get3A_340] {strides = array<i32>} : memref<128x64xf32, #tpu.memory_space<vmem>>, vector<1x16xf32>,
          %get3A_342 = vector.shape_cast %get3A_341 : vector<1x16xf32> to vector<16xf32>
          %mul3A_343 = arith.mulf %get3A_342, %gather3A_338 : vector<16xf32>
          %swap3A_344 = arith.index_cast %add3A_306 : i32 to index
          %swap3A_345 = arith.constant 32 : index
          %swap3A_346 = tpu.vector_load %arg12[%swap3A_344, %swap3A_345] {strides = array<i32>} : memref<128x64xf32, #tpu.memory_space<vmem>>, vector<1x16xf32>,
          %swap3A_347 = vector.shape_cast %swap3A_346 : vector<1x16xf32> to vector<16xf32>
          %swap3A_348 = vector.shape_cast %mul3A_343 : vector<16xf32> to vector<1x16xf32>
          tpu.vector_store %arg12[%swap3A_344, %swap3A_345], %swap3A_348 {strides = array<i32>} : memref<128x64xf32, #tpu.memory_space<vmem>>, vector<1x16xf32>,
          %broadcast_in_dim3A_349 = arith.constant 7 : i32
          %broadcast_in_dim3A_350 = vector.broadcast %broadcast_in_dim3A_349 : i32 to vector<16x1xi32>
          %gather3A_351 = vector.shape_cast %broadcast_in_dim3A_350 : vector<16x1xi32> to vector<16xi32>
          %gather3A_352 = tpu.dynamic_gather %get3A_244[%gather3A_351] in [0] : vector<16xf32>, vector<16xi32> -> vector<16xf32>
          %get3A_353 = arith.index_cast %add3A_306 : i32 to index
          %get3A_354 = arith.constant 48 : index
          %get3A_355 = tpu.vector_load %arg12[%get3A_353, %get3A_354] {strides = array<i32>} : memref<128x64xf32, #tpu.memory_space<vmem>>, vector<1x16xf32>,
          %get3A_356 = vector.shape_cast %get3A_355 : vector<1x16xf32> to vector<16xf32>
          %mul3A_357 = arith.mulf %get3A_356, %gather3A_352 : vector<16xf32>
          %swap3A_358 = arith.index_cast %add3A_306 : i32 to index
          %swap3A_359 = arith.constant 48 : index
          %swap3A_360 = tpu.vector_load %arg12[%swap3A_358, %swap3A_359] {strides = array<i32>} : memref<128x64xf32, #tpu.memory_space<vmem>>, vector<1x16xf32>,
          %swap3A_361 = vector.shape_cast %swap3A_360 : vector<1x16xf32> to vector<16xf32>
          %swap3A_362 = vector.shape_cast %mul3A_357 : vector<16xf32> to vector<1x16xf32>
          tpu.vector_store %arg12[%swap3A_358, %swap3A_359], %swap3A_362 {strides = array<i32>} : memref<128x64xf32, #tpu.memory_space<vmem>>, vector<1x16xf32>,
          %mul3A_363 = arith.constant 4 : i32
          %mul3A_364 = arith.muli %scan3A_237, %mul3A_363 : i32
          %add3A_365 = arith.constant 2 : i32
          %add3A_366 = arith.addi %mul3A_364, %add3A_365 : i32
          %broadcast_in_dim3A_367 = arith.constant 8 : i32
          %broadcast_in_dim3A_368 = vector.broadcast %broadcast_in_dim3A_367 : i32 to vector<16x1xi32>
          %gather3A_369 = vector.shape_cast %broadcast_in_dim3A_368 : vector<16x1xi32> to vector<16xi32>
          %gather3A_370 = tpu.dynamic_gather %get3A_244[%gather3A_369] in [0] : vector<16xf32>, vector<16xi32> -> vector<16xf32>
          %get3A_371 = arith.index_cast %add3A_366 : i32 to index
          %get3A_372 = arith.constant 0 : index
          %get3A_373 = tpu.vector_load %arg12[%get3A_371, %get3A_372] {strides = array<i32>} : memref<128x64xf32, #tpu.memory_space<vmem>>, vector<1x16xf32>,
          %get3A_374 = vector.shape_cast %get3A_373 : vector<1x16xf32> to vector<16xf32>
          %mul3A_375 = arith.mulf %get3A_374, %gather3A_370 : vector<16xf32>
          %swap3A_376 = arith.index_cast %add3A_366 : i32 to index
          %swap3A_377 = arith.constant 0 : index
          %swap3A_378 = tpu.vector_load %arg12[%swap3A_376, %swap3A_377] {strides = array<i32>} : memref<128x64xf32, #tpu.memory_space<vmem>>, vector<1x16xf32>,
          %swap3A_379 = vector.shape_cast %swap3A_378 : vector<1x16xf32> to vector<16xf32>
          %swap3A_380 = vector.shape_cast %mul3A_375 : vector<16xf32> to vector<1x16xf32>
          tpu.vector_store %arg12[%swap3A_376, %swap3A_377], %swap3A_380 {strides = array<i32>} : memref<128x64xf32, #tpu.memory_space<vmem>>, vector<1x16xf32>,
          %broadcast_in_dim3A_381 = arith.constant 9 : i32
          %broadcast_in_dim3A_382 = vector.broadcast %broadcast_in_dim3A_381 : i32 to vector<16x1xi32>
          %gather3A_383 = vector.shape_cast %broadcast_in_dim3A_382 : vector<16x1xi32> to vector<16xi32>
          %gather3A_384 = tpu.dynamic_gather %get3A_244[%gather3A_383] in [0] : vector<16xf32>, vector<16xi32> -> vector<16xf32>
          %get3A_385 = arith.index_cast %add3A_366 : i32 to index
          %get3A_386 = arith.constant 16 : index
          %get3A_387 = tpu.vector_load %arg12[%get3A_385, %get3A_386] {strides = array<i32>} : memref<128x64xf32, #tpu.memory_space<vmem>>, vector<1x16xf32>,
          %get3A_388 = vector.shape_cast %get3A_387 : vector<1x16xf32> to vector<16xf32>
          %mul3A_389 = arith.mulf %get3A_388, %gather3A_384 : vector<16xf32>
          %swap3A_390 = arith.index_cast %add3A_366 : i32 to index
          %swap3A_391 = arith.constant 16 : index
          %swap3A_392 = tpu.vector_load %arg12[%swap3A_390, %swap3A_391] {strides = array<i32>} : memref<128x64xf32, #tpu.memory_space<vmem>>, vector<1x16xf32>,
          %swap3A_393 = vector.shape_cast %swap3A_392 : vector<1x16xf32> to vector<16xf32>
          %swap3A_394 = vector.shape_cast %mul3A_389 : vector<16xf32> to vector<1x16xf32>
          tpu.vector_store %arg12[%swap3A_390, %swap3A_391], %swap3A_394 {strides = array<i32>} : memref<128x64xf32, #tpu.memory_space<vmem>>, vector<1x16xf32>,
          %broadcast_in_dim3A_395 = arith.constant 10 : i32
          %broadcast_in_dim3A_396 = vector.broadcast %broadcast_in_dim3A_395 : i32 to vector<16x1xi32>
          %gather3A_397 = vector.shape_cast %broadcast_in_dim3A_396 : vector<16x1xi32> to vector<16xi32>
          %gather3A_398 = tpu.dynamic_gather %get3A_244[%gather3A_397] in [0] : vector<16xf32>, vector<16xi32> -> vector<16xf32>
          %get3A_399 = arith.index_cast %add3A_366 : i32 to index
          %get3A_400 = arith.constant 32 : index
          %get3A_401 = tpu.vector_load %arg12[%get3A_399, %get3A_400] {strides = array<i32>} : memref<128x64xf32, #tpu.memory_space<vmem>>, vector<1x16xf32>,
          %get3A_402 = vector.shape_cast %get3A_401 : vector<1x16xf32> to vector<16xf32>
          %mul3A_403 = arith.mulf %get3A_402, %gather3A_398 : vector<16xf32>
          %swap3A_404 = arith.index_cast %add3A_366 : i32 to index
          %swap3A_405 = arith.constant 32 : index
          %swap3A_406 = tpu.vector_load %arg12[%swap3A_404, %swap3A_405] {strides = array<i32>} : memref<128x64xf32, #tpu.memory_space<vmem>>, vector<1x16xf32>,
          %swap3A_407 = vector.shape_cast %swap3A_406 : vector<1x16xf32> to vector<16xf32>
          %swap3A_408 = vector.shape_cast %mul3A_403 : vector<16xf32> to vector<1x16xf32>
          tpu.vector_store %arg12[%swap3A_404, %swap3A_405], %swap3A_408 {strides = array<i32>} : memref<128x64xf32, #tpu.memory_space<vmem>>, vector<1x16xf32>,
          %broadcast_in_dim3A_409 = arith.constant 11 : i32
          %broadcast_in_dim3A_410 = vector.broadcast %broadcast_in_dim3A_409 : i32 to vector<16x1xi32>
          %gather3A_411 = vector.shape_cast %broadcast_in_dim3A_410 : vector<16x1xi32> to vector<16xi32>
          %gather3A_412 = tpu.dynamic_gather %get3A_244[%gather3A_411] in [0] : vector<16xf32>, vector<16xi32> -> vector<16xf32>
          %get3A_413 = arith.index_cast %add3A_366 : i32 to index
          %get3A_414 = arith.constant 48 : index
          %get3A_415 = tpu.vector_load %arg12[%get3A_413, %get3A_414] {strides = array<i32>} : memref<128x64xf32, #tpu.memory_space<vmem>>, vector<1x16xf32>,
          %get3A_416 = vector.shape_cast %get3A_415 : vector<1x16xf32> to vector<16xf32>
          %mul3A_417 = arith.mulf %get3A_416, %gather3A_412 : vector<16xf32>
          %swap3A_418 = arith.index_cast %add3A_366 : i32 to index
          %swap3A_419 = arith.constant 48 : index
          %swap3A_420 = tpu.vector_load %arg12[%swap3A_418, %swap3A_419] {strides = array<i32>} : memref<128x64xf32, #tpu.memory_space<vmem>>, vector<1x16xf32>,
          %swap3A_421 = vector.shape_cast %swap3A_420 : vector<1x16xf32> to vector<16xf32>
          %swap3A_422 = vector.shape_cast %mul3A_417 : vector<16xf32> to vector<1x16xf32>
          tpu.vector_store %arg12[%swap3A_418, %swap3A_419], %swap3A_422 {strides = array<i32>} : memref<128x64xf32, #tpu.memory_space<vmem>>, vector<1x16xf32>,
          %mul3A_423 = arith.constant 4 : i32
          %mul3A_424 = arith.muli %scan3A_237, %mul3A_423 : i32
          %add3A_425 = arith.constant 3 : i32
          %add3A_426 = arith.addi %mul3A_424, %add3A_425 : i32
          %broadcast_in_dim3A_427 = arith.constant 12 : i32
          %broadcast_in_dim3A_428 = vector.broadcast %broadcast_in_dim3A_427 : i32 to vector<16x1xi32>
          %gather3A_429 = vector.shape_cast %broadcast_in_dim3A_428 : vector<16x1xi32> to vector<16xi32>
          %gather3A_430 = tpu.dynamic_gather %get3A_244[%gather3A_429] in [0] : vector<16xf32>, vector<16xi32> -> vector<16xf32>
          %get3A_431 = arith.index_cast %add3A_426 : i32 to index
          %get3A_432 = arith.constant 0 : index
          %get3A_433 = tpu.vector_load %arg12[%get3A_431, %get3A_432] {strides = array<i32>} : memref<128x64xf32, #tpu.memory_space<vmem>>, vector<1x16xf32>,
          %get3A_434 = vector.shape_cast %get3A_433 : vector<1x16xf32> to vector<16xf32>
          %mul3A_435 = arith.mulf %get3A_434, %gather3A_430 : vector<16xf32>
          %swap3A_436 = arith.index_cast %add3A_426 : i32 to index
          %swap3A_437 = arith.constant 0 : index
          %swap3A_438 = tpu.vector_load %arg12[%swap3A_436, %swap3A_437] {strides = array<i32>} : memref<128x64xf32, #tpu.memory_space<vmem>>, vector<1x16xf32>,
          %swap3A_439 = vector.shape_cast %swap3A_438 : vector<1x16xf32> to vector<16xf32>
          %swap3A_440 = vector.shape_cast %mul3A_435 : vector<16xf32> to vector<1x16xf32>
          tpu.vector_store %arg12[%swap3A_436, %swap3A_437], %swap3A_440 {strides = array<i32>} : memref<128x64xf32, #tpu.memory_space<vmem>>, vector<1x16xf32>,
          %broadcast_in_dim3A_441 = arith.constant 13 : i32
          %broadcast_in_dim3A_442 = vector.broadcast %broadcast_in_dim3A_441 : i32 to vector<16x1xi32>
          %gather3A_443 = vector.shape_cast %broadcast_in_dim3A_442 : vector<16x1xi32> to vector<16xi32>
          %gather3A_444 = tpu.dynamic_gather %get3A_244[%gather3A_443] in [0] : vector<16xf32>, vector<16xi32> -> vector<16xf32>
          %get3A_445 = arith.index_cast %add3A_426 : i32 to index
          %get3A_446 = arith.constant 16 : index
          %get3A_447 = tpu.vector_load %arg12[%get3A_445, %get3A_446] {strides = array<i32>} : memref<128x64xf32, #tpu.memory_space<vmem>>, vector<1x16xf32>,
          %get3A_448 = vector.shape_cast %get3A_447 : vector<1x16xf32> to vector<16xf32>
          %mul3A_449 = arith.mulf %get3A_448, %gather3A_444 : vector<16xf32>
          %swap3A_450 = arith.index_cast %add3A_426 : i32 to index
          %swap3A_451 = arith.constant 16 : index
          %swap3A_452 = tpu.vector_load %arg12[%swap3A_450, %swap3A_451] {strides = array<i32>} : memref<128x64xf32, #tpu.memory_space<vmem>>, vector<1x16xf32>,
          %swap3A_453 = vector.shape_cast %swap3A_452 : vector<1x16xf32> to vector<16xf32>
          %swap3A_454 = vector.shape_cast %mul3A_449 : vector<16xf32> to vector<1x16xf32>
          tpu.vector_store %arg12[%swap3A_450, %swap3A_451], %swap3A_454 {strides = array<i32>} : memref<128x64xf32, #tpu.memory_space<vmem>>, vector<1x16xf32>,
          %broadcast_in_dim3A_455 = arith.constant 14 : i32
          %broadcast_in_dim3A_456 = vector.broadcast %broadcast_in_dim3A_455 : i32 to vector<16x1xi32>
          %gather3A_457 = vector.shape_cast %broadcast_in_dim3A_456 : vector<16x1xi32> to vector<16xi32>
          %gather3A_458 = tpu.dynamic_gather %get3A_244[%gather3A_457] in [0] : vector<16xf32>, vector<16xi32> -> vector<16xf32>
          %get3A_459 = arith.index_cast %add3A_426 : i32 to index
          %get3A_460 = arith.constant 32 : index
          %get3A_461 = tpu.vector_load %arg12[%get3A_459, %get3A_460] {strides = array<i32>} : memref<128x64xf32, #tpu.memory_space<vmem>>, vector<1x16xf32>,
          %get3A_462 = vector.shape_cast %get3A_461 : vector<1x16xf32> to vector<16xf32>
          %mul3A_463 = arith.mulf %get3A_462, %gather3A_458 : vector<16xf32>
          %swap3A_464 = arith.index_cast %add3A_426 : i32 to index
          %swap3A_465 = arith.constant 32 : index
          %swap3A_466 = tpu.vector_load %arg12[%swap3A_464, %swap3A_465] {strides = array<i32>} : memref<128x64xf32, #tpu.memory_space<vmem>>, vector<1x16xf32>,
          %swap3A_467 = vector.shape_cast %swap3A_466 : vector<1x16xf32> to vector<16xf32>
          %swap3A_468 = vector.shape_cast %mul3A_463 : vector<16xf32> to vector<1x16xf32>
          tpu.vector_store %arg12[%swap3A_464, %swap3A_465], %swap3A_468 {strides = array<i32>} : memref<128x64xf32, #tpu.memory_space<vmem>>, vector<1x16xf32>,
          %broadcast_in_dim3A_469 = arith.constant 15 : i32
          %broadcast_in_dim3A_470 = vector.broadcast %broadcast_in_dim3A_469 : i32 to vector<16x1xi32>
          %gather3A_471 = vector.shape_cast %broadcast_in_dim3A_470 : vector<16x1xi32> to vector<16xi32>
          %gather3A_472 = tpu.dynamic_gather %get3A_244[%gather3A_471] in [0] : vector<16xf32>, vector<16xi32> -> vector<16xf32>
          %get3A_473 = arith.index_cast %add3A_426 : i32 to index
          %get3A_474 = arith.constant 48 : index
          %get3A_475 = tpu.vector_load %arg12[%get3A_473, %get3A_474] {strides = array<i32>} : memref<128x64xf32, #tpu.memory_space<vmem>>, vector<1x16xf32>,
          %get3A_476 = vector.shape_cast %get3A_475 : vector<1x16xf32> to vector<16xf32>
          %mul3A_477 = arith.mulf %get3A_476, %gather3A_472 : vector<16xf32>
          %swap3A_478 = arith.index_cast %add3A_426 : i32 to index
          %swap3A_479 = arith.constant 48 : index
          %swap3A_480 = tpu.vector_load %arg12[%swap3A_478, %swap3A_479] {strides = array<i32>} : memref<128x64xf32, #tpu.memory_space<vmem>>, vector<1x16xf32>,
          %swap3A_481 = vector.shape_cast %swap3A_480 : vector<1x16xf32> to vector<16xf32>
          %swap3A_482 = vector.shape_cast %mul3A_477 : vector<16xf32> to vector<1x16xf32>
          tpu.vector_store %arg12[%swap3A_478, %swap3A_479], %swap3A_482 {strides = array<i32>} : memref<128x64xf32, #tpu.memory_space<vmem>>, vector<1x16xf32>,
          %scan3A_483 = arith.constant 0 : i32
          scf.yield %scan3A_483 : i32
        }
        %scan3A_193 = arith.constant 32 : i32
        %dma_start3A_194 = arith.constant 0 : i32
        %dma_start3A_195 = tpu.memref_slice %arg8[%add3A_167, %dma_start3A_194] : memref<8x128xi32, #tpu.memory_space<vmem>> -> memref<1x128xi32, #tpu.memory_space<vmem>>
        %dma_start3A_196 = tpu.memref_squeeze %dma_start3A_195 : memref<1x128xi32, #tpu.memory_space<vmem>> -> memref<128xi32, #tpu.memory_space<vmem>>
        %dma_start3A_197 = arith.constant 0 : i32
        %dma_start3A_198 = arith.constant 0 : i32
        %dma_start3A_199 = tpu.memref_slice %arg14[%dma_start3A_197, %dma_start3A_198] : memref<10000x64xf32, #tpu.memory_space<vmem_shared>> -> memref<10000x64xf32, #tpu.memory_space<vmem_shared>>
        tpu.enqueue_indirect_dma source(%arg12 : memref<128x64xf32, #tpu.memory_space<vmem>>) target(%dma_start3A_199 : memref<10000x64xf32, #tpu.memory_space<vmem_shared>>) offsets(%dma_start3A_196 : memref<128xi32, #tpu.memory_space<vmem>>) semaphore(%arg21 : memref<!tpu.dma_semaphore, #tpu.memory_space<semaphore_mem>>) {add = true}
        %mul3A_200 = arith.constant 4 : i32
        %mul3A_201 = arith.muli %scan3A_95, %mul3A_200 : i32
        %add3A_202 = arith.constant 3 : i32
        %add3A_203 = arith.addi %mul3A_201, %add3A_202 : i32
        %ge3A_204 = arith.constant 3 : i32
        %ge3A_205 = arith.cmpi sge, %add3A_203, %ge3A_204 : i32
        %lt3A_206 = arith.constant 7 : i32
        %lt3A_207 = arith.cmpi slt, %add3A_203, %lt3A_206 : i32
        %and3A_208 = arith.andi %ge3A_205, %lt3A_207 : i1
        %convert_element_type3A_209 = arith.extui %and3A_208 : i1 to i32
        %cond3A_210 = arith.constant 0 : i32
        %cond3A_211 = arith.cmpi ne, %convert_element_type3A_209, %cond3A_210 : i32
        scf.if %cond3A_211 {
          %sub3A = arith.constant 3 : i32
          %sub3A_237 = arith.subi %add3A_203, %sub3A : i32
          %dma_wait3A_238 = arith.constant 0 : i32
          %dma_wait3A_239 = tpu.memref_slice %arg8[%sub3A_237, %dma_wait3A_238] : memref<8x128xi32, #tpu.memory_space<vmem>> -> memref<1x128xi32, #tpu.memory_space<vmem>>
          %dma_wait3A_240 = tpu.memref_squeeze %dma_wait3A_239 : memref<1x128xi32, #tpu.memory_space<vmem>> -> memref<128xi32, #tpu.memory_space<vmem>>
          %dma_wait3A_241 = arith.constant 0 : i32
          %dma_wait3A_242 = arith.constant 0 : i32
          %dma_wait3A_243 = tpu.memref_slice %arg14[%dma_wait3A_241, %dma_wait3A_242] : memref<10000x64xf32, #tpu.memory_space<vmem_shared>> -> memref<10000x64xf32, #tpu.memory_space<vmem_shared>>
          tpu.wait_indirect_dma semaphore(%arg19 : memref<!tpu.dma_semaphore, #tpu.memory_space<semaphore_mem>>) src(%arg10 : memref<128x64xf32, #tpu.memory_space<vmem>>) dst(%dma_wait3A_243 : memref<10000x64xf32, #tpu.memory_space<vmem_shared>>)
        } else {
        }
        %lt3A_212 = arith.constant 7 : i32
        %lt3A_213 = arith.cmpi slt, %add3A_203, %lt3A_212 : i32
        %convert_element_type3A_214 = arith.extui %lt3A_213 : i1 to i32
        %cond3A_215 = arith.constant 0 : i32
        %cond3A_216 = arith.cmpi ne, %convert_element_type3A_214, %cond3A_215 : i32
        scf.if %cond3A_216 {
          %add3A_237 = arith.constant 1 : i32
          %add3A_238 = arith.addi %add3A_203, %add3A_237 : i32
          %dma_start3A_239 = arith.constant 0 : i32
          %dma_start3A_240 = tpu.memref_slice %arg7[%add3A_238, %dma_start3A_239] : memref<8x128xi32, #tpu.memory_space<vmem>> -> memref<1x128xi32, #tpu.memory_space<vmem>>
          %dma_start3A_241 = tpu.memref_squeeze %dma_start3A_240 : memref<1x128xi32, #tpu.memory_space<vmem>> -> memref<128xi32, #tpu.memory_space<vmem>>
          %dma_start3A_242 = arith.constant 0 : i32
          %dma_start3A_243 = arith.constant 0 : i32
          %dma_start3A_244 = tpu.memref_slice %arg2[%dma_start3A_242, %dma_start3A_243] : memref<20000x64xf32, #tpu.memory_space<hbm>> -> memref<20000x64xf32, #tpu.memory_space<hbm>>
          tpu.enqueue_indirect_dma source(%dma_start3A_244 : memref<20000x64xf32, #tpu.memory_space<hbm>>) target(%arg10 : memref<128x64xf32, #tpu.memory_space<vmem>>) offsets(%dma_start3A_241 : memref<128xi32, #tpu.memory_space<vmem>>) semaphore(%arg15 : memref<!tpu.dma_semaphore, #tpu.memory_space<semaphore_mem>>)
        } else {
        }
        %dma_wait3A_217 = arith.constant 0 : i32
        %dma_wait3A_218 = tpu.memref_slice %arg7[%add3A_203, %dma_wait3A_217] : memref<8x128xi32, #tpu.memory_space<vmem>> -> memref<1x128xi32, #tpu.memory_space<vmem>>
        %dma_wait3A_219 = tpu.memref_squeeze %dma_wait3A_218 : memref<1x128xi32, #tpu.memory_space<vmem>> -> memref<128xi32, #tpu.memory_space<vmem>>
        %dma_wait3A_220 = arith.constant 0 : i32
        %dma_wait3A_221 = arith.constant 0 : i32
        %dma_wait3A_222 = tpu.memref_slice %arg2[%dma_wait3A_220, %dma_wait3A_221] : memref<20000x64xf32, #tpu.memory_space<hbm>> -> memref<20000x64xf32, #tpu.memory_space<hbm>>
        tpu.wait_indirect_dma semaphore(%arg18 : memref<!tpu.dma_semaphore, #tpu.memory_space<semaphore_mem>>) src(%dma_wait3A_222 : memref<20000x64xf32, #tpu.memory_space<hbm>>) dst(%arg13 : memref<128x64xf32, #tpu.memory_space<vmem>>)
        %scan3A_223 = arith.constant 0 : i32
        %scan3A_224 = arith.constant 0 : i32
        %scan3A_225 = arith.constant 32 : i32
        %scan3A_226 = arith.addi %scan3A_224, %scan3A_225 : i32
        %scan3A_227 = arith.constant 1 : i32
        %scan3A_228 = scf.for %scan3A_237 = %scan3A_224 to %scan3A_226 step %scan3A_227 iter_args(%scan3A_238 = %scan3A_223) -> (i32)  : i32 {
          %mul3A_239 = arith.constant 32 : i32
          %mul3A_240 = arith.muli %add3A_203, %mul3A_239 : i32
          %add3A_241 = arith.addi %mul3A_240, %scan3A_237 : i32
          %get3A = arith.index_cast %add3A_241 : i32 to index
          %get3A_242 = arith.constant 0 : index
          %get3A_243 = tpu.vector_load %arg9[%get3A, %get3A_242] {strides = array<i32>} : memref<256x16xf32, #tpu.memory_space<vmem>>, vector<1x16xf32>,
          %get3A_244 = vector.shape_cast %get3A_243 : vector<1x16xf32> to vector<16xf32>
          %mul3A_245 = arith.constant 4 : i32
          %mul3A_246 = arith.muli %scan3A_237, %mul3A_245 : i32
          %add3A_247 = arith.constant 0 : i32
          %add3A_248 = arith.addi %mul3A_246, %add3A_247 : i32
          %broadcast_in_dim3A_249 = arith.constant 0 : i32
          %broadcast_in_dim3A_250 = vector.broadcast %broadcast_in_dim3A_249 : i32 to vector<16x1xi32>
          %gather3A = vector.shape_cast %broadcast_in_dim3A_250 : vector<16x1xi32> to vector<16xi32>
          %gather3A_251 = tpu.dynamic_gather %get3A_244[%gather3A] in [0] : vector<16xf32>, vector<16xi32> -> vector<16xf32>
          %get3A_252 = arith.index_cast %add3A_248 : i32 to index
          %get3A_253 = arith.constant 0 : index
          %get3A_254 = tpu.vector_load %arg13[%get3A_252, %get3A_253] {strides = array<i32>} : memref<128x64xf32, #tpu.memory_space<vmem>>, vector<1x16xf32>,
          %get3A_255 = vector.shape_cast %get3A_254 : vector<1x16xf32> to vector<16xf32>
          %mul3A_256 = arith.mulf %get3A_255, %gather3A_251 : vector<16xf32>
          %swap3A = arith.index_cast %add3A_248 : i32 to index
          %swap3A_257 = arith.constant 0 : index
          %swap3A_258 = tpu.vector_load %arg13[%swap3A, %swap3A_257] {strides = array<i32>} : memref<128x64xf32, #tpu.memory_space<vmem>>, vector<1x16xf32>,
          %swap3A_259 = vector.shape_cast %swap3A_258 : vector<1x16xf32> to vector<16xf32>
          %swap3A_260 = vector.shape_cast %mul3A_256 : vector<16xf32> to vector<1x16xf32>
          tpu.vector_store %arg13[%swap3A, %swap3A_257], %swap3A_260 {strides = array<i32>} : memref<128x64xf32, #tpu.memory_space<vmem>>, vector<1x16xf32>,
          %broadcast_in_dim3A_261 = arith.constant 1 : i32
          %broadcast_in_dim3A_262 = vector.broadcast %broadcast_in_dim3A_261 : i32 to vector<16x1xi32>
          %gather3A_263 = vector.shape_cast %broadcast_in_dim3A_262 : vector<16x1xi32> to vector<16xi32>
          %gather3A_264 = tpu.dynamic_gather %get3A_244[%gather3A_263] in [0] : vector<16xf32>, vector<16xi32> -> vector<16xf32>
          %get3A_265 = arith.index_cast %add3A_248 : i32 to index
          %get3A_266 = arith.constant 16 : index
          %get3A_267 = tpu.vector_load %arg13[%get3A_265, %get3A_266] {strides = array<i32>} : memref<128x64xf32, #tpu.memory_space<vmem>>, vector<1x16xf32>,
          %get3A_268 = vector.shape_cast %get3A_267 : vector<1x16xf32> to vector<16xf32>
          %mul3A_269 = arith.mulf %get3A_268, %gather3A_264 : vector<16xf32>
          %swap3A_270 = arith.index_cast %add3A_248 : i32 to index
          %swap3A_271 = arith.constant 16 : index
          %swap3A_272 = tpu.vector_load %arg13[%swap3A_270, %swap3A_271] {strides = array<i32>} : memref<128x64xf32, #tpu.memory_space<vmem>>, vector<1x16xf32>,
          %swap3A_273 = vector.shape_cast %swap3A_272 : vector<1x16xf32> to vector<16xf32>
          %swap3A_274 = vector.shape_cast %mul3A_269 : vector<16xf32> to vector<1x16xf32>
          tpu.vector_store %arg13[%swap3A_270, %swap3A_271], %swap3A_274 {strides = array<i32>} : memref<128x64xf32, #tpu.memory_space<vmem>>, vector<1x16xf32>,
          %broadcast_in_dim3A_275 = arith.constant 2 : i32
          %broadcast_in_dim3A_276 = vector.broadcast %broadcast_in_dim3A_275 : i32 to vector<16x1xi32>
          %gather3A_277 = vector.shape_cast %broadcast_in_dim3A_276 : vector<16x1xi32> to vector<16xi32>
          %gather3A_278 = tpu.dynamic_gather %get3A_244[%gather3A_277] in [0] : vector<16xf32>, vector<16xi32> -> vector<16xf32>
          %get3A_279 = arith.index_cast %add3A_248 : i32 to index
          %get3A_280 = arith.constant 32 : index
          %get3A_281 = tpu.vector_load %arg13[%get3A_279, %get3A_280] {strides = array<i32>} : memref<128x64xf32, #tpu.memory_space<vmem>>, vector<1x16xf32>,
          %get3A_282 = vector.shape_cast %get3A_281 : vector<1x16xf32> to vector<16xf32>
          %mul3A_283 = arith.mulf %get3A_282, %gather3A_278 : vector<16xf32>
          %swap3A_284 = arith.index_cast %add3A_248 : i32 to index
          %swap3A_285 = arith.constant 32 : index
          %swap3A_286 = tpu.vector_load %arg13[%swap3A_284, %swap3A_285] {strides = array<i32>} : memref<128x64xf32, #tpu.memory_space<vmem>>, vector<1x16xf32>,
          %swap3A_287 = vector.shape_cast %swap3A_286 : vector<1x16xf32> to vector<16xf32>
          %swap3A_288 = vector.shape_cast %mul3A_283 : vector<16xf32> to vector<1x16xf32>
          tpu.vector_store %arg13[%swap3A_284, %swap3A_285], %swap3A_288 {strides = array<i32>} : memref<128x64xf32, #tpu.memory_space<vmem>>, vector<1x16xf32>,
          %broadcast_in_dim3A_289 = arith.constant 3 : i32
          %broadcast_in_dim3A_290 = vector.broadcast %broadcast_in_dim3A_289 : i32 to vector<16x1xi32>
          %gather3A_291 = vector.shape_cast %broadcast_in_dim3A_290 : vector<16x1xi32> to vector<16xi32>
          %gather3A_292 = tpu.dynamic_gather %get3A_244[%gather3A_291] in [0] : vector<16xf32>, vector<16xi32> -> vector<16xf32>
          %get3A_293 = arith.index_cast %add3A_248 : i32 to index
          %get3A_294 = arith.constant 48 : index
          %get3A_295 = tpu.vector_load %arg13[%get3A_293, %get3A_294] {strides = array<i32>} : memref<128x64xf32, #tpu.memory_space<vmem>>, vector<1x16xf32>,
          %get3A_296 = vector.shape_cast %get3A_295 : vector<1x16xf32> to vector<16xf32>
          %mul3A_297 = arith.mulf %get3A_296, %gather3A_292 : vector<16xf32>
          %swap3A_298 = arith.index_cast %add3A_248 : i32 to index
          %swap3A_299 = arith.constant 48 : index
          %swap3A_300 = tpu.vector_load %arg13[%swap3A_298, %swap3A_299] {strides = array<i32>} : memref<128x64xf32, #tpu.memory_space<vmem>>, vector<1x16xf32>,
          %swap3A_301 = vector.shape_cast %swap3A_300 : vector<1x16xf32> to vector<16xf32>
          %swap3A_302 = vector.shape_cast %mul3A_297 : vector<16xf32> to vector<1x16xf32>
          tpu.vector_store %arg13[%swap3A_298, %swap3A_299], %swap3A_302 {strides = array<i32>} : memref<128x64xf32, #tpu.memory_space<vmem>>, vector<1x16xf32>,
          %mul3A_303 = arith.constant 4 : i32
          %mul3A_304 = arith.muli %scan3A_237, %mul3A_303 : i32
          %add3A_305 = arith.constant 1 : i32
          %add3A_306 = arith.addi %mul3A_304, %add3A_305 : i32
          %broadcast_in_dim3A_307 = arith.constant 4 : i32
          %broadcast_in_dim3A_308 = vector.broadcast %broadcast_in_dim3A_307 : i32 to vector<16x1xi32>
          %gather3A_309 = vector.shape_cast %broadcast_in_dim3A_308 : vector<16x1xi32> to vector<16xi32>
          %gather3A_310 = tpu.dynamic_gather %get3A_244[%gather3A_309] in [0] : vector<16xf32>, vector<16xi32> -> vector<16xf32>
          %get3A_311 = arith.index_cast %add3A_306 : i32 to index
          %get3A_312 = arith.constant 0 : index
          %get3A_313 = tpu.vector_load %arg13[%get3A_311, %get3A_312] {strides = array<i32>} : memref<128x64xf32, #tpu.memory_space<vmem>>, vector<1x16xf32>,
          %get3A_314 = vector.shape_cast %get3A_313 : vector<1x16xf32> to vector<16xf32>
          %mul3A_315 = arith.mulf %get3A_314, %gather3A_310 : vector<16xf32>
          %swap3A_316 = arith.index_cast %add3A_306 : i32 to index
          %swap3A_317 = arith.constant 0 : index
          %swap3A_318 = tpu.vector_load %arg13[%swap3A_316, %swap3A_317] {strides = array<i32>} : memref<128x64xf32, #tpu.memory_space<vmem>>, vector<1x16xf32>,
          %swap3A_319 = vector.shape_cast %swap3A_318 : vector<1x16xf32> to vector<16xf32>
          %swap3A_320 = vector.shape_cast %mul3A_315 : vector<16xf32> to vector<1x16xf32>
          tpu.vector_store %arg13[%swap3A_316, %swap3A_317], %swap3A_320 {strides = array<i32>} : memref<128x64xf32, #tpu.memory_space<vmem>>, vector<1x16xf32>,
          %broadcast_in_dim3A_321 = arith.constant 5 : i32
          %broadcast_in_dim3A_322 = vector.broadcast %broadcast_in_dim3A_321 : i32 to vector<16x1xi32>
          %gather3A_323 = vector.shape_cast %broadcast_in_dim3A_322 : vector<16x1xi32> to vector<16xi32>
          %gather3A_324 = tpu.dynamic_gather %get3A_244[%gather3A_323] in [0] : vector<16xf32>, vector<16xi32> -> vector<16xf32>
          %get3A_325 = arith.index_cast %add3A_306 : i32 to index
          %get3A_326 = arith.constant 16 : index
          %get3A_327 = tpu.vector_load %arg13[%get3A_325, %get3A_326] {strides = array<i32>} : memref<128x64xf32, #tpu.memory_space<vmem>>, vector<1x16xf32>,
          %get3A_328 = vector.shape_cast %get3A_327 : vector<1x16xf32> to vector<16xf32>
          %mul3A_329 = arith.mulf %get3A_328, %gather3A_324 : vector<16xf32>
          %swap3A_330 = arith.index_cast %add3A_306 : i32 to index
          %swap3A_331 = arith.constant 16 : index
          %swap3A_332 = tpu.vector_load %arg13[%swap3A_330, %swap3A_331] {strides = array<i32>} : memref<128x64xf32, #tpu.memory_space<vmem>>, vector<1x16xf32>,
          %swap3A_333 = vector.shape_cast %swap3A_332 : vector<1x16xf32> to vector<16xf32>
          %swap3A_334 = vector.shape_cast %mul3A_329 : vector<16xf32> to vector<1x16xf32>
          tpu.vector_store %arg13[%swap3A_330, %swap3A_331], %swap3A_334 {strides = array<i32>} : memref<128x64xf32, #tpu.memory_space<vmem>>, vector<1x16xf32>,
          %broadcast_in_dim3A_335 = arith.constant 6 : i32
          %broadcast_in_dim3A_336 = vector.broadcast %broadcast_in_dim3A_335 : i32 to vector<16x1xi32>
          %gather3A_337 = vector.shape_cast %broadcast_in_dim3A_336 : vector<16x1xi32> to vector<16xi32>
          %gather3A_338 = tpu.dynamic_gather %get3A_244[%gather3A_337] in [0] : vector<16xf32>, vector<16xi32> -> vector<16xf32>
          %get3A_339 = arith.index_cast %add3A_306 : i32 to index
          %get3A_340 = arith.constant 32 : index
          %get3A_341 = tpu.vector_load %arg13[%get3A_339, %get3A_340] {strides = array<i32>} : memref<128x64xf32, #tpu.memory_space<vmem>>, vector<1x16xf32>,
          %get3A_342 = vector.shape_cast %get3A_341 : vector<1x16xf32> to vector<16xf32>
          %mul3A_343 = arith.mulf %get3A_342, %gather3A_338 : vector<16xf32>
          %swap3A_344 = arith.index_cast %add3A_306 : i32 to index
          %swap3A_345 = arith.constant 32 : index
          %swap3A_346 = tpu.vector_load %arg13[%swap3A_344, %swap3A_345] {strides = array<i32>} : memref<128x64xf32, #tpu.memory_space<vmem>>, vector<1x16xf32>,
          %swap3A_347 = vector.shape_cast %swap3A_346 : vector<1x16xf32> to vector<16xf32>
          %swap3A_348 = vector.shape_cast %mul3A_343 : vector<16xf32> to vector<1x16xf32>
          tpu.vector_store %arg13[%swap3A_344, %swap3A_345], %swap3A_348 {strides = array<i32>} : memref<128x64xf32, #tpu.memory_space<vmem>>, vector<1x16xf32>,
          %broadcast_in_dim3A_349 = arith.constant 7 : i32
          %broadcast_in_dim3A_350 = vector.broadcast %broadcast_in_dim3A_349 : i32 to vector<16x1xi32>
          %gather3A_351 = vector.shape_cast %broadcast_in_dim3A_350 : vector<16x1xi32> to vector<16xi32>
          %gather3A_352 = tpu.dynamic_gather %get3A_244[%gather3A_351] in [0] : vector<16xf32>, vector<16xi32> -> vector<16xf32>
          %get3A_353 = arith.index_cast %add3A_306 : i32 to index
          %get3A_354 = arith.constant 48 : index
          %get3A_355 = tpu.vector_load %arg13[%get3A_353, %get3A_354] {strides = array<i32>} : memref<128x64xf32, #tpu.memory_space<vmem>>, vector<1x16xf32>,
          %get3A_356 = vector.shape_cast %get3A_355 : vector<1x16xf32> to vector<16xf32>
          %mul3A_357 = arith.mulf %get3A_356, %gather3A_352 : vector<16xf32>
          %swap3A_358 = arith.index_cast %add3A_306 : i32 to index
          %swap3A_359 = arith.constant 48 : index
          %swap3A_360 = tpu.vector_load %arg13[%swap3A_358, %swap3A_359] {strides = array<i32>} : memref<128x64xf32, #tpu.memory_space<vmem>>, vector<1x16xf32>,
          %swap3A_361 = vector.shape_cast %swap3A_360 : vector<1x16xf32> to vector<16xf32>
          %swap3A_362 = vector.shape_cast %mul3A_357 : vector<16xf32> to vector<1x16xf32>
          tpu.vector_store %arg13[%swap3A_358, %swap3A_359], %swap3A_362 {strides = array<i32>} : memref<128x64xf32, #tpu.memory_space<vmem>>, vector<1x16xf32>,
          %mul3A_363 = arith.constant 4 : i32
          %mul3A_364 = arith.muli %scan3A_237, %mul3A_363 : i32
          %add3A_365 = arith.constant 2 : i32
          %add3A_366 = arith.addi %mul3A_364, %add3A_365 : i32
          %broadcast_in_dim3A_367 = arith.constant 8 : i32
          %broadcast_in_dim3A_368 = vector.broadcast %broadcast_in_dim3A_367 : i32 to vector<16x1xi32>
          %gather3A_369 = vector.shape_cast %broadcast_in_dim3A_368 : vector<16x1xi32> to vector<16xi32>
          %gather3A_370 = tpu.dynamic_gather %get3A_244[%gather3A_369] in [0] : vector<16xf32>, vector<16xi32> -> vector<16xf32>
          %get3A_371 = arith.index_cast %add3A_366 : i32 to index
          %get3A_372 = arith.constant 0 : index
          %get3A_373 = tpu.vector_load %arg13[%get3A_371, %get3A_372] {strides = array<i32>} : memref<128x64xf32, #tpu.memory_space<vmem>>, vector<1x16xf32>,
          %get3A_374 = vector.shape_cast %get3A_373 : vector<1x16xf32> to vector<16xf32>
          %mul3A_375 = arith.mulf %get3A_374, %gather3A_370 : vector<16xf32>
          %swap3A_376 = arith.index_cast %add3A_366 : i32 to index
          %swap3A_377 = arith.constant 0 : index
          %swap3A_378 = tpu.vector_load %arg13[%swap3A_376, %swap3A_377] {strides = array<i32>} : memref<128x64xf32, #tpu.memory_space<vmem>>, vector<1x16xf32>,
          %swap3A_379 = vector.shape_cast %swap3A_378 : vector<1x16xf32> to vector<16xf32>
          %swap3A_380 = vector.shape_cast %mul3A_375 : vector<16xf32> to vector<1x16xf32>
          tpu.vector_store %arg13[%swap3A_376, %swap3A_377], %swap3A_380 {strides = array<i32>} : memref<128x64xf32, #tpu.memory_space<vmem>>, vector<1x16xf32>,
          %broadcast_in_dim3A_381 = arith.constant 9 : i32
          %broadcast_in_dim3A_382 = vector.broadcast %broadcast_in_dim3A_381 : i32 to vector<16x1xi32>
          %gather3A_383 = vector.shape_cast %broadcast_in_dim3A_382 : vector<16x1xi32> to vector<16xi32>
          %gather3A_384 = tpu.dynamic_gather %get3A_244[%gather3A_383] in [0] : vector<16xf32>, vector<16xi32> -> vector<16xf32>
          %get3A_385 = arith.index_cast %add3A_366 : i32 to index
          %get3A_386 = arith.constant 16 : index
          %get3A_387 = tpu.vector_load %arg13[%get3A_385, %get3A_386] {strides = array<i32>} : memref<128x64xf32, #tpu.memory_space<vmem>>, vector<1x16xf32>,
          %get3A_388 = vector.shape_cast %get3A_387 : vector<1x16xf32> to vector<16xf32>
          %mul3A_389 = arith.mulf %get3A_388, %gather3A_384 : vector<16xf32>
          %swap3A_390 = arith.index_cast %add3A_366 : i32 to index
          %swap3A_391 = arith.constant 16 : index
          %swap3A_392 = tpu.vector_load %arg13[%swap3A_390, %swap3A_391] {strides = array<i32>} : memref<128x64xf32, #tpu.memory_space<vmem>>, vector<1x16xf32>,
          %swap3A_393 = vector.shape_cast %swap3A_392 : vector<1x16xf32> to vector<16xf32>
          %swap3A_394 = vector.shape_cast %mul3A_389 : vector<16xf32> to vector<1x16xf32>
          tpu.vector_store %arg13[%swap3A_390, %swap3A_391], %swap3A_394 {strides = array<i32>} : memref<128x64xf32, #tpu.memory_space<vmem>>, vector<1x16xf32>,
          %broadcast_in_dim3A_395 = arith.constant 10 : i32
          %broadcast_in_dim3A_396 = vector.broadcast %broadcast_in_dim3A_395 : i32 to vector<16x1xi32>
          %gather3A_397 = vector.shape_cast %broadcast_in_dim3A_396 : vector<16x1xi32> to vector<16xi32>
          %gather3A_398 = tpu.dynamic_gather %get3A_244[%gather3A_397] in [0] : vector<16xf32>, vector<16xi32> -> vector<16xf32>
          %get3A_399 = arith.index_cast %add3A_366 : i32 to index
          %get3A_400 = arith.constant 32 : index
          %get3A_401 = tpu.vector_load %arg13[%get3A_399, %get3A_400] {strides = array<i32>} : memref<128x64xf32, #tpu.memory_space<vmem>>, vector<1x16xf32>,
          %get3A_402 = vector.shape_cast %get3A_401 : vector<1x16xf32> to vector<16xf32>
          %mul3A_403 = arith.mulf %get3A_402, %gather3A_398 : vector<16xf32>
          %swap3A_404 = arith.index_cast %add3A_366 : i32 to index
          %swap3A_405 = arith.constant 32 : index
          %swap3A_406 = tpu.vector_load %arg13[%swap3A_404, %swap3A_405] {strides = array<i32>} : memref<128x64xf32, #tpu.memory_space<vmem>>, vector<1x16xf32>,
          %swap3A_407 = vector.shape_cast %swap3A_406 : vector<1x16xf32> to vector<16xf32>
          %swap3A_408 = vector.shape_cast %mul3A_403 : vector<16xf32> to vector<1x16xf32>
          tpu.vector_store %arg13[%swap3A_404, %swap3A_405], %swap3A_408 {strides = array<i32>} : memref<128x64xf32, #tpu.memory_space<vmem>>, vector<1x16xf32>,
          %broadcast_in_dim3A_409 = arith.constant 11 : i32
          %broadcast_in_dim3A_410 = vector.broadcast %broadcast_in_dim3A_409 : i32 to vector<16x1xi32>
          %gather3A_411 = vector.shape_cast %broadcast_in_dim3A_410 : vector<16x1xi32> to vector<16xi32>
          %gather3A_412 = tpu.dynamic_gather %get3A_244[%gather3A_411] in [0] : vector<16xf32>, vector<16xi32> -> vector<16xf32>
          %get3A_413 = arith.index_cast %add3A_366 : i32 to index
          %get3A_414 = arith.constant 48 : index
          %get3A_415 = tpu.vector_load %arg13[%get3A_413, %get3A_414] {strides = array<i32>} : memref<128x64xf32, #tpu.memory_space<vmem>>, vector<1x16xf32>,
          %get3A_416 = vector.shape_cast %get3A_415 : vector<1x16xf32> to vector<16xf32>
          %mul3A_417 = arith.mulf %get3A_416, %gather3A_412 : vector<16xf32>
          %swap3A_418 = arith.index_cast %add3A_366 : i32 to index
          %swap3A_419 = arith.constant 48 : index
          %swap3A_420 = tpu.vector_load %arg13[%swap3A_418, %swap3A_419] {strides = array<i32>} : memref<128x64xf32, #tpu.memory_space<vmem>>, vector<1x16xf32>,
          %swap3A_421 = vector.shape_cast %swap3A_420 : vector<1x16xf32> to vector<16xf32>
          %swap3A_422 = vector.shape_cast %mul3A_417 : vector<16xf32> to vector<1x16xf32>
          tpu.vector_store %arg13[%swap3A_418, %swap3A_419], %swap3A_422 {strides = array<i32>} : memref<128x64xf32, #tpu.memory_space<vmem>>, vector<1x16xf32>,
          %mul3A_423 = arith.constant 4 : i32
          %mul3A_424 = arith.muli %scan3A_237, %mul3A_423 : i32
          %add3A_425 = arith.constant 3 : i32
          %add3A_426 = arith.addi %mul3A_424, %add3A_425 : i32
          %broadcast_in_dim3A_427 = arith.constant 12 : i32
          %broadcast_in_dim3A_428 = vector.broadcast %broadcast_in_dim3A_427 : i32 to vector<16x1xi32>
          %gather3A_429 = vector.shape_cast %broadcast_in_dim3A_428 : vector<16x1xi32> to vector<16xi32>
          %gather3A_430 = tpu.dynamic_gather %get3A_244[%gather3A_429] in [0] : vector<16xf32>, vector<16xi32> -> vector<16xf32>
          %get3A_431 = arith.index_cast %add3A_426 : i32 to index
          %get3A_432 = arith.constant 0 : index
          %get3A_433 = tpu.vector_load %arg13[%get3A_431, %get3A_432] {strides = array<i32>} : memref<128x64xf32, #tpu.memory_space<vmem>>, vector<1x16xf32>,
          %get3A_434 = vector.shape_cast %get3A_433 : vector<1x16xf32> to vector<16xf32>
          %mul3A_435 = arith.mulf %get3A_434, %gather3A_430 : vector<16xf32>
          %swap3A_436 = arith.index_cast %add3A_426 : i32 to index
          %swap3A_437 = arith.constant 0 : index
          %swap3A_438 = tpu.vector_load %arg13[%swap3A_436, %swap3A_437] {strides = array<i32>} : memref<128x64xf32, #tpu.memory_space<vmem>>, vector<1x16xf32>,
          %swap3A_439 = vector.shape_cast %swap3A_438 : vector<1x16xf32> to vector<16xf32>
          %swap3A_440 = vector.shape_cast %mul3A_435 : vector<16xf32> to vector<1x16xf32>
          tpu.vector_store %arg13[%swap3A_436, %swap3A_437], %swap3A_440 {strides = array<i32>} : memref<128x64xf32, #tpu.memory_space<vmem>>, vector<1x16xf32>,
          %broadcast_in_dim3A_441 = arith.constant 13 : i32
          %broadcast_in_dim3A_442 = vector.broadcast %broadcast_in_dim3A_441 : i32 to vector<16x1xi32>
          %gather3A_443 = vector.shape_cast %broadcast_in_dim3A_442 : vector<16x1xi32> to vector<16xi32>
          %gather3A_444 = tpu.dynamic_gather %get3A_244[%gather3A_443] in [0] : vector<16xf32>, vector<16xi32> -> vector<16xf32>
          %get3A_445 = arith.index_cast %add3A_426 : i32 to index
          %get3A_446 = arith.constant 16 : index
          %get3A_447 = tpu.vector_load %arg13[%get3A_445, %get3A_446] {strides = array<i32>} : memref<128x64xf32, #tpu.memory_space<vmem>>, vector<1x16xf32>,
          %get3A_448 = vector.shape_cast %get3A_447 : vector<1x16xf32> to vector<16xf32>
          %mul3A_449 = arith.mulf %get3A_448, %gather3A_444 : vector<16xf32>
          %swap3A_450 = arith.index_cast %add3A_426 : i32 to index
          %swap3A_451 = arith.constant 16 : index
          %swap3A_452 = tpu.vector_load %arg13[%swap3A_450, %swap3A_451] {strides = array<i32>} : memref<128x64xf32, #tpu.memory_space<vmem>>, vector<1x16xf32>,
          %swap3A_453 = vector.shape_cast %swap3A_452 : vector<1x16xf32> to vector<16xf32>
          %swap3A_454 = vector.shape_cast %mul3A_449 : vector<16xf32> to vector<1x16xf32>
          tpu.vector_store %arg13[%swap3A_450, %swap3A_451], %swap3A_454 {strides = array<i32>} : memref<128x64xf32, #tpu.memory_space<vmem>>, vector<1x16xf32>,
          %broadcast_in_dim3A_455 = arith.constant 14 : i32
          %broadcast_in_dim3A_456 = vector.broadcast %broadcast_in_dim3A_455 : i32 to vector<16x1xi32>
          %gather3A_457 = vector.shape_cast %broadcast_in_dim3A_456 : vector<16x1xi32> to vector<16xi32>
          %gather3A_458 = tpu.dynamic_gather %get3A_244[%gather3A_457] in [0] : vector<16xf32>, vector<16xi32> -> vector<16xf32>
          %get3A_459 = arith.index_cast %add3A_426 : i32 to index
          %get3A_460 = arith.constant 32 : index
          %get3A_461 = tpu.vector_load %arg13[%get3A_459, %get3A_460] {strides = array<i32>} : memref<128x64xf32, #tpu.memory_space<vmem>>, vector<1x16xf32>,
          %get3A_462 = vector.shape_cast %get3A_461 : vector<1x16xf32> to vector<16xf32>
          %mul3A_463 = arith.mulf %get3A_462, %gather3A_458 : vector<16xf32>
          %swap3A_464 = arith.index_cast %add3A_426 : i32 to index
          %swap3A_465 = arith.constant 32 : index
          %swap3A_466 = tpu.vector_load %arg13[%swap3A_464, %swap3A_465] {strides = array<i32>} : memref<128x64xf32, #tpu.memory_space<vmem>>, vector<1x16xf32>,
          %swap3A_467 = vector.shape_cast %swap3A_466 : vector<1x16xf32> to vector<16xf32>
          %swap3A_468 = vector.shape_cast %mul3A_463 : vector<16xf32> to vector<1x16xf32>
          tpu.vector_store %arg13[%swap3A_464, %swap3A_465], %swap3A_468 {strides = array<i32>} : memref<128x64xf32, #tpu.memory_space<vmem>>, vector<1x16xf32>,
          %broadcast_in_dim3A_469 = arith.constant 15 : i32
          %broadcast_in_dim3A_470 = vector.broadcast %broadcast_in_dim3A_469 : i32 to vector<16x1xi32>
          %gather3A_471 = vector.shape_cast %broadcast_in_dim3A_470 : vector<16x1xi32> to vector<16xi32>
          %gather3A_472 = tpu.dynamic_gather %get3A_244[%gather3A_471] in [0] : vector<16xf32>, vector<16xi32> -> vector<16xf32>
          %get3A_473 = arith.index_cast %add3A_426 : i32 to index
          %get3A_474 = arith.constant 48 : index
          %get3A_475 = tpu.vector_load %arg13[%get3A_473, %get3A_474] {strides = array<i32>} : memref<128x64xf32, #tpu.memory_space<vmem>>, vector<1x16xf32>,
          %get3A_476 = vector.shape_cast %get3A_475 : vector<1x16xf32> to vector<16xf32>
          %mul3A_477 = arith.mulf %get3A_476, %gather3A_472 : vector<16xf32>
          %swap3A_478 = arith.index_cast %add3A_426 : i32 to index
          %swap3A_479 = arith.constant 48 : index
          %swap3A_480 = tpu.vector_load %arg13[%swap3A_478, %swap3A_479] {strides = array<i32>} : memref<128x64xf32, #tpu.memory_space<vmem>>, vector<1x16xf32>,
          %swap3A_481 = vector.shape_cast %swap3A_480 : vector<1x16xf32> to vector<16xf32>
          %swap3A_482 = vector.shape_cast %mul3A_477 : vector<16xf32> to vector<1x16xf32>
          tpu.vector_store %arg13[%swap3A_478, %swap3A_479], %swap3A_482 {strides = array<i32>} : memref<128x64xf32, #tpu.memory_space<vmem>>, vector<1x16xf32>,
          %scan3A_483 = arith.constant 0 : i32
          scf.yield %scan3A_483 : i32
        }
        %scan3A_229 = arith.constant 32 : i32
        %dma_start3A_230 = arith.constant 0 : i32
        %dma_start3A_231 = tpu.memref_slice %arg8[%add3A_203, %dma_start3A_230] : memref<8x128xi32, #tpu.memory_space<vmem>> -> memref<1x128xi32, #tpu.memory_space<vmem>>
        %dma_start3A_232 = tpu.memref_squeeze %dma_start3A_231 : memref<1x128xi32, #tpu.memory_space<vmem>> -> memref<128xi32, #tpu.memory_space<vmem>>
        %dma_start3A_233 = arith.constant 0 : i32
        %dma_start3A_234 = arith.constant 0 : i32
        %dma_start3A_235 = tpu.memref_slice %arg14[%dma_start3A_233, %dma_start3A_234] : memref<10000x64xf32, #tpu.memory_space<vmem_shared>> -> memref<10000x64xf32, #tpu.memory_space<vmem_shared>>
        tpu.enqueue_indirect_dma source(%arg13 : memref<128x64xf32, #tpu.memory_space<vmem>>) target(%dma_start3A_235 : memref<10000x64xf32, #tpu.memory_space<vmem_shared>>) offsets(%dma_start3A_232 : memref<128xi32, #tpu.memory_space<vmem>>) semaphore(%arg22 : memref<!tpu.dma_semaphore, #tpu.memory_space<semaphore_mem>>) {add = true}
        %scan3A_236 = arith.constant 0 : i32
        scf.yield %scan3A_236 : i32
      }
      %scan3A_66 = arith.constant 2 : i32
      %dma_wait3A = arith.constant 4 : i32
      %dma_wait3A_67 = arith.constant 0 : i32
      %dma_wait3A_68 = tpu.memref_slice %arg8[%dma_wait3A, %dma_wait3A_67] : memref<8x128xi32, #tpu.memory_space<vmem>> -> memref<1x128xi32, #tpu.memory_space<vmem>>
      %dma_wait3A_69 = tpu.memref_squeeze %dma_wait3A_68 : memref<1x128xi32, #tpu.memory_space<vmem>> -> memref<128xi32, #tpu.memory_space<vmem>>
      %dma_wait3A_70 = arith.constant 0 : i32
      %dma_wait3A_71 = arith.constant 0 : i32
      %dma_wait3A_72 = tpu.memref_slice %arg14[%dma_wait3A_70, %dma_wait3A_71] : memref<10000x64xf32, #tpu.memory_space<vmem_shared>> -> memref<10000x64xf32, #tpu.memory_space<vmem_shared>>
      tpu.wait_indirect_dma semaphore(%arg19 : memref<!tpu.dma_semaphore, #tpu.memory_space<semaphore_mem>>) src(%arg10 : memref<128x64xf32, #tpu.memory_space<vmem>>) dst(%dma_wait3A_72 : memref<10000x64xf32, #tpu.memory_space<vmem_shared>>)
      %dma_wait3A_73 = arith.constant 5 : i32
      %dma_wait3A_74 = arith.constant 0 : i32
      %dma_wait3A_75 = tpu.memref_slice %arg8[%dma_wait3A_73, %dma_wait3A_74] : memref<8x128xi32, #tpu.memory_space<vmem>> -> memref<1x128xi32, #tpu.memory_space<vmem>>
      %dma_wait3A_76 = tpu.memref_squeeze %dma_wait3A_75 : memref<1x128xi32, #tpu.memory_space<vmem>> -> memref<128xi32, #tpu.memory_space<vmem>>
      %dma_wait3A_77 = arith.constant 0 : i32
      %dma_wait3A_78 = arith.constant 0 : i32
      %dma_wait3A_79 = tpu.memref_slice %arg14[%dma_wait3A_77, %dma_wait3A_78] : memref<10000x64xf32, #tpu.memory_space<vmem_shared>> -> memref<10000x64xf32, #tpu.memory_space<vmem_shared>>
      tpu.wait_indirect_dma semaphore(%arg20 : memref<!tpu.dma_semaphore, #tpu.memory_space<semaphore_mem>>) src(%arg11 : memref<128x64xf32, #tpu.memory_space<vmem>>) dst(%dma_wait3A_79 : memref<10000x64xf32, #tpu.memory_space<vmem_shared>>)
      %dma_wait3A_80 = arith.constant 6 : i32
      %dma_wait3A_81 = arith.constant 0 : i32
      %dma_wait3A_82 = tpu.memref_slice %arg8[%dma_wait3A_80, %dma_wait3A_81] : memref<8x128xi32, #tpu.memory_space<vmem>> -> memref<1x128xi32, #tpu.memory_space<vmem>>
      %dma_wait3A_83 = tpu.memref_squeeze %dma_wait3A_82 : memref<1x128xi32, #tpu.memory_space<vmem>> -> memref<128xi32, #tpu.memory_space<vmem>>
      %dma_wait3A_84 = arith.constant 0 : i32
      %dma_wait3A_85 = arith.constant 0 : i32
      %dma_wait3A_86 = tpu.memref_slice %arg14[%dma_wait3A_84, %dma_wait3A_85] : memref<10000x64xf32, #tpu.memory_space<vmem_shared>> -> memref<10000x64xf32, #tpu.memory_space<vmem_shared>>
      tpu.wait_indirect_dma semaphore(%arg21 : memref<!tpu.dma_semaphore, #tpu.memory_space<semaphore_mem>>) src(%arg12 : memref<128x64xf32, #tpu.memory_space<vmem>>) dst(%dma_wait3A_86 : memref<10000x64xf32, #tpu.memory_space<vmem_shared>>)
      %dma_wait3A_87 = arith.constant 7 : i32
      %dma_wait3A_88 = arith.constant 0 : i32
      %dma_wait3A_89 = tpu.memref_slice %arg8[%dma_wait3A_87, %dma_wait3A_88] : memref<8x128xi32, #tpu.memory_space<vmem>> -> memref<1x128xi32, #tpu.memory_space<vmem>>
      %dma_wait3A_90 = tpu.memref_squeeze %dma_wait3A_89 : memref<1x128xi32, #tpu.memory_space<vmem>> -> memref<128xi32, #tpu.memory_space<vmem>>
      %dma_wait3A_91 = arith.constant 0 : i32
      %dma_wait3A_92 = arith.constant 0 : i32
      %dma_wait3A_93 = tpu.memref_slice %arg14[%dma_wait3A_91, %dma_wait3A_92] : memref<10000x64xf32, #tpu.memory_space<vmem_shared>> -> memref<10000x64xf32, #tpu.memory_space<vmem_shared>>
      tpu.wait_indirect_dma semaphore(%arg22 : memref<!tpu.dma_semaphore, #tpu.memory_space<semaphore_mem>>) src(%arg13 : memref<128x64xf32, #tpu.memory_space<vmem>>) dst(%dma_wait3A_93 : memref<10000x64xf32, #tpu.memory_space<vmem_shared>>)
      %scan3A_94 = arith.constant 0 : i32
      scf.yield %scan3A_94 : i32
    }
    %scan3A_23 = arith.constant 20 : i32
    %barrier3A_24 = arith.constant 0 : index
    tpu.barrier barrier_id(%barrier3A_24)
    %add3A_25 = arith.constant 0 : i32
    %add3A_26 = arith.addi %mul3A_7, %add3A_25 : i32
    %mul3A_27 = arith.constant 64 : i32
    %mul3A_28 = arith.muli %arg0, %mul3A_27 : i32
    "tpu.region"() ({
      %run_scoped3A = tpu.sem_alloc : memref<!tpu.dma_semaphore, #tpu.memory_space<semaphore_mem>>
      %dma_start3A = tpu.memref_slice %arg6[%add3A_26, %mul3A_28] : memref<10000x128xf32, #tpu.memory_space<hbm>> -> memref<125x64xf32, #tpu.memory_space<hbm>>
      %dma_start3A_45 = arith.constant 0 : i32
      %dma_start3A_46 = tpu.memref_slice %arg14[%add3A_26, %dma_start3A_45] : memref<10000x64xf32, #tpu.memory_space<vmem_shared>> -> memref<125x64xf32, #tpu.memory_space<vmem_shared>>
      tpu.enqueue_dma source(%dma_start3A_46 : memref<125x64xf32, #tpu.memory_space<vmem_shared>>) target(%dma_start3A : memref<125x64xf32, #tpu.memory_space<hbm>>) target_semaphore(%run_scoped3A : memref<!tpu.dma_semaphore, #tpu.memory_space<semaphore_mem>>)
      %dma_wait3A = tpu.memref_slice %arg6[%add3A_26, %mul3A_28] : memref<10000x128xf32, #tpu.memory_space<hbm>> -> memref<125x64xf32, #tpu.memory_space<hbm>>
      %dma_wait3A_47 = arith.constant 0 : i32
      %dma_wait3A_48 = tpu.memref_slice %arg14[%add3A_26, %dma_wait3A_47] : memref<10000x64xf32, #tpu.memory_space<vmem_shared>> -> memref<125x64xf32, #tpu.memory_space<vmem_shared>>
      tpu.wait_dma2 semaphore(%run_scoped3A : memref<!tpu.dma_semaphore, #tpu.memory_space<semaphore_mem>>) src(%dma_wait3A_48 : memref<125x64xf32, #tpu.memory_space<vmem_shared>>) dst(%dma_wait3A : memref<125x64xf32, #tpu.memory_space<hbm>>)
      tpu.yield
    }) : () -> ()
    %add3A_29 = arith.constant 125 : i32
    %add3A_30 = arith.addi %mul3A_7, %add3A_29 : i32
    %mul3A_31 = arith.constant 64 : i32
    %mul3A_32 = arith.muli %arg0, %mul3A_31 : i32
    "tpu.region"() ({
      %run_scoped3A = tpu.sem_alloc : memref<!tpu.dma_semaphore, #tpu.memory_space<semaphore_mem>>
      %dma_start3A = tpu.memref_slice %arg6[%add3A_30, %mul3A_32] : memref<10000x128xf32, #tpu.memory_space<hbm>> -> memref<125x64xf32, #tpu.memory_space<hbm>>
      %dma_start3A_45 = arith.constant 0 : i32
      %dma_start3A_46 = tpu.memref_slice %arg14[%add3A_30, %dma_start3A_45] : memref<10000x64xf32, #tpu.memory_space<vmem_shared>> -> memref<125x64xf32, #tpu.memory_space<vmem_shared>>
      tpu.enqueue_dma source(%dma_start3A_46 : memref<125x64xf32, #tpu.memory_space<vmem_shared>>) target(%dma_start3A : memref<125x64xf32, #tpu.memory_space<hbm>>) target_semaphore(%run_scoped3A : memref<!tpu.dma_semaphore, #tpu.memory_space<semaphore_mem>>)
      %dma_wait3A = tpu.memref_slice %arg6[%add3A_30, %mul3A_32] : memref<10000x128xf32, #tpu.memory_space<hbm>> -> memref<125x64xf32, #tpu.memory_space<hbm>>
      %dma_wait3A_47 = arith.constant 0 : i32
      %dma_wait3A_48 = tpu.memref_slice %arg14[%add3A_30, %dma_wait3A_47] : memref<10000x64xf32, #tpu.memory_space<vmem_shared>> -> memref<125x64xf32, #tpu.memory_space<vmem_shared>>
      tpu.wait_dma2 semaphore(%run_scoped3A : memref<!tpu.dma_semaphore, #tpu.memory_space<semaphore_mem>>) src(%dma_wait3A_48 : memref<125x64xf32, #tpu.memory_space<vmem_shared>>) dst(%dma_wait3A : memref<125x64xf32, #tpu.memory_space<hbm>>)
      tpu.yield
    }) : () -> ()
    %add3A_33 = arith.constant 250 : i32
    %add3A_34 = arith.addi %mul3A_7, %add3A_33 : i32
    %mul3A_35 = arith.constant 64 : i32
    %mul3A_36 = arith.muli %arg0, %mul3A_35 : i32
    "tpu.region"() ({
      %run_scoped3A = tpu.sem_alloc : memref<!tpu.dma_semaphore, #tpu.memory_space<semaphore_mem>>
      %dma_start3A = tpu.memref_slice %arg6[%add3A_34, %mul3A_36] : memref<10000x128xf32, #tpu.memory_space<hbm>> -> memref<125x64xf32, #tpu.memory_space<hbm>>
      %dma_start3A_45 = arith.constant 0 : i32
      %dma_start3A_46 = tpu.memref_slice %arg14[%add3A_34, %dma_start3A_45] : memref<10000x64xf32, #tpu.memory_space<vmem_shared>> -> memref<125x64xf32, #tpu.memory_space<vmem_shared>>
      tpu.enqueue_dma source(%dma_start3A_46 : memref<125x64xf32, #tpu.memory_space<vmem_shared>>) target(%dma_start3A : memref<125x64xf32, #tpu.memory_space<hbm>>) target_semaphore(%run_scoped3A : memref<!tpu.dma_semaphore, #tpu.memory_space<semaphore_mem>>)
      %dma_wait3A = tpu.memref_slice %arg6[%add3A_34, %mul3A_36] : memref<10000x128xf32, #tpu.memory_space<hbm>> -> memref<125x64xf32, #tpu.memory_space<hbm>>
      %dma_wait3A_47 = arith.constant 0 : i32
      %dma_wait3A_48 = tpu.memref_slice %arg14[%add3A_34, %dma_wait3A_47] : memref<10000x64xf32, #tpu.memory_space<vmem_shared>> -> memref<125x64xf32, #tpu.memory_space<vmem_shared>>
      tpu.wait_dma2 semaphore(%run_scoped3A : memref<!tpu.dma_semaphore, #tpu.memory_space<semaphore_mem>>) src(%dma_wait3A_48 : memref<125x64xf32, #tpu.memory_space<vmem_shared>>) dst(%dma_wait3A : memref<125x64xf32, #tpu.memory_space<hbm>>)
      tpu.yield
    }) : () -> ()
    %add3A_37 = arith.constant 375 : i32
    %add3A_38 = arith.addi %mul3A_7, %add3A_37 : i32
    %mul3A_39 = arith.constant 64 : i32
    %mul3A_40 = arith.muli %arg0, %mul3A_39 : i32
    "tpu.region"() ({
      %run_scoped3A = tpu.sem_alloc : memref<!tpu.dma_semaphore, #tpu.memory_space<semaphore_mem>>
      %dma_start3A = tpu.memref_slice %arg6[%add3A_38, %mul3A_40] : memref<10000x128xf32, #tpu.memory_space<hbm>> -> memref<125x64xf32, #tpu.memory_space<hbm>>
      %dma_start3A_45 = arith.constant 0 : i32
      %dma_start3A_46 = tpu.memref_slice %arg14[%add3A_38, %dma_start3A_45] : memref<10000x64xf32, #tpu.memory_space<vmem_shared>> -> memref<125x64xf32, #tpu.memory_space<vmem_shared>>
      tpu.enqueue_dma source(%dma_start3A_46 : memref<125x64xf32, #tpu.memory_space<vmem_shared>>) target(%dma_start3A : memref<125x64xf32, #tpu.memory_space<hbm>>) target_semaphore(%run_scoped3A : memref<!tpu.dma_semaphore, #tpu.memory_space<semaphore_mem>>)
      %dma_wait3A = tpu.memref_slice %arg6[%add3A_38, %mul3A_40] : memref<10000x128xf32, #tpu.memory_space<hbm>> -> memref<125x64xf32, #tpu.memory_space<hbm>>
      %dma_wait3A_47 = arith.constant 0 : i32
      %dma_wait3A_48 = tpu.memref_slice %arg14[%add3A_38, %dma_wait3A_47] : memref<10000x64xf32, #tpu.memory_space<vmem_shared>> -> memref<125x64xf32, #tpu.memory_space<vmem_shared>>
      tpu.wait_dma2 semaphore(%run_scoped3A : memref<!tpu.dma_semaphore, #tpu.memory_space<semaphore_mem>>) src(%dma_wait3A_48 : memref<125x64xf32, #tpu.memory_space<vmem_shared>>) dst(%dma_wait3A : memref<125x64xf32, #tpu.memory_space<hbm>>)
      tpu.yield
    }) : () -> ()
    %add3A_41 = arith.constant 500 : i32
    %add3A_42 = arith.addi %mul3A_7, %add3A_41 : i32
    %mul3A_43 = arith.constant 64 : i32
    %mul3A_44 = arith.muli %arg0, %mul3A_43 : i32
    "tpu.region"() ({
      %run_scoped3A = tpu.sem_alloc : memref<!tpu.dma_semaphore, #tpu.memory_space<semaphore_mem>>
      %dma_start3A = tpu.memref_slice %arg6[%add3A_42, %mul3A_44] : memref<10000x128xf32, #tpu.memory_space<hbm>> -> memref<125x64xf32, #tpu.memory_space<hbm>>
      %dma_start3A_45 = arith.constant 0 : i32
      %dma_start3A_46 = tpu.memref_slice %arg14[%add3A_42, %dma_start3A_45] : memref<10000x64xf32, #tpu.memory_space<vmem_shared>> -> memref<125x64xf32, #tpu.memory_space<vmem_shared>>
      tpu.enqueue_dma source(%dma_start3A_46 : memref<125x64xf32, #tpu.memory_space<vmem_shared>>) target(%dma_start3A : memref<125x64xf32, #tpu.memory_space<hbm>>) target_semaphore(%run_scoped3A : memref<!tpu.dma_semaphore, #tpu.memory_space<semaphore_mem>>)
      %dma_wait3A = tpu.memref_slice %arg6[%add3A_42, %mul3A_44] : memref<10000x128xf32, #tpu.memory_space<hbm>> -> memref<125x64xf32, #tpu.memory_space<hbm>>
      %dma_wait3A_47 = arith.constant 0 : i32
      %dma_wait3A_48 = tpu.memref_slice %arg14[%add3A_42, %dma_wait3A_47] : memref<10000x64xf32, #tpu.memory_space<vmem_shared>> -> memref<125x64xf32, #tpu.memory_space<vmem_shared>>
      tpu.wait_dma2 semaphore(%run_scoped3A : memref<!tpu.dma_semaphore, #tpu.memory_space<semaphore_mem>>) src(%dma_wait3A_48 : memref<125x64xf32, #tpu.memory_space<vmem_shared>>) dst(%dma_wait3A : memref<125x64xf32, #tpu.memory_space<hbm>>)
      tpu.yield
    }) : () -> ()
    return
  }
}

</mosaic_0001>

<sc_bundles>
// kernel: kernel.3.cloned.1.call-start
scs
__scs_entry_jumppad:
0x0: {  	(pc) =	sbr.rel $0x88, $3  }
0x1: {  	(tag) =	ssettag $0x0;
	lr =	simm.s32 $0x1  }
0x2: {  	[smem:$0x3F9E] =	sst lr;
	_ =	strace $0xD0000000  }
0x3: {  	_ = 	snop  }
0x4: {  	_ = 	snop  }
0x5: {  	_ = 	snop  }
0x6: {  	_ = 	snop  }
0x7: {  	_ = 	snop  }
__scs_overlays_trampoline_lowered:
0x8: {  	[smem:$0x3FAD] =	sst s0  }
0x9: {  	[smem:$0x3FAE] =	sst s1  }
0xa: {  	[smem:$0x3FAF] =	sst s2  }
0xb: {  	[smem:$0x3FB0] =	sst s3  }
0xc: {  	[smem:$0x3FB1] =	sst s4  }
0xd: {  	[smem:$0x3FB2] =	sst s5  }
0xe: {  	[smem:$0x3FB3] =	sst s6  }
0xf: {  	[smem:$0x3FB4] =	sst s7  }
0x10: {  	[smem:$0x3FB5] =	sst s8  }
0x11: {  	[smem:$0x3FB6] =	sst s9;
	s0 =	simm.s32 @!p0 $0x0  }
0x12: {  	s1 =	sld [smem:$0x3F9C];
	s0 =	simm.s32 @p0 $0x1  }
0x13: {  	[smem:$0x3FB7] =	sst s0;
	s0 =	simm.s32 @!p1 $0x0  }
0x14: {  	s2 =	sld [smem:$0x3F9B];
	s0 =	simm.s32 @p1 $0x1  }
0x15: {  	[smem:$0x3FB8] =	sst s0;
	s0 =	simm.s32 @!p2 $0x0  }
0x16: {  	s3 =	sld [smem:$0x3FDB];
	s0 =	simm.s32 @p2 $0x1  }
0x17: {  	s4 =	simm.s32 $0x1BF5;
	[smem:$0x3FBA] =	sst s0  }
0x18: {  	s0 =	sld [smem:$0x3F9D];
	_ =	swait.ge [sflag:s4], $0x0  }
0x19: {  	s7 =	sld [smem:$0x3F9E]  }
0x1a: {  	s8 =	sadd.s32 $0xFFFFE003, lr  }
0x1b: {  	s9 =	sadd.s32 $0xFFFFFEF7, lr;
	s5 =	simm.s32 $0xFFFFFFFF;
	p2 =	slt.u32 s8, $0xFFFFF086  }
0x1c: {  	p1 =	slt.u32 s9, $0xF7A;
	s5 =	simm.s32 @!p2 $0x0  }
0x1d: {  	s5 =	simm.s32 @p1 $0x1;
	p0 =	seq.s32 s7, s2  }
0x1e: {  	s7 =	smul.u32 @!p0 $0xF7A, s2;
	p2 =	seq.s32 @!p0 s5, $0x0  }
0x1f: {  	s9 =	smul.u32 $0xF7A, s1;
	s8 =	simm.s32 @!p0 $0x1BF5;
	p2 =	por !p2, p0  }
0x20: {  	[sflag:s8] =	ssyncset.s32 @!p0 $0xFFFFF086;
	s6 =	sadd.s32 @!p0 s3, s7;
	s7 =	simm.s32 @!p0 $0x108  }
0x21: {  	s3 =	sadd.s32 s3, s9;
	s6 =	sadd.s32 @!p0 $0x88, s6;
	s7 =	simm.s32 @p2 $0x1082  }
0x22: {  	[simem:s7], [sflag:s8] =	dma.local @!p0 [hbm:s6], $0xF7A  }
0x23: {  	s9 =	sor.u32 $0xD0000000, s2;
	s6 =	simm.s32 $0x108;
	_ =	swait.ge @!p0 [sflag:s8], $0x0  }
0x24: {  	s3 =	sadd.s32 $0x88, s3;
	s6 =	simm.s32 @!p1 $0x1082;
	[sflag:s4] =	ssyncset.s32 $0xFFFFF086  }
0x25: {  	[simem:s6], [sflag:s4] =	dma.local [hbm:s3], $0xF7A  }
0x26: {  	[smem:$0x3F9E] =	sst s1;
	(tag) =	ssettag s2;
	_ =	strace s9  }
0x27: {  	s1 =	sld [smem:$0x3FAE]  }
0x28: {  	s2 =	sld [smem:$0x3FAF]  }
0x29: {  	s4 =	sld [smem:$0x3FB1]  }
0x2a: {  	p0 =	seq.s32 s5, $0x0;
	s5 =	sld [smem:$0x3FB2]  }
0x2b: {  	s6 =	sld [smem:$0x3FB3]  }
0x2c: {  	s7 =	sld [smem:$0x3FB4]  }
0x2d: {  	s3 =	simm.s32 $0x108;
	s8 =	sld [smem:$0x3FB5]  }
0x2e: {  	s3 =	simm.s32 @!p0 $0x1082;
	s9 =	sld [smem:$0x3FB6]  }
0x2f: {  	lr =	sadd.s32 s0, s3;
	s0 =	sld [smem:$0x3FAD]  }
0x30: {  	s3 =	sld [smem:$0x3FB0]  }
0x31: {  	[smem:$0x3FB9] =	sst s10  }
0x32: {  	s10 =	sld [smem:$0x3FB7];
	_ =	sdelay $0x3  }
0x33: {  	p0 =	seq.s32 s10, $0x1;
	s10 =	sld [smem:$0x3FB9];
	_ =	sdelay $0x3  }
0x34: {  	[smem:$0x3FB9] =	sst s10  }
0x35: {  	s10 =	sld [smem:$0x3FB8];
	_ =	sdelay $0x3  }
0x36: {  	p1 =	seq.s32 s10, $0x1;
	s10 =	sld [smem:$0x3FB9];
	_ =	sdelay $0x3  }
0x37: {  	[smem:$0x3FB9] =	sst s10  }
0x38: {  	s10 =	sld [smem:$0x3FBA]  }
0x39: {  	_ = 	snop;
	(pc) =	sbr.ind lr, $3  }
0x3a: {  	_ = 	snop  }
0x3b: {  	_ = 	snop  }
0x3c: {  	p2 =	seq.s32 s10, $0x1;
	s10 =	sld [smem:$0x3FB9]  }
0x3d: {  	_ =	shalt  }
0x3e: {  	_ =	shalt  }
0x3f: {  	_ =	shalt  }
0x40: {  	_ =	shalt  }
0x41: {  	_ =	shalt  }
0x42: {  	_ =	shalt  }
0x43: {  	_ =	shalt  }
0x44: {  	_ =	shalt  }
0x45: {  	_ =	shalt  }
0x46: {  	_ =	shalt  }
0x47: {  	_ =	shalt  }
0x48: {  	_ =	shalt  }
0x49: {  	_ =	shalt  }
0x4a: {  	_ =	shalt  }
0x4b: {  	_ =	shalt  }
0x4c: {  	_ =	shalt  }
0x4d: {  	_ =	shalt  }
0x4e: {  	_ =	shalt  }
0x4f: {  	_ =	shalt  }
0x50: {  	_ =	shalt  }
0x51: {  	_ =	shalt  }
0x52: {  	_ =	shalt  }
0x53: {  	_ =	shalt  }
0x54: {  	_ =	shalt  }
0x55: {  	_ =	shalt  }
0x56: {  	_ =	shalt  }
0x57: {  	_ =	shalt  }
0x58: {  	_ =	shalt  }
0x59: {  	_ =	shalt  }
0x5a: {  	_ =	shalt  }
0x5b: {  	_ =	shalt  }
0x5c: {  	_ =	shalt  }
0x5d: {  	_ =	shalt  }
0x5e: {  	_ =	shalt  }
0x5f: {  	_ =	shalt  }
0x60: {  	_ =	shalt  }
0x61: {  	_ =	shalt  }
0x62: {  	_ =	shalt  }
0x63: {  	_ =	shalt  }
0x64: {  	_ =	shalt  }
0x65: {  	_ =	shalt  }
0x66: {  	_ =	shalt  }
0x67: {  	_ =	shalt  }
0x68: {  	_ =	shalt  }
0x69: {  	_ =	shalt  }
0x6a: {  	_ =	shalt  }
0x6b: {  	_ =	shalt  }
0x6c: {  	_ =	shalt  }
0x6d: {  	_ =	shalt  }
0x6e: {  	_ =	shalt  }
0x6f: {  	_ =	shalt  }
0x70: {  	_ =	shalt  }
0x71: {  	_ =	shalt  }
0x72: {  	_ =	shalt  }
0x73: {  	_ =	shalt  }
0x74: {  	_ =	shalt  }
0x75: {  	_ =	shalt  }
0x76: {  	_ =	shalt  }
0x77: {  	_ =	shalt  }
0x78: {  	_ =	shalt  }
0x79: {  	_ =	shalt  }
0x7a: {  	_ =	shalt  }
0x7b: {  	_ =	shalt  }
0x7c: {  	_ =	shalt  }
0x7d: {  	_ =	shalt  }
0x7e: {  	_ =	shalt  }
0x7f: {  	_ =	shalt  }
0x80: {  	_ =	shalt  }
0x81: {  	_ =	shalt  }
0x82: {  	_ =	shalt  }
0x83: {  	_ =	shalt  }
0x84: {  	_ =	shalt  }
0x85: {  	_ =	shalt  }
0x86: {  	_ =	shalt  }
0x87: {  	_ =	shalt  }
.Lfunc_end0:
.L_simem_size_0:
called_computation_lowered:
.L_overlay_start_0:
0x88: {  	s2 =	sld [smem:$0x3FD9]  }
0x89: {  	s3 =	sld [smem:$0x3FFE];
	_ =	sdelay $0x1  }
0x8a: {  	s1 =	srdreg.scid  }
0x8b: {  	s0 =	sand.u32 $0x1, s1  }
0x8c: {  	s17 =	sshll.u32 s0, $0xA;
	s2 =	sadd.s32 s3, s2  }
0x8d: {  	s2 =	sadd.s32 s2, s17  }
0x8e: {  	[smem:$0x3FC5] =	sst s2  }
0x8f: {  	_ = 	snop  }
0x90: {  	s2 =	sld [smem:$0x3FD0];
	(tm) =	ssettm $0x1  }
0x91: {  	s18 =	sld [smem:$0x3FFB];
	_ =	sdelay $0x3  }
0x92: {  	_ =	strace s18  }
0x93: {  	s3 =	sld [smem:$0x3FFC];
	_ =	sdelay $0x3  }
0x94: {  	_ =	strace s3  }
0x95: {  	s3 =	sld [smem:$0x3FFD];
	_ =	sdelay $0x3  }
0x96: {  	_ =	strace s3  }
0x97: {  	_ =	strace $0x8FFFFFFF  }
0x98: {  	s19 =	sld [smem:$0x3FDB];
	_ =	sdelay $0x1  }
0x99: {  	s4 =	simm.s32 $_scs_section_size  }
0x9a: {  	s5 =	simm.s32 $_size__tile_overlayer_lowered;
	s6 =	simm.s32 $_tile_overlayer_lowered  }
0x9b: {  	s22 =	simm.s32 $0x1BFF;
	s21 =	sshll.u32 s6, $0x1;
	s3 =	sadd.s32 s4, s19  }
0x9c: {  	s7 =	simm.s32 $0x0;
	s20 =	sshll.u32 s5, $0x1;
	s5 =	sadd.s32 s21, s3  }
0x9d: {  	[timem:s7], [sflag:s22] =	dma.local [hbm:s5], s20  }
0x9e: {  	_ =	swait.ge [sflag:s22], s20  }
0x9f: {  	s4 =	ssub.s32 $0x0, s20;
	[sflag:s22] =	ssyncset.done $0x0  }
0xa0: {  	[sflag:s22] =	ssyncadd.s32 s4;
	_ =	sdelay $0x1  }
0xa1: {  	s23 =	simm.s32 $0x1B8B  }
0xa2: {  	_ =	swait.ge [sflag:s23], $0x1  }
0xa3: {  	[sflag:s23] =	ssyncset.done $0x0  }
0xa4: {  	s25 =	simm.s32 $0x1B8E;
	s24 =	sld [smem:$0x3FFE];
	[sflag:s23] =	ssyncadd.s32 $0xFFFFFFFF  }
0xa5: {  	s26 =	simm.s32 $execute0_lowered;
	[smem:$0x3FD2] =	sst s25  }
0xa6: {  	s5 =	sshll.u32 s26, $0x1;
	_ =	strace $0x80000046;
	[dreg:$0x1] =	wrdreg $0xFFFFFFFF  }
0xa7: {  	s28 =	simm.s32 $_size_execute0_lowered;
	s3 =	sadd.s32 s3, s5;
	[dreg:$0x0] =	wrdreg $0x0  }
0xa8: {  	s5 =	sshll.u32 s28, $0x1;
	[dreg:$0x2] =	wrdreg s3  }
0xa9: {  	[dreg:$0x3] =	wrdreg s5  }
0xaa: {  	[dreg:$0x4] =	wrdreg $0xC0  }
0xab: {  	_ =	task [dreg:s7], $0x5FFFF  }
0xac: {  	[dreg:$0x1] =	wrdreg $0xFFFFFFFF  }
0xad: {  	[dreg:$0x0] =	wrdreg $0x60  }
0xae: {  	[dreg:$0x2] =	wrdreg s24  }
0xaf: {  	[dreg:$0x3] =	wrdreg s2  }
0xb0: {  	[dreg:$0x4] =	wrdreg $0x98000  }
0xb1: {  	[dreg:$0x5] =	wrdreg $0x9  }
0xb2: {  	_ =	task.clear_ibuf [dreg:s7], $0x6FFFF;
	_ =	strace $0x90000046  }
0xb3: {  	s29 =	simm.s32 $0x9;
	_ =	strace $0x80000048  }
0xb4: {  	_ =	swait.ge [sflag:s29], $0x1  }
0xb5: {  	[sflag:s29] =	ssyncadd.s32 $0xFFFFFFFF  }
0xb6: {  	_ =	strace $0x90000048  }
0xb7: {  	_ =	sfence  }
0xb8: {  	s30 =	sld [smem:$0x0];
	_ =	sdelay $0x2  }
0xb9: {  	s31 =	sshll.u32 s1, $0xD;
	s1 =	sshrl.u32 s1, $0x2  }
0xba: {  	s3 =	sand.u32 $0x4000, s31;
	s1 =	sadd.s32 s1, s30  }
0xbb: {  	s0 =	sor.u32 s3, s0;
	s1 =	sshll.u32 s1, $0x11  }
0xbc: {  	s0 =	sor.u32 s1, s0  }
0xbd: {  	s0 =	sadd.s32 $0x8F2B, s0  }
0xbe: {  	[sflag:s0] =	ssyncadd.remote.s32 $0x1  }
0xbf: {  	_ =	sfence.sel $0xFFFF  }
0xc0: {  	[dreg:$0x0] =	wrdreg $0xFFFFFFFF;
	(pc) =	sbr.abs _section_cstart, $3  }
0xc1: {  	[dreg:$0x1] =	wrdreg $0xFFFFFFFF  }
0xc2: {  	_ =	task.clear_ibuf [dreg:s7], $0x2FFFF;
	_ =	strace $0x9FFFFFFF  }
0xc3: {  	(tm) =	ssettm $0x7FFFFFFF  }
tec
execute0_lowered:
.L_overlay_start_1:
0x0: {  	(tag) =	ssettag $0x1  }
0x1: {  	s0 =	rddreg [dreg:$0x0]  }
0x2: {  	s2 =	rddreg [dreg:$0x1]  }
0x3: {  	s1 =	rddreg [dreg:$0x2];
	s21 =	simm.s32 $0x0;
	s3 =	srdreg.scid  }
0x4: {  	s13 =	stileid.u32;
	s28 =	simm.s32 $0x3800;
	s29 =	simm.s32 $0x1  }
0x5: {  	s30 =	simm.s32 $0x5800;
	s31 =	simm.s32 $0x2;
	s8 =	smul.u32 $0x271, s13  }
0x6: {  	[smem:$0x7FF] =	sst s21;
	s4 =	sadd.s32 $0x14400, s0;
	s10 =	smul.u32 $0x27100, s13  }
0x7: {  	s3 =	sand.u32 $0x1, s3;
	s5 =	sadd.s32 $0x3B600, s0;
	s14 =	smul.u32 $0x13880, s13  }
0x8: {  	s6 =	sadd.s32 $0x600, s0;
	s7 =	sadd.s32 $0xA14400, s0;
	s13 =	smul.u32 $0xA0, s13  }
0x9: {  	_ =	strace $0x80000047;
	s9 =	ssub.s32 $0x2, s3;
	s19 =	sshll.u32 s3, $0x6  }
0xa: {  	s24 =	sshrl.u32 s9, $0x1;
	s25 =	sshrl.u32 s10, $0x2;
	s26 =	sadd.s32 $0x7D, s8  }
0xb: {  	s11 =	sadd.s32 $0xFA, s8;
	s12 =	sadd.s32 $0x177, s8;
	s8 =	sadd.s32 $0x1F4, s8  }
0xc: {  	s0 =	ssub.s32 s9, s24;
	s9 =	sadd.s32 s25, s1;
	s15 =	sshll.u32 s26, $0x6  }
0xd: {  	s16 =	sshll.u32 s11, $0x6;
	s17 =	sshll.u32 s12, $0x6;
	s18 =	sshll.u32 s8, $0x6  }
0xe: {  	s10 =	sshll.u32 s26, $0x7;
	s23 =	sshll.u32 s11, $0x7;
	s24 =	sshll.u32 s12, $0x7  }
0xf: {  	s8 =	sshll.u32 s8, $0x7;
	[dreg:$0x5] =	wrdreg s9;
	s9 =	sadd.s32 s15, s1  }
0x10: {  	s15 =	sor.u32 s19, s14;
	s10 =	sor.u32 s19, s10;
	s14 =	smul.u32 $0x50000, s3  }
0x11: {  	s8 =	sor.u32 s19, s8;
	s0 =	smax.u32 s0, $0x1;
	[dreg:$0x6] =	wrdreg s9  }
0x12: {  	s9 =	sadd.s32 s16, s1;
	s16 =	sshrl.u32 s15, $0x3;
	s10 =	sshrl.u32 s10, $0x3  }
0x13: {  	s15 =	smul.u32 $0x140000, s3;
	s3 =	sor.u32 s19, s23;
	s8 =	sshrl.u32 s8, $0x3  }
0x14: {  	[dreg:$0xf] =	wrdreg s0;
	s23 =	simm.s32 $0x9;
	s0 =	simm.s32 $0x7800  }
0x15: {  	[dreg:$0x7] =	wrdreg s9;
	s9 =	sadd.s32 s17, s1;
	s20 =	sadd.s32 s2, s16  }
0x16: {  	s22 =	sadd.s32 s2, s10;
	s10 =	sor.u32 s19, s24;
	s3 =	sshrl.u32 s3, $0x3  }
0x17: {  	s16 =	simm.s32 $0x4;
	s17 =	simm.s32 $0x5;
	[dreg:$0x8] =	wrdreg s9  }
0x18: {  	v0 =	vimm.f32 $0.0e+00;
	v1 =	vimm.s32 $0x0;
	s19 =	simm.s32 $0x7;
	s9 =	sadd.s32 s18, s1;
	[dreg:$0xa] =	wrdreg s20  }
0x19: {  	v2 =	vimm.s32 $0x1;
	v3 =	vimm.s32 $0x2;
	v4 =	vimm.s32 $0x3;
	[dreg:$0xb] =	wrdreg s22;
	s25 =	sshrl.u32 s10, $0x3;
	s3 =	sadd.s32 s2, s3  }
0x1a: {  	v5 =	vimm.s32 $0x4;
	v6 =	vimm.s32 $0x5;
	v7 =	vimm.s32 $0x6;
	s22 =	simm.s32 $0x1800;
	s18 =	simm.s32 $0x6;
	[dreg:$0x9] =	wrdreg s9  }
0x1b: {  	v8 =	vimm.s32 $0x7;
	v9 =	vimm.s32 $0x8;
	v10 =	vimm.s32 $0x9;
	s20 =	simm.s32 $0x8;
	[dreg:$0xc] =	wrdreg s3;
	s26 =	sadd.s32 s2, s25  }
0x1c: {  	v11 =	vimm.s32 $0xA;
	v12 =	vimm.s32 $0xB;
	v13 =	vimm.s32 $0xC;
	s2 =	sadd.s32 s2, s8;
	s25 =	simm.s32 $0x800;
	[dreg:$0xd] =	wrdreg s26  }
0x1d: {  	v14 =	vimm.s32 $0xD;
	v15 =	vimm.s32 $0xE;
	v16 =	vimm.s32 $0xF;
	[dreg:$0xe] =	wrdreg s2;
	s26 =	simm.s32 $0x80;
	s2 =	simm.s32 $0x3  }
.LBB2_1:
0x1e: {  	[dreg:$0x4] =	wrdreg s21;
	s8 =	simm.s32 $0x100;
	s3 =	simm.s32 $0x0  }
.LBB2_2:
0x1f: {  	p0 =	sne.s32 s8, $0x7F00;
	[tilespmem:s3+$0x1830] =	vst v0;
	s9 =	smov.u32 s8;
	s8 =	sadd.s32 $0x100, s8  }
.Ltmp0:
0x20: {  	[tilespmem:s3+$0x1820] =	vst v0;
	(pc) =	sbr.rel @p0 .LBB2_2-.Ltmp0, $3  }
0x21: {  	[tilespmem:s3+$0x1800] =	vst v0  }
0x22: {  	[tilespmem:s3+$0x1810] =	vst v0;
	_ =	sdelay $0x1  }
0x23: {  	s3 =	sshra.s32 s9, $0x2  }
0x24: {  	[tilespmem:s3+$0x1830] =	vst v0  }
0x25: {  	[tilespmem:s3+$0x1820] =	vst v0  }
0x26: {  	[tilespmem:s3+$0x1800] =	vst v0  }
0x27: {  	[tilespmem:s3+$0x1810] =	vst v0;
	s10 =	rddreg [dreg:$0x5]  }
0x28: {  	[spmem:s10] =	stream.linear.scatter [tilespmem:s22], [sflag:$0x9], $0x1F40, $0x38;
	[tilespmem:$0x13440] =	vst v63  }
0x29: {  	_ =	swait.ge [sflag:s23], $0x1F40  }
0x2a: {  	[sflag:s23] =	ssyncset.done $0x0  }
0x2b: {  	s11 =	rddreg [dreg:$0x6];
	[sflag:s23] =	ssyncadd.s32 $0xFFFFE0C0  }
0x2c: {  	[spmem:s11] =	stream.linear.scatter [tilespmem:s22], [sflag:$0x9], $0x1F40, $0x38;
	[tilespmem:$0x13440] =	vst v63  }
0x2d: {  	_ =	swait.ge [sflag:s23], $0x1F40  }
0x2e: {  	[sflag:s23] =	ssyncset.done $0x0  }
0x2f: {  	s12 =	rddreg [dreg:$0x7];
	[sflag:s23] =	ssyncadd.s32 $0xFFFFE0C0  }
0x30: {  	[spmem:s12] =	stream.linear.scatter [tilespmem:s22], [sflag:$0x9], $0x1F40, $0x38;
	[tilespmem:$0x13440] =	vst v63  }
0x31: {  	_ =	swait.ge [sflag:s23], $0x1F40  }
0x32: {  	[sflag:s23] =	ssyncset.done $0x0  }
0x33: {  	s21 =	rddreg [dreg:$0x8];
	[sflag:s23] =	ssyncadd.s32 $0xFFFFE0C0  }
0x34: {  	[spmem:s21] =	stream.linear.scatter [tilespmem:s22], [sflag:$0x9], $0x1F40, $0x38;
	[tilespmem:$0x13440] =	vst v63  }
0x35: {  	_ =	swait.ge [sflag:s23], $0x1F40  }
0x36: {  	[sflag:s23] =	ssyncset.done $0x0  }
0x37: {  	s24 =	rddreg [dreg:$0x9];
	[sflag:s23] =	ssyncadd.s32 $0xFFFFE0C0  }
0x38: {  	[spmem:s24] =	stream.linear.scatter [tilespmem:s22], [sflag:$0x9], $0x1F40, $0x38;
	[tilespmem:$0x13440] =	vst v63  }
0x39: {  	_ =	swait.ge [sflag:s23], $0x1F40  }
0x3a: {  	[sflag:s23] =	ssyncset.done $0x0  }
0x3b: {  	[sflag:s23] =	ssyncadd.s32 $0xFFFFE0C0  }
0x3c: {  	s8 =	simm.s32 $0x0;
	s9 =	simm.s32 $0x0;
	[bflag:$0x0] =	sbarrier.arrive $0xFFFF  }
.LBB2_4:
0x3d: {  	s3 =	sshll.u32 s9, $0x3  }
0x3e: {  	s3 =	sadd.s32 s13, s3  }
0x3f: {  	s10 =	sshll.u32 s3, $0x7  }
0x40: {  	s10 =	sadd.s32 s14, s10  }
0x41: {  	s10 =	sshrl.u32 s10, $0x3  }
0x42: {  	s10 =	sadd.s32 s5, s10  }
0x43: {  	[tilespmem:s8], [sflag:$0x9] =	stream.linear.gather [hbm4b:s10+s8], $0x400, $0x38;
	[tilespmem:$0x13440] =	vst v63  }
0x44: {  	_ =	swait.ge [sflag:s23], $0x400  }
0x45: {  	s11 =	simm.s32 $0x400;
	s24 =	sshll.u32 s3, $0x4;
	[sflag:s23] =	ssyncset.done $0x0  }
0x46: {  	s3 =	sshll.u32 s3, $0x9;
	s10 =	sadd.s32 s6, s24;
	[sflag:s23] =	ssyncadd.s32 $0xFFFFFC00  }
0x47: {  	[tilespmem:s11], [sflag:$0x9] =	stream.linear.gather [hbm4b:s10+s8], $0x400, $0x38;
	[tilespmem:$0x13440] =	vst v63  }
0x48: {  	s3 =	sadd.s32 s15, s3;
	_ =	swait.ge [sflag:s23], $0x400  }
0x49: {  	s3 =	sshrl.u32 s3, $0x3;
	[sflag:s23] =	ssyncset.done $0x0  }
0x4a: {  	s3 =	sadd.s32 s7, s3;
	[sflag:s23] =	ssyncadd.s32 $0xFFFFFC00  }
0x4b: {  	[tilespmem:s25], [sflag:$0x9] =	stream.linear.gather [hbm4b:s3+s8], $0x1000, $0x38;
	[tilespmem:$0x13440] =	vst v63  }
0x4c: {  	_ =	swait.ge [sflag:s23], $0x1000  }
0x4d: {  	p1 =	por $0x1, $0x1;
	[sflag:s23] =	ssyncset.done $0x0  }
0x4e: {  	p2 =	por $0x0, $0x0;
	s3 =	simm.s32 $0x0;
	[sflag:s23] =	ssyncadd.s32 $0xFFFFF000  }
0x4f: {  	[tilespmem:s22], [sflag:$0x1] =	stream.indirect.gather [hbm4b:s4+s26], $0x40, s8, s26, $0xb8;
	[tilespmem:$0x13440] =	vst v63  }
.LBB2_5:
0x50: {  	s11 =	simm.s32 @p2 $0x6;
	s10 =	sshll.u32 s3, $0xB  }
0x51: {  	_ =	swait.ge @p2 [sflag:s11], $0x2000;
	s12 =	sand.u32 $0x3FFFF800, s10  }
0x52: {  	s10 =	sshra.s32 s10, $0x2;
	[sflag:s11] =	ssyncset.done @p2 $0x0;
	s12 =	sadd.s32 $0x800, s12  }
0x53: {  	s21 =	sor.u32 $0x80, s10;
	[sflag:s11] =	ssyncadd.s32 @p2 $0xFFFFE000;
	v17 =	vmov s12  }
0x54: {  	[tilespmem:s28], [sflag:$0x2] =	stream.indirect.gather [hbm4b:s4+s26], $0x40, s21, s26, $0xb8;
	[tilespmem:$0x13440] =	vst v63  }
0x55: {  	_ =	swait.ge [sflag:s29], $0x2000  }
0x56: {  	[sflag:s29] =	ssyncset.done $0x0  }
0x57: {  	s24 =	simm.s32 $0x0;
	[sflag:s29] =	ssyncadd.s32 $0xFFFFE000  }
0x58: {  	v18 =	vld.idx.msk [tilespmem:v17+s24+$0x0 ss:$0x1], $0xffff  }
0x59: {  	s12 =	simm.s32 $0x1880  }
0x5a: {  	v19 =	vld [tilespmem:s12+$0xFFFFFF80]  }
0x5b: {  	v20 =	vld [tilespmem:s12+$0xFFFFFF90]  }
0x5c: {  	v21 =	vld [tilespmem:s12+$0xFFFFFFA0]  }
0x5d: {  	v22 =	vld [tilespmem:s12+$0xFFFFFFB0];
	v23 =	vperm.xlane v18, v1  }
0x5e: {  	v26 =	vld [tilespmem:s12+$0xFFFFFFD0];
	v24 =	vperm.xlane v18, v2  }
0x5f: {  	v46 =	vld [tilespmem:s12+$0xFFFFFFE0];
	v27 =	vperm.xlane v18, v3;
	v19 =	vmul.f32 v19, v23  }
0x60: {  	v25 =	vld [tilespmem:s12+$0xFFFFFFC0];
	v45 =	vperm.xlane v18, v4;
	v20 =	vmul.f32 v20, v24  }
0x61: {  	v49 =	vld [tilespmem:s12+$0x10];
	v47 =	vperm.xlane v18, v6;
	v21 =	vmul.f32 v21, v27;
	[tilespmem:s12+$0xFFFFFF80] =	vst v19  }
0x62: {  	v59 =	vld [tilespmem:s12+$0x60];
	v29 =	vperm.xlane v18, v7;
	v22 =	vmul.f32 v22, v45;
	[tilespmem:s12+$0xFFFFFF90] =	vst v20  }
0x63: {  	v28 =	vld [tilespmem:s12+$0xFFFFFFF0];
	v23 =	vmul.f32 v26, v47;
	v19 =	vperm.xlane v18, v5;
	[tilespmem:s12+$0xFFFFFFA0] =	vst v21  }
0x64: {  	v48 =	vld [tilespmem:s12+$0x0];
	v53 =	vperm.xlane v18, v10;
	v24 =	vmul.f32 v46, v29;
	[tilespmem:s12+$0xFFFFFFB0] =	vst v22  }
0x65: {  	v52 =	vld [tilespmem:s12+$0x30];
	v62 =	vperm.xlane v18, v15;
	[tilespmem:s12+$0xFFFFFFD0] =	vst v23;
	v19 =	vmul.f32 v25, v19  }
0x66: {  	v55 =	vld [tilespmem:s12+$0x50];
	v50 =	vperm.xlane v18, v8;
	v58 =	vmul.f32 v49, v53;
	[tilespmem:s12+$0xFFFFFFE0] =	vst v24  }
0x67: {  	v51 =	vld [tilespmem:s12+$0x20];
	v63 =	vmul.f32 v59, v62;
	[tilespmem:s12+$0xFFFFFFC0] =	vst v19;
	v19 =	vperm.xlane v18, v9  }
0x68: {  	v54 =	vld [tilespmem:s12+$0x40];
	v57 =	vperm.xlane v18, v12;
	v21 =	vmul.f32 v28, v50;
	[tilespmem:s12+$0x10] =	vst v58  }
0x69: {  	v60 =	vld [tilespmem:s12+$0x70];
	v61 =	vperm.xlane v18, v14;
	[tilespmem:s12+$0x60] =	vst v63;
	v19 =	vmul.f32 v48, v19  }
0x6a: {  	v56 =	vperm.xlane v18, v11;
	v20 =	vmul.f32 v52, v57;
	[tilespmem:s12+$0xFFFFFFF0] =	vst v21  }
0x6b: {  	v22 =	vmul.f32 v55, v61;
	[tilespmem:s12+$0x0] =	vst v19;
	v19 =	vperm.xlane v18, v13  }
0x6c: {  	v25 =	vmul.f32 v51, v56;
	[tilespmem:s12+$0x30] =	vst v20;
	v18 =	vperm.xlane v18, v16  }
0x6d: {  	[tilespmem:s12+$0x50] =	vst v22;
	v19 =	vmul.f32 v54, v19  }
0x6e: {  	[tilespmem:s12+$0x20] =	vst v25;
	v18 =	vmul.f32 v60, v18  }
0x6f: {  	p0 =	por p1, p1;
	[tilespmem:s12+$0x40] =	vst v19  }
0x70: {  	s11 =	sshll.u32 s3, $0x2;
	s3 =	simm.s32 $0x10;
	s21 =	simm.s32 $0x80;
	[tilespmem:s12+$0x70] =	vst v18  }
.LBB2_6:
0x71: {  	p1 =	sne.s32 s21, $0x7C0;
	v18 =	vld.idx.msk [tilespmem:v17+s3+$0x0 ss:$0x1], $0xffff;
	s12 =	sadd.s32 $0x100, s12  }
0x72: {  	v19 =	vld [tilespmem:s12+$0xFFFFFFB0]  }
0x73: {  	v20 =	vld [tilespmem:s12+$0xFFFFFF90]  }
0x74: {  	v21 =	vld [tilespmem:s12+$0xFFFFFF80]  }
0x75: {  	v22 =	vld [tilespmem:s12+$0xFFFFFFA0]  }
0x76: {  	v23 =	vld [tilespmem:s12+$0xFFFFFFF0]  }
0x77: {  	v24 =	vperm.xlane v18, v1;
	v25 =	vperm.xlane v18, v2;
	v26 =	vld [tilespmem:s12+$0xFFFFFFD0]  }
0x78: {  	v27 =	vperm.xlane v18, v3;
	v28 =	vperm.xlane v18, v4;
	v29 =	vld [tilespmem:s12+$0xFFFFFFC0]  }
0x79: {  	v20 =	vmul.f32 v20, v25;
	v21 =	vmul.f32 v21, v24;
	v24 =	vld [tilespmem:s12+$0xFFFFFFE0]  }
0x7a: {  	v19 =	vmul.f32 v19, v28;
	v22 =	vmul.f32 v22, v27;
	v25 =	vld [tilespmem:s12+$0x30]  }
0x7b: {  	v27 =	vperm.xlane v18, v6;
	[tilespmem:s12+$0xFFFFFF80] =	vst v21;
	v21 =	vperm.xlane v18, v5;
	v28 =	vld [tilespmem:s12+$0x10]  }
0x7c: {  	v30 =	vperm.xlane v18, v8;
	[tilespmem:s12+$0xFFFFFF90] =	vst v20;
	v20 =	vperm.xlane v18, v7;
	v31 =	vld [tilespmem:s12+$0x0]  }
0x7d: {  	[tilespmem:s12+$0xFFFFFFA0] =	vst v22;
	v21 =	vmul.f32 v29, v21;
	v22 =	vmul.f32 v26, v27;
	v26 =	vld [tilespmem:s12+$0x20]  }
0x7e: {  	[tilespmem:s12+$0xFFFFFFB0] =	vst v19;
	v19 =	vmul.f32 v24, v20;
	v20 =	vmul.f32 v23, v30;
	v23 =	vld [tilespmem:s12+$0x70]  }
0x7f: {  	v24 =	vperm.xlane v18, v10;
	[tilespmem:s12+$0xFFFFFFC0] =	vst v21;
	v21 =	vperm.xlane v18, v9;
	v27 =	vld [tilespmem:s12+$0x50]  }
0x80: {  	v29 =	vperm.xlane v18, v12;
	[tilespmem:s12+$0xFFFFFFD0] =	vst v22;
	v22 =	vperm.xlane v18, v11;
	v30 =	vld [tilespmem:s12+$0x40]  }
0x81: {  	[tilespmem:s12+$0xFFFFFFE0] =	vst v19;
	v19 =	vmul.f32 v31, v21;
	v21 =	vmul.f32 v28, v24;
	v24 =	vld [tilespmem:s12+$0x60]  }
0x82: {  	[tilespmem:s12+$0xFFFFFFF0] =	vst v20;
	v20 =	vmul.f32 v26, v22;
	v22 =	vmul.f32 v25, v29  }
0x83: {  	v25 =	vperm.xlane v18, v14;
	[tilespmem:s12+$0x0] =	vst v19;
	v19 =	vperm.xlane v18, v13  }
0x84: {  	[tilespmem:s12+$0x10] =	vst v21;
	v21 =	vperm.xlane v18, v15;
	v18 =	vperm.xlane v18, v16  }
0x85: {  	[tilespmem:s12+$0x20] =	vst v20;
	v19 =	vmul.f32 v30, v19;
	v20 =	vmul.f32 v27, v25  }
.Ltmp1:
0x86: {  	[tilespmem:s12+$0x30] =	vst v22;
	v21 =	vmul.f32 v24, v21;
	v18 =	vmul.f32 v23, v18;
	(pc) =	sbr.rel @p1 .LBB2_6-.Ltmp1, $4  }
0x87: {  	[tilespmem:s12+$0x40] =	vst v19  }
0x88: {  	[tilespmem:s12+$0x50] =	vst v20  }
0x89: {  	[tilespmem:s12+$0x60] =	vst v21  }
0x8a: {  	s3 =	sshra.s32 s21, $0x2;
	s21 =	sadd.s32 $0x40, s21;
	[tilespmem:s12+$0x70] =	vst v18  }
0x8b: {  	_ =	sdelay $0x3  }
0x8c: {  	v17 =	vld.idx.msk [tilespmem:v17+s3+$0x0 ss:$0x1], $0xffff  }
0x8d: {  	s12 =	sadd.s32 $0x100, s12  }
0x8e: {  	v18 =	vld [tilespmem:s12+$0xFFFFFF80]  }
0x8f: {  	v19 =	vld [tilespmem:s12+$0xFFFFFF90]  }
0x90: {  	v20 =	vld [tilespmem:s12+$0xFFFFFFA0]  }
0x91: {  	v21 =	vld [tilespmem:s12+$0xFFFFFFB0];
	v22 =	vperm.xlane v17, v1  }
0x92: {  	v25 =	vld [tilespmem:s12+$0xFFFFFFD0];
	v23 =	vperm.xlane v17, v2  }
0x93: {  	v24 =	vld [tilespmem:s12+$0xFFFFFFC0];
	v26 =	vperm.xlane v17, v3;
	v18 =	vmul.f32 v18, v22  }
0x94: {  	v54 =	vld [tilespmem:s12+$0xFFFFFFE0];
	v53 =	vperm.xlane v17, v4;
	v19 =	vmul.f32 v19, v23  }
0x95: {  	v56 =	vld [tilespmem:s12+$0x10];
	v55 =	vperm.xlane v17, v6;
	v20 =	vmul.f32 v20, v26;
	[tilespmem:s12+$0xFFFFFF80] =	vst v18  }
0x96: {  	v27 =	vld [tilespmem:s12+$0xFFFFFFF0];
	v21 =	vmul.f32 v21, v53;
	v18 =	vperm.xlane v17, v5;
	[tilespmem:s12+$0xFFFFFF90] =	vst v19  }
0x97: {  	v28 =	vperm.xlane v17, v7;
	v22 =	vmul.f32 v25, v55;
	v19 =	vld [tilespmem:s12+$0x0];
	[tilespmem:s12+$0xFFFFFFA0] =	vst v20  }
0x98: {  	v62 =	vld [tilespmem:s12+$0x50];
	v60 =	vperm.xlane v17, v10;
	[tilespmem:s12+$0xFFFFFFB0] =	vst v21;
	v18 =	vmul.f32 v24, v18  }
0x99: {  	v58 =	vld [tilespmem:s12+$0x20];
	v57 =	vperm.xlane v17, v8;
	v23 =	vmul.f32 v54, v28;
	[tilespmem:s12+$0xFFFFFFD0] =	vst v22  }
0x9a: {  	v59 =	vld [tilespmem:s12+$0x30];
	v31 =	vmul.f32 v56, v60;
	[tilespmem:s12+$0xFFFFFFC0] =	vst v18;
	v18 =	vperm.xlane v17, v9  }
0x9b: {  	v61 =	vld [tilespmem:s12+$0x40];
	v34 =	vperm.xlane v17, v14;
	v20 =	vmul.f32 v27, v57;
	[tilespmem:s12+$0xFFFFFFE0] =	vst v23  }
0x9c: {  	v32 =	vld [tilespmem:s12+$0x60];
	v63 =	vperm.xlane v17, v11;
	[tilespmem:s12+$0x10] =	vst v31;
	v18 =	vmul.f32 v19, v18  }
0x9d: {  	v33 =	vld [tilespmem:s12+$0x70];
	v21 =	vmul.f32 v62, v34;
	[tilespmem:s12+$0xFFFFFFF0] =	vst v20;
	v19 =	vperm.xlane v17, v12  }
0x9e: {  	v24 =	vmul.f32 v58, v63;
	[tilespmem:s12+$0x0] =	vst v18;
	v18 =	vperm.xlane v17, v13  }
0x9f: {  	v35 =	vperm.xlane v17, v15;
	[tilespmem:s12+$0x50] =	vst v21;
	v19 =	vmul.f32 v59, v19  }
0xa0: {  	[tilespmem:s12+$0x20] =	vst v24;
	v17 =	vperm.xlane v17, v16;
	v18 =	vmul.f32 v61, v18  }
0xa1: {  	[tilespmem:s12+$0x30] =	vst v19;
	v19 =	vmul.f32 v32, v35  }
0xa2: {  	v17 =	vmul.f32 v33, v17;
	[tilespmem:s12+$0x40] =	vst v18  }
0xa3: {  	[tilespmem:s12+$0x60] =	vst v19  }
0xa4: {  	s21 =	sadd.s32 $0x400, s10;
	[tilespmem:s12+$0x70] =	vst v17;
	s12 =	sor.u32 $0x1, s11  }
0xa5: {  	[spmem:s1] =	stream.indirect.scatter.add.f32 [tilespmem:s22], [sflag:$0x5], $0x40, s21, s26, $0xb8;
	[tilespmem:$0x13440] =	vst v63  }
0xa6: {  	s3 =	simm.s32 @!p0 $0x7;
	s21 =	sshll.u32 s12, $0x9  }
0xa7: {  	_ =	swait.ge @!p0 [sflag:s3], $0x2000;
	s21 =	sand.u32 $0x3FFFFE00, s21  }
0xa8: {  	[sflag:s3] =	ssyncset.done @!p0 $0x0;
	s21 =	sadd.s32 $0x800, s21  }
0xa9: {  	s24 =	sadd.s32 $0x100, s10;
	[sflag:s3] =	ssyncadd.s32 @!p0 $0xFFFFE000;
	v17 =	vmov s21  }
0xaa: {  	[tilespmem:s30], [sflag:$0x3] =	stream.indirect.gather [hbm4b:s4+s26], $0x40, s24, s26, $0xb8;
	[tilespmem:$0x13440] =	vst v63  }
0xab: {  	_ =	swait.ge [sflag:s31], $0x2000  }
0xac: {  	[sflag:s31] =	ssyncset.done $0x0  }
0xad: {  	s24 =	simm.s32 $0x0;
	[sflag:s31] =	ssyncadd.s32 $0xFFFFE000  }
0xae: {  	v18 =	vld.idx.msk [tilespmem:v17+s24+$0x0 ss:$0x1], $0xffff  }
0xaf: {  	s21 =	simm.s32 $0x3880  }
0xb0: {  	v19 =	vld [tilespmem:s21+$0xFFFFFF80]  }
0xb1: {  	v36 =	vld [tilespmem:s21+$0xFFFFFF90]  }
0xb2: {  	v37 =	vld [tilespmem:s21+$0xFFFFFFA0]  }
0xb3: {  	v38 =	vld [tilespmem:s21+$0xFFFFFFB0];
	v39 =	vperm.xlane v18, v1  }
0xb4: {  	v42 =	vld [tilespmem:s21+$0xFFFFFFD0];
	v40 =	vperm.xlane v18, v2  }
0xb5: {  	v45 =	vld [tilespmem:s21+$0xFFFFFFE0];
	v43 =	vperm.xlane v18, v3;
	v19 =	vmul.f32 v19, v39  }
0xb6: {  	v41 =	vld [tilespmem:s21+$0xFFFFFFC0];
	v44 =	vperm.xlane v18, v4;
	v20 =	vmul.f32 v36, v40  }
0xb7: {  	v49 =	vld [tilespmem:s21+$0x10];
	v47 =	vperm.xlane v18, v6;
	v21 =	vmul.f32 v37, v43;
	[tilespmem:s21+$0xFFFFFF80] =	vst v19  }
0xb8: {  	v51 =	vld [tilespmem:s21+$0x20];
	v29 =	vperm.xlane v18, v7;
	v22 =	vmul.f32 v38, v44;
	[tilespmem:s21+$0xFFFFFF90] =	vst v20  }
0xb9: {  	v59 =	vld [tilespmem:s21+$0x60];
	v23 =	vmul.f32 v42, v47;
	v19 =	vperm.xlane v18, v5;
	[tilespmem:s21+$0xFFFFFFA0] =	vst v21  }
0xba: {  	v48 =	vld [tilespmem:s21+$0x0];
	v53 =	vperm.xlane v18, v10;
	v24 =	vmul.f32 v45, v29;
	[tilespmem:s21+$0xFFFFFFB0] =	vst v22  }
0xbb: {  	v46 =	vld [tilespmem:s21+$0xFFFFFFF0];
	v56 =	vperm.xlane v18, v11;
	[tilespmem:s21+$0xFFFFFFD0] =	vst v23;
	v19 =	vmul.f32 v41, v19  }
0xbc: {  	v52 =	vld [tilespmem:s21+$0x30];
	v62 =	vperm.xlane v18, v15;
	v58 =	vmul.f32 v49, v53;
	[tilespmem:s21+$0xFFFFFFE0] =	vst v24  }
0xbd: {  	v55 =	vld [tilespmem:s21+$0x50];
	v25 =	vmul.f32 v51, v56;
	[tilespmem:s21+$0xFFFFFFC0] =	vst v19;
	v19 =	vperm.xlane v18, v9  }
0xbe: {  	v54 =	vld [tilespmem:s21+$0x40];
	v50 =	vperm.xlane v18, v8;
	v63 =	vmul.f32 v59, v62;
	[tilespmem:s21+$0x10] =	vst v58  }
0xbf: {  	v60 =	vld [tilespmem:s21+$0x70];
	v57 =	vperm.xlane v18, v12;
	[tilespmem:s21+$0x20] =	vst v25;
	v19 =	vmul.f32 v48, v19  }
0xc0: {  	v61 =	vperm.xlane v18, v14;
	v21 =	vmul.f32 v46, v50;
	[tilespmem:s21+$0x60] =	vst v63  }
0xc1: {  	v20 =	vmul.f32 v52, v57;
	[tilespmem:s21+$0x0] =	vst v19;
	v19 =	vperm.xlane v18, v13  }
0xc2: {  	v22 =	vmul.f32 v55, v61;
	[tilespmem:s21+$0xFFFFFFF0] =	vst v21;
	v18 =	vperm.xlane v18, v16  }
0xc3: {  	[tilespmem:s21+$0x30] =	vst v20;
	v19 =	vmul.f32 v54, v19  }
0xc4: {  	[tilespmem:s21+$0x50] =	vst v22;
	v18 =	vmul.f32 v60, v18  }
0xc5: {  	[tilespmem:s21+$0x40] =	vst v19  }
0xc6: {  	s3 =	simm.s32 $0x80;
	s24 =	simm.s32 $0x10;
	[tilespmem:s21+$0x70] =	vst v18  }
.LBB2_8:
0xc7: {  	p1 =	sne.s32 s3, $0x7C0;
	v18 =	vld.idx.msk [tilespmem:v17+s24+$0x0 ss:$0x1], $0xffff;
	s21 =	sadd.s32 $0x100, s21  }
0xc8: {  	v19 =	vld [tilespmem:s21+$0xFFFFFFB0]  }
0xc9: {  	v20 =	vld [tilespmem:s21+$0xFFFFFF90]  }
0xca: {  	v21 =	vld [tilespmem:s21+$0xFFFFFF80]  }
0xcb: {  	v22 =	vld [tilespmem:s21+$0xFFFFFFA0]  }
0xcc: {  	v23 =	vld [tilespmem:s21+$0xFFFFFFF0]  }
0xcd: {  	v24 =	vperm.xlane v18, v1;
	v25 =	vperm.xlane v18, v2;
	v26 =	vld [tilespmem:s21+$0xFFFFFFD0]  }
0xce: {  	v27 =	vperm.xlane v18, v3;
	v28 =	vperm.xlane v18, v4;
	v29 =	vld [tilespmem:s21+$0xFFFFFFC0]  }
0xcf: {  	v20 =	vmul.f32 v20, v25;
	v21 =	vmul.f32 v21, v24;
	v24 =	vld [tilespmem:s21+$0xFFFFFFE0]  }
0xd0: {  	v19 =	vmul.f32 v19, v28;
	v22 =	vmul.f32 v22, v27;
	v25 =	vld [tilespmem:s21+$0x30]  }
0xd1: {  	v27 =	vperm.xlane v18, v6;
	[tilespmem:s21+$0xFFFFFF80] =	vst v21;
	v21 =	vperm.xlane v18, v5;
	v28 =	vld [tilespmem:s21+$0x10]  }
0xd2: {  	v30 =	vperm.xlane v18, v8;
	[tilespmem:s21+$0xFFFFFF90] =	vst v20;
	v20 =	vperm.xlane v18, v7;
	v31 =	vld [tilespmem:s21+$0x0]  }
0xd3: {  	[tilespmem:s21+$0xFFFFFFA0] =	vst v22;
	v21 =	vmul.f32 v29, v21;
	v22 =	vmul.f32 v26, v27;
	v26 =	vld [tilespmem:s21+$0x20]  }
0xd4: {  	[tilespmem:s21+$0xFFFFFFB0] =	vst v19;
	v19 =	vmul.f32 v24, v20;
	v20 =	vmul.f32 v23, v30;
	v23 =	vld [tilespmem:s21+$0x70]  }
0xd5: {  	v24 =	vperm.xlane v18, v10;
	[tilespmem:s21+$0xFFFFFFC0] =	vst v21;
	v21 =	vperm.xlane v18, v9;
	v27 =	vld [tilespmem:s21+$0x50]  }
0xd6: {  	v29 =	vperm.xlane v18, v12;
	[tilespmem:s21+$0xFFFFFFD0] =	vst v22;
	v22 =	vperm.xlane v18, v11;
	v30 =	vld [tilespmem:s21+$0x40]  }
0xd7: {  	[tilespmem:s21+$0xFFFFFFE0] =	vst v19;
	v19 =	vmul.f32 v31, v21;
	v21 =	vmul.f32 v28, v24;
	v24 =	vld [tilespmem:s21+$0x60]  }
0xd8: {  	[tilespmem:s21+$0xFFFFFFF0] =	vst v20;
	v20 =	vmul.f32 v26, v22;
	v22 =	vmul.f32 v25, v29  }
0xd9: {  	v25 =	vperm.xlane v18, v14;
	[tilespmem:s21+$0x0] =	vst v19;
	v19 =	vperm.xlane v18, v13  }
0xda: {  	[tilespmem:s21+$0x10] =	vst v21;
	v21 =	vperm.xlane v18, v15;
	v18 =	vperm.xlane v18, v16  }
0xdb: {  	[tilespmem:s21+$0x20] =	vst v20;
	v19 =	vmul.f32 v30, v19;
	v20 =	vmul.f32 v27, v25  }
.Ltmp2:
0xdc: {  	[tilespmem:s21+$0x30] =	vst v22;
	v21 =	vmul.f32 v24, v21;
	v18 =	vmul.f32 v23, v18;
	(pc) =	sbr.rel @p1 .LBB2_8-.Ltmp2, $4  }
0xdd: {  	[tilespmem:s21+$0x40] =	vst v19  }
0xde: {  	[tilespmem:s21+$0x50] =	vst v20  }
0xdf: {  	[tilespmem:s21+$0x60] =	vst v21  }
0xe0: {  	s24 =	sshra.s32 s3, $0x2;
	s3 =	sadd.s32 $0x40, s3;
	[tilespmem:s21+$0x70] =	vst v18  }
0xe1: {  	_ =	sdelay $0x3  }
0xe2: {  	v17 =	vld.idx.msk [tilespmem:v17+s24+$0x0 ss:$0x1], $0xffff  }
0xe3: {  	s3 =	sadd.s32 $0x100, s21  }
0xe4: {  	v18 =	vld [tilespmem:s3+$0xFFFFFF80]  }
0xe5: {  	v19 =	vld [tilespmem:s3+$0xFFFFFF90]  }
0xe6: {  	v20 =	vld [tilespmem:s3+$0xFFFFFFA0]  }
0xe7: {  	v21 =	vld [tilespmem:s3+$0xFFFFFFB0];
	v22 =	vperm.xlane v17, v1  }
0xe8: {  	v25 =	vld [tilespmem:s3+$0xFFFFFFD0];
	v23 =	vperm.xlane v17, v2  }
0xe9: {  	v24 =	vld [tilespmem:s3+$0xFFFFFFC0];
	v26 =	vperm.xlane v17, v3;
	v18 =	vmul.f32 v18, v22  }
0xea: {  	v54 =	vld [tilespmem:s3+$0xFFFFFFE0];
	v53 =	vperm.xlane v17, v4;
	v19 =	vmul.f32 v19, v23  }
0xeb: {  	v56 =	vld [tilespmem:s3+$0x10];
	v55 =	vperm.xlane v17, v6;
	v20 =	vmul.f32 v20, v26;
	[tilespmem:s3+$0xFFFFFF80] =	vst v18  }
0xec: {  	v27 =	vld [tilespmem:s3+$0xFFFFFFF0];
	v21 =	vmul.f32 v21, v53;
	v18 =	vperm.xlane v17, v5;
	[tilespmem:s3+$0xFFFFFF90] =	vst v19  }
0xed: {  	v28 =	vperm.xlane v17, v7;
	v22 =	vmul.f32 v25, v55;
	v19 =	vld [tilespmem:s3+$0x0];
	[tilespmem:s3+$0xFFFFFFA0] =	vst v20  }
0xee: {  	v62 =	vld [tilespmem:s3+$0x50];
	v60 =	vperm.xlane v17, v10;
	[tilespmem:s3+$0xFFFFFFB0] =	vst v21;
	v18 =	vmul.f32 v24, v18  }
0xef: {  	v58 =	vld [tilespmem:s3+$0x20];
	v57 =	vperm.xlane v17, v8;
	v23 =	vmul.f32 v54, v28;
	[tilespmem:s3+$0xFFFFFFD0] =	vst v22  }
0xf0: {  	v59 =	vld [tilespmem:s3+$0x30];
	v31 =	vmul.f32 v56, v60;
	[tilespmem:s3+$0xFFFFFFC0] =	vst v18;
	v18 =	vperm.xlane v17, v9  }
0xf1: {  	v61 =	vld [tilespmem:s3+$0x40];
	v34 =	vperm.xlane v17, v14;
	v20 =	vmul.f32 v27, v57;
	[tilespmem:s3+$0xFFFFFFE0] =	vst v23  }
0xf2: {  	v32 =	vld [tilespmem:s3+$0x60];
	v63 =	vperm.xlane v17, v11;
	[tilespmem:s3+$0x10] =	vst v31;
	v18 =	vmul.f32 v19, v18  }
0xf3: {  	v33 =	vld [tilespmem:s3+$0x70];
	v21 =	vmul.f32 v62, v34;
	[tilespmem:s3+$0xFFFFFFF0] =	vst v20;
	v19 =	vperm.xlane v17, v12  }
0xf4: {  	v24 =	vmul.f32 v58, v63;
	[tilespmem:s3+$0x0] =	vst v18;
	v18 =	vperm.xlane v17, v13  }
0xf5: {  	v35 =	vperm.xlane v17, v15;
	[tilespmem:s3+$0x50] =	vst v21;
	v19 =	vmul.f32 v59, v19  }
0xf6: {  	[tilespmem:s3+$0x20] =	vst v24;
	v17 =	vperm.xlane v17, v16;
	v18 =	vmul.f32 v61, v18  }
0xf7: {  	s12 =	sshll.u32 s12, $0x7;
	[tilespmem:s3+$0x30] =	vst v19;
	v19 =	vmul.f32 v32, v35  }
0xf8: {  	s12 =	sand.u32 $0x3FFFFF80, s12;
	v17 =	vmul.f32 v33, v17;
	[tilespmem:s3+$0x40] =	vst v18  }
0xf9: {  	s21 =	sadd.s32 $0x400, s12;
	s12 =	sor.u32 $0x2, s11;
	[tilespmem:s3+$0x60] =	vst v19  }
0xfa: {  	s24 =	sshll.u32 s12, $0x9;
	[tilespmem:s3+$0x70] =	vst v17;
	s3 =	simm.s32 @!p0 $0x8  }
0xfb: {  	[spmem:s1] =	stream.indirect.scatter.add.f32 [tilespmem:s28], [sflag:$0x6], $0x40, s21, s26, $0xb8;
	[tilespmem:$0x13440] =	vst v63  }
0xfc: {  	s21 =	sand.u32 $0x3FFFFE00, s24;
	_ =	swait.ge @!p0 [sflag:s3], $0x2000  }
0xfd: {  	s21 =	sadd.s32 $0x800, s21;
	[sflag:s3] =	ssyncset.done @!p0 $0x0  }
0xfe: {  	s24 =	sadd.s32 $0x180, s10;
	v17 =	vmov s21;
	[sflag:s3] =	ssyncadd.s32 @!p0 $0xFFFFE000  }
0xff: {  	[tilespmem:s0], [sflag:$0x4] =	stream.indirect.gather [hbm4b:s4+s26], $0x40, s24, s26, $0xb8;
	[tilespmem:$0x13440] =	vst v63  }
0x100: {  	_ =	swait.ge [sflag:s2], $0x2000  }
0x101: {  	[sflag:s2] =	ssyncset.done $0x0  }
0x102: {  	s24 =	simm.s32 $0x0;
	[sflag:s2] =	ssyncadd.s32 $0xFFFFE000  }
0x103: {  	v18 =	vld.idx.msk [tilespmem:v17+s24+$0x0 ss:$0x1], $0xffff  }
0x104: {  	s21 =	simm.s32 $0x5880  }
0x105: {  	v19 =	vld [tilespmem:s21+$0xFFFFFF80]  }
0x106: {  	v36 =	vld [tilespmem:s21+$0xFFFFFF90]  }
0x107: {  	v37 =	vld [tilespmem:s21+$0xFFFFFFA0]  }
0x108: {  	v38 =	vld [tilespmem:s21+$0xFFFFFFB0];
	v39 =	vperm.xlane v18, v1  }
0x109: {  	v42 =	vld [tilespmem:s21+$0xFFFFFFD0];
	v40 =	vperm.xlane v18, v2  }
0x10a: {  	v45 =	vld [tilespmem:s21+$0xFFFFFFE0];
	v43 =	vperm.xlane v18, v3;
	v19 =	vmul.f32 v19, v39  }
0x10b: {  	v41 =	vld [tilespmem:s21+$0xFFFFFFC0];
	v44 =	vperm.xlane v18, v4;
	v20 =	vmul.f32 v36, v40  }
0x10c: {  	v49 =	vld [tilespmem:s21+$0x10];
	v47 =	vperm.xlane v18, v6;
	v21 =	vmul.f32 v37, v43;
	[tilespmem:s21+$0xFFFFFF80] =	vst v19  }
0x10d: {  	v51 =	vld [tilespmem:s21+$0x20];
	v29 =	vperm.xlane v18, v7;
	v22 =	vmul.f32 v38, v44;
	[tilespmem:s21+$0xFFFFFF90] =	vst v20  }
0x10e: {  	v59 =	vld [tilespmem:s21+$0x60];
	v23 =	vmul.f32 v42, v47;
	v19 =	vperm.xlane v18, v5;
	[tilespmem:s21+$0xFFFFFFA0] =	vst v21  }
0x10f: {  	v48 =	vld [tilespmem:s21+$0x0];
	v53 =	vperm.xlane v18, v10;
	v24 =	vmul.f32 v45, v29;
	[tilespmem:s21+$0xFFFFFFB0] =	vst v22  }
0x110: {  	v46 =	vld [tilespmem:s21+$0xFFFFFFF0];
	v56 =	vperm.xlane v18, v11;
	[tilespmem:s21+$0xFFFFFFD0] =	vst v23;
	v19 =	vmul.f32 v41, v19  }
0x111: {  	v52 =	vld [tilespmem:s21+$0x30];
	v62 =	vperm.xlane v18, v15;
	v58 =	vmul.f32 v49, v53;
	[tilespmem:s21+$0xFFFFFFE0] =	vst v24  }
0x112: {  	v55 =	vld [tilespmem:s21+$0x50];
	v25 =	vmul.f32 v51, v56;
	[tilespmem:s21+$0xFFFFFFC0] =	vst v19;
	v19 =	vperm.xlane v18, v9  }
0x113: {  	v54 =	vld [tilespmem:s21+$0x40];
	v50 =	vperm.xlane v18, v8;
	v63 =	vmul.f32 v59, v62;
	[tilespmem:s21+$0x10] =	vst v58  }
0x114: {  	v60 =	vld [tilespmem:s21+$0x70];
	v57 =	vperm.xlane v18, v12;
	[tilespmem:s21+$0x20] =	vst v25;
	v19 =	vmul.f32 v48, v19  }
0x115: {  	v61 =	vperm.xlane v18, v14;
	v21 =	vmul.f32 v46, v50;
	[tilespmem:s21+$0x60] =	vst v63  }
0x116: {  	v20 =	vmul.f32 v52, v57;
	[tilespmem:s21+$0x0] =	vst v19;
	v19 =	vperm.xlane v18, v13  }
0x117: {  	v22 =	vmul.f32 v55, v61;
	[tilespmem:s21+$0xFFFFFFF0] =	vst v21;
	v18 =	vperm.xlane v18, v16  }
0x118: {  	[tilespmem:s21+$0x30] =	vst v20;
	v19 =	vmul.f32 v54, v19  }
0x119: {  	[tilespmem:s21+$0x50] =	vst v22;
	v18 =	vmul.f32 v60, v18  }
0x11a: {  	[tilespmem:s21+$0x40] =	vst v19  }
0x11b: {  	s3 =	simm.s32 $0x80;
	s24 =	simm.s32 $0x10;
	[tilespmem:s21+$0x70] =	vst v18  }
.LBB2_10:
0x11c: {  	p1 =	sne.s32 s3, $0x7C0;
	v18 =	vld.idx.msk [tilespmem:v17+s24+$0x0 ss:$0x1], $0xffff;
	s21 =	sadd.s32 $0x100, s21  }
0x11d: {  	v19 =	vld [tilespmem:s21+$0xFFFFFFB0]  }
0x11e: {  	v20 =	vld [tilespmem:s21+$0xFFFFFF90]  }
0x11f: {  	v21 =	vld [tilespmem:s21+$0xFFFFFF80]  }
0x120: {  	v22 =	vld [tilespmem:s21+$0xFFFFFFA0]  }
0x121: {  	v23 =	vld [tilespmem:s21+$0xFFFFFFF0]  }
0x122: {  	v24 =	vperm.xlane v18, v1;
	v25 =	vperm.xlane v18, v2;
	v26 =	vld [tilespmem:s21+$0xFFFFFFD0]  }
0x123: {  	v27 =	vperm.xlane v18, v3;
	v28 =	vperm.xlane v18, v4;
	v29 =	vld [tilespmem:s21+$0xFFFFFFC0]  }
0x124: {  	v20 =	vmul.f32 v20, v25;
	v21 =	vmul.f32 v21, v24;
	v24 =	vld [tilespmem:s21+$0xFFFFFFE0]  }
0x125: {  	v19 =	vmul.f32 v19, v28;
	v22 =	vmul.f32 v22, v27;
	v25 =	vld [tilespmem:s21+$0x30]  }
0x126: {  	v27 =	vperm.xlane v18, v6;
	[tilespmem:s21+$0xFFFFFF80] =	vst v21;
	v21 =	vperm.xlane v18, v5;
	v28 =	vld [tilespmem:s21+$0x10]  }
0x127: {  	v30 =	vperm.xlane v18, v8;
	[tilespmem:s21+$0xFFFFFF90] =	vst v20;
	v20 =	vperm.xlane v18, v7;
	v31 =	vld [tilespmem:s21+$0x0]  }
0x128: {  	[tilespmem:s21+$0xFFFFFFA0] =	vst v22;
	v21 =	vmul.f32 v29, v21;
	v22 =	vmul.f32 v26, v27;
	v26 =	vld [tilespmem:s21+$0x20]  }
0x129: {  	[tilespmem:s21+$0xFFFFFFB0] =	vst v19;
	v19 =	vmul.f32 v24, v20;
	v20 =	vmul.f32 v23, v30;
	v23 =	vld [tilespmem:s21+$0x70]  }
0x12a: {  	v24 =	vperm.xlane v18, v10;
	[tilespmem:s21+$0xFFFFFFC0] =	vst v21;
	v21 =	vperm.xlane v18, v9;
	v27 =	vld [tilespmem:s21+$0x50]  }
0x12b: {  	v29 =	vperm.xlane v18, v12;
	[tilespmem:s21+$0xFFFFFFD0] =	vst v22;
	v22 =	vperm.xlane v18, v11;
	v30 =	vld [tilespmem:s21+$0x40]  }
0x12c: {  	[tilespmem:s21+$0xFFFFFFE0] =	vst v19;
	v19 =	vmul.f32 v31, v21;
	v21 =	vmul.f32 v28, v24;
	v24 =	vld [tilespmem:s21+$0x60]  }
0x12d: {  	[tilespmem:s21+$0xFFFFFFF0] =	vst v20;
	v20 =	vmul.f32 v26, v22;
	v22 =	vmul.f32 v25, v29  }
0x12e: {  	v25 =	vperm.xlane v18, v14;
	[tilespmem:s21+$0x0] =	vst v19;
	v19 =	vperm.xlane v18, v13  }
0x12f: {  	[tilespmem:s21+$0x10] =	vst v21;
	v21 =	vperm.xlane v18, v15;
	v18 =	vperm.xlane v18, v16  }
0x130: {  	[tilespmem:s21+$0x20] =	vst v20;
	v19 =	vmul.f32 v30, v19;
	v20 =	vmul.f32 v27, v25  }
.Ltmp3:
0x131: {  	[tilespmem:s21+$0x30] =	vst v22;
	v21 =	vmul.f32 v24, v21;
	v18 =	vmul.f32 v23, v18;
	(pc) =	sbr.rel @p1 .LBB2_10-.Ltmp3, $4  }
0x132: {  	[tilespmem:s21+$0x40] =	vst v19  }
0x133: {  	[tilespmem:s21+$0x50] =	vst v20  }
0x134: {  	[tilespmem:s21+$0x60] =	vst v21  }
0x135: {  	s24 =	sshra.s32 s3, $0x2;
	s3 =	sadd.s32 $0x40, s3;
	[tilespmem:s21+$0x70] =	vst v18  }
0x136: {  	_ =	sdelay $0x3  }
0x137: {  	v17 =	vld.idx.msk [tilespmem:v17+s24+$0x0 ss:$0x1], $0xffff  }
0x138: {  	s3 =	sadd.s32 $0x100, s21  }
0x139: {  	v18 =	vld [tilespmem:s3+$0xFFFFFF80]  }
0x13a: {  	v19 =	vld [tilespmem:s3+$0xFFFFFF90]  }
0x13b: {  	v20 =	vld [tilespmem:s3+$0xFFFFFFA0]  }
0x13c: {  	v21 =	vld [tilespmem:s3+$0xFFFFFFB0];
	v22 =	vperm.xlane v17, v1  }
0x13d: {  	v25 =	vld [tilespmem:s3+$0xFFFFFFD0];
	v23 =	vperm.xlane v17, v2  }
0x13e: {  	v24 =	vld [tilespmem:s3+$0xFFFFFFC0];
	v26 =	vperm.xlane v17, v3;
	v18 =	vmul.f32 v18, v22  }
0x13f: {  	v54 =	vld [tilespmem:s3+$0xFFFFFFE0];
	v53 =	vperm.xlane v17, v4;
	v19 =	vmul.f32 v19, v23  }
0x140: {  	v56 =	vld [tilespmem:s3+$0x10];
	v55 =	vperm.xlane v17, v6;
	v20 =	vmul.f32 v20, v26;
	[tilespmem:s3+$0xFFFFFF80] =	vst v18  }
0x141: {  	v27 =	vld [tilespmem:s3+$0xFFFFFFF0];
	v21 =	vmul.f32 v21, v53;
	v18 =	vperm.xlane v17, v5;
	[tilespmem:s3+$0xFFFFFF90] =	vst v19  }
0x142: {  	v28 =	vperm.xlane v17, v7;
	v22 =	vmul.f32 v25, v55;
	v19 =	vld [tilespmem:s3+$0x0];
	[tilespmem:s3+$0xFFFFFFA0] =	vst v20  }
0x143: {  	v62 =	vld [tilespmem:s3+$0x50];
	v60 =	vperm.xlane v17, v10;
	[tilespmem:s3+$0xFFFFFFB0] =	vst v21;
	v18 =	vmul.f32 v24, v18  }
0x144: {  	v58 =	vld [tilespmem:s3+$0x20];
	v57 =	vperm.xlane v17, v8;
	v23 =	vmul.f32 v54, v28;
	[tilespmem:s3+$0xFFFFFFD0] =	vst v22  }
0x145: {  	v59 =	vld [tilespmem:s3+$0x30];
	v31 =	vmul.f32 v56, v60;
	[tilespmem:s3+$0xFFFFFFC0] =	vst v18;
	v18 =	vperm.xlane v17, v9  }
0x146: {  	v61 =	vld [tilespmem:s3+$0x40];
	v34 =	vperm.xlane v17, v14;
	v20 =	vmul.f32 v27, v57;
	[tilespmem:s3+$0xFFFFFFE0] =	vst v23  }
0x147: {  	v32 =	vld [tilespmem:s3+$0x60];
	v63 =	vperm.xlane v17, v11;
	[tilespmem:s3+$0x10] =	vst v31;
	v18 =	vmul.f32 v19, v18  }
0x148: {  	v33 =	vld [tilespmem:s3+$0x70];
	v21 =	vmul.f32 v62, v34;
	[tilespmem:s3+$0xFFFFFFF0] =	vst v20;
	v19 =	vperm.xlane v17, v12  }
0x149: {  	v24 =	vmul.f32 v58, v63;
	[tilespmem:s3+$0x0] =	vst v18;
	v18 =	vperm.xlane v17, v13  }
0x14a: {  	v35 =	vperm.xlane v17, v15;
	[tilespmem:s3+$0x50] =	vst v21;
	v19 =	vmul.f32 v59, v19  }
0x14b: {  	[tilespmem:s3+$0x20] =	vst v24;
	v17 =	vperm.xlane v17, v16;
	v18 =	vmul.f32 v61, v18  }
0x14c: {  	[tilespmem:s3+$0x30] =	vst v19;
	v19 =	vmul.f32 v32, v35  }
0x14d: {  	s12 =	sshll.u32 s12, $0x7;
	v17 =	vmul.f32 v33, v17;
	[tilespmem:s3+$0x40] =	vst v18  }
0x14e: {  	s11 =	sor.u32 $0x3, s11;
	s12 =	sand.u32 $0x3FFFFF80, s12;
	[tilespmem:s3+$0x60] =	vst v19  }
0x14f: {  	s21 =	sshll.u32 s11, $0x9;
	s12 =	sadd.s32 $0x400, s12;
	[tilespmem:s3+$0x70] =	vst v17;
	s3 =	simm.s32 @p0 $0x5  }
0x150: {  	[spmem:s1] =	stream.indirect.scatter.add.f32 [tilespmem:s30], [sflag:$0x7], $0x40, s12, s26, $0xb8;
	[tilespmem:$0x13440] =	vst v63  }
0x151: {  	s12 =	sand.u32 $0x3FFFFE00, s21;
	_ =	swait.ge @p0 [sflag:s3], $0x2000  }
0x152: {  	s10 =	sadd.s32 @p0 $0x200, s10;
	s24 =	sadd.s32 $0x800, s12;
	[sflag:s3] =	ssyncset.done @p0 $0x0  }
0x153: {  	s21 =	simm.s32 @p0 $0x1800;
	s12 =	simm.s32 @p0 $0x80;
	v17 =	vmov s24;
	[sflag:s3] =	ssyncadd.s32 @p0 $0xFFFFE000  }
0x154: {  	[tilespmem:s21], [sflag:$0x1] =	stream.indirect.gather @p0 [hbm4b:s4+s12], $0x40, s10, s12, $0xb8;
	[tilespmem:$0x13440] =	vst v63  }
0x155: {  	_ =	swait.ge [sflag:s16], $0x2000  }
0x156: {  	[sflag:s16] =	ssyncset.done $0x0  }
0x157: {  	s24 =	simm.s32 $0x0;
	[sflag:s16] =	ssyncadd.s32 $0xFFFFE000  }
0x158: {  	v18 =	vld.idx.msk [tilespmem:v17+s24+$0x0 ss:$0x1], $0xffff  }
0x159: {  	s10 =	simm.s32 $0x7880  }
0x15a: {  	v19 =	vld [tilespmem:s10+$0xFFFFFF80]  }
0x15b: {  	v36 =	vld [tilespmem:s10+$0xFFFFFF90]  }
0x15c: {  	v37 =	vld [tilespmem:s10+$0xFFFFFFA0]  }
0x15d: {  	v38 =	vld [tilespmem:s10+$0xFFFFFFB0];
	v39 =	vperm.xlane v18, v1  }
0x15e: {  	v42 =	vld [tilespmem:s10+$0xFFFFFFD0];
	v40 =	vperm.xlane v18, v2  }
0x15f: {  	v45 =	vld [tilespmem:s10+$0xFFFFFFE0];
	v43 =	vperm.xlane v18, v3;
	v19 =	vmul.f32 v19, v39  }
0x160: {  	v41 =	vld [tilespmem:s10+$0xFFFFFFC0];
	v44 =	vperm.xlane v18, v4;
	v20 =	vmul.f32 v36, v40  }
0x161: {  	v49 =	vld [tilespmem:s10+$0x10];
	v47 =	vperm.xlane v18, v6;
	v21 =	vmul.f32 v37, v43;
	[tilespmem:s10+$0xFFFFFF80] =	vst v19  }
0x162: {  	v51 =	vld [tilespmem:s10+$0x20];
	v29 =	vperm.xlane v18, v7;
	v22 =	vmul.f32 v38, v44;
	[tilespmem:s10+$0xFFFFFF90] =	vst v20  }
0x163: {  	v59 =	vld [tilespmem:s10+$0x60];
	v23 =	vmul.f32 v42, v47;
	v19 =	vperm.xlane v18, v5;
	[tilespmem:s10+$0xFFFFFFA0] =	vst v21  }
0x164: {  	v48 =	vld [tilespmem:s10+$0x0];
	v53 =	vperm.xlane v18, v10;
	v24 =	vmul.f32 v45, v29;
	[tilespmem:s10+$0xFFFFFFB0] =	vst v22  }
0x165: {  	v46 =	vld [tilespmem:s10+$0xFFFFFFF0];
	v56 =	vperm.xlane v18, v11;
	[tilespmem:s10+$0xFFFFFFD0] =	vst v23;
	v19 =	vmul.f32 v41, v19  }
0x166: {  	v52 =	vld [tilespmem:s10+$0x30];
	v62 =	vperm.xlane v18, v15;
	v58 =	vmul.f32 v49, v53;
	[tilespmem:s10+$0xFFFFFFE0] =	vst v24  }
0x167: {  	v55 =	vld [tilespmem:s10+$0x50];
	v25 =	vmul.f32 v51, v56;
	[tilespmem:s10+$0xFFFFFFC0] =	vst v19;
	v19 =	vperm.xlane v18, v9  }
0x168: {  	v54 =	vld [tilespmem:s10+$0x40];
	v50 =	vperm.xlane v18, v8;
	v63 =	vmul.f32 v59, v62;
	[tilespmem:s10+$0x10] =	vst v58  }
0x169: {  	v60 =	vld [tilespmem:s10+$0x70];
	v57 =	vperm.xlane v18, v12;
	[tilespmem:s10+$0x20] =	vst v25;
	v19 =	vmul.f32 v48, v19  }
0x16a: {  	v61 =	vperm.xlane v18, v14;
	v21 =	vmul.f32 v46, v50;
	[tilespmem:s10+$0x60] =	vst v63  }
0x16b: {  	v20 =	vmul.f32 v52, v57;
	[tilespmem:s10+$0x0] =	vst v19;
	v19 =	vperm.xlane v18, v13  }
0x16c: {  	v22 =	vmul.f32 v55, v61;
	[tilespmem:s10+$0xFFFFFFF0] =	vst v21;
	v18 =	vperm.xlane v18, v16  }
0x16d: {  	[tilespmem:s10+$0x30] =	vst v20;
	v19 =	vmul.f32 v54, v19  }
0x16e: {  	[tilespmem:s10+$0x50] =	vst v22;
	v18 =	vmul.f32 v60, v18  }
0x16f: {  	[tilespmem:s10+$0x40] =	vst v19  }
0x170: {  	s3 =	simm.s32 $0x80;
	s12 =	simm.s32 $0x10;
	[tilespmem:s10+$0x70] =	vst v18  }
.LBB2_12:
0x171: {  	p1 =	sne.s32 s3, $0x7C0;
	v18 =	vld.idx.msk [tilespmem:v17+s12+$0x0 ss:$0x1], $0xffff;
	s10 =	sadd.s32 $0x100, s10  }
0x172: {  	v19 =	vld [tilespmem:s10+$0xFFFFFFB0]  }
0x173: {  	v20 =	vld [tilespmem:s10+$0xFFFFFF90]  }
0x174: {  	v21 =	vld [tilespmem:s10+$0xFFFFFF80]  }
0x175: {  	v22 =	vld [tilespmem:s10+$0xFFFFFFA0]  }
0x176: {  	v23 =	vld [tilespmem:s10+$0xFFFFFFF0]  }
0x177: {  	v24 =	vperm.xlane v18, v1;
	v25 =	vperm.xlane v18, v2;
	v26 =	vld [tilespmem:s10+$0xFFFFFFD0]  }
0x178: {  	v27 =	vperm.xlane v18, v3;
	v28 =	vperm.xlane v18, v4;
	v29 =	vld [tilespmem:s10+$0xFFFFFFC0]  }
0x179: {  	v20 =	vmul.f32 v20, v25;
	v21 =	vmul.f32 v21, v24;
	v24 =	vld [tilespmem:s10+$0xFFFFFFE0]  }
0x17a: {  	v19 =	vmul.f32 v19, v28;
	v22 =	vmul.f32 v22, v27;
	v25 =	vld [tilespmem:s10+$0x30]  }
0x17b: {  	v27 =	vperm.xlane v18, v6;
	[tilespmem:s10+$0xFFFFFF80] =	vst v21;
	v21 =	vperm.xlane v18, v5;
	v28 =	vld [tilespmem:s10+$0x10]  }
0x17c: {  	v30 =	vperm.xlane v18, v8;
	[tilespmem:s10+$0xFFFFFF90] =	vst v20;
	v20 =	vperm.xlane v18, v7;
	v31 =	vld [tilespmem:s10+$0x0]  }
0x17d: {  	[tilespmem:s10+$0xFFFFFFA0] =	vst v22;
	v21 =	vmul.f32 v29, v21;
	v22 =	vmul.f32 v26, v27;
	v26 =	vld [tilespmem:s10+$0x20]  }
0x17e: {  	[tilespmem:s10+$0xFFFFFFB0] =	vst v19;
	v19 =	vmul.f32 v24, v20;
	v20 =	vmul.f32 v23, v30;
	v23 =	vld [tilespmem:s10+$0x70]  }
0x17f: {  	v24 =	vperm.xlane v18, v10;
	[tilespmem:s10+$0xFFFFFFC0] =	vst v21;
	v21 =	vperm.xlane v18, v9;
	v27 =	vld [tilespmem:s10+$0x50]  }
0x180: {  	v29 =	vperm.xlane v18, v12;
	[tilespmem:s10+$0xFFFFFFD0] =	vst v22;
	v22 =	vperm.xlane v18, v11;
	v30 =	vld [tilespmem:s10+$0x40]  }
0x181: {  	[tilespmem:s10+$0xFFFFFFE0] =	vst v19;
	v19 =	vmul.f32 v31, v21;
	v21 =	vmul.f32 v28, v24;
	v24 =	vld [tilespmem:s10+$0x60]  }
0x182: {  	[tilespmem:s10+$0xFFFFFFF0] =	vst v20;
	v20 =	vmul.f32 v26, v22;
	v22 =	vmul.f32 v25, v29  }
0x183: {  	v25 =	vperm.xlane v18, v14;
	[tilespmem:s10+$0x0] =	vst v19;
	v19 =	vperm.xlane v18, v13  }
0x184: {  	[tilespmem:s10+$0x10] =	vst v21;
	v21 =	vperm.xlane v18, v15;
	v18 =	vperm.xlane v18, v16  }
0x185: {  	[tilespmem:s10+$0x20] =	vst v20;
	v19 =	vmul.f32 v30, v19;
	v20 =	vmul.f32 v27, v25  }
.Ltmp4:
0x186: {  	[tilespmem:s10+$0x30] =	vst v22;
	v21 =	vmul.f32 v24, v21;
	v18 =	vmul.f32 v23, v18;
	(pc) =	sbr.rel @p1 .LBB2_12-.Ltmp4, $4  }
0x187: {  	[tilespmem:s10+$0x40] =	vst v19  }
0x188: {  	[tilespmem:s10+$0x50] =	vst v20  }
0x189: {  	[tilespmem:s10+$0x60] =	vst v21  }
0x18a: {  	s12 =	sshra.s32 s3, $0x2;
	s3 =	sadd.s32 $0x40, s3;
	[tilespmem:s10+$0x70] =	vst v18  }
0x18b: {  	_ =	sdelay $0x3  }
0x18c: {  	v17 =	vld.idx.msk [tilespmem:v17+s12+$0x0 ss:$0x1], $0xffff  }
0x18d: {  	s3 =	sadd.s32 $0x100, s10  }
0x18e: {  	v18 =	vld [tilespmem:s3+$0xFFFFFF80]  }
0x18f: {  	v19 =	vld [tilespmem:s3+$0xFFFFFF90]  }
0x190: {  	v20 =	vld [tilespmem:s3+$0xFFFFFFA0]  }
0x191: {  	v21 =	vld [tilespmem:s3+$0xFFFFFFB0];
	v22 =	vperm.xlane v17, v1  }
0x192: {  	v25 =	vld [tilespmem:s3+$0xFFFFFFD0];
	v23 =	vperm.xlane v17, v2  }
0x193: {  	v24 =	vld [tilespmem:s3+$0xFFFFFFC0];
	v26 =	vperm.xlane v17, v3;
	v18 =	vmul.f32 v18, v22  }
0x194: {  	v49 =	vld [tilespmem:s3+$0xFFFFFFE0];
	v48 =	vperm.xlane v17, v4;
	v19 =	vmul.f32 v19, v23  }
0x195: {  	v51 =	vld [tilespmem:s3+$0x10];
	v50 =	vperm.xlane v17, v6;
	v20 =	vmul.f32 v20, v26;
	[tilespmem:s3+$0xFFFFFF80] =	vst v18  }
0x196: {  	v27 =	vld [tilespmem:s3+$0xFFFFFFF0];
	v21 =	vmul.f32 v21, v48;
	v18 =	vperm.xlane v17, v5;
	[tilespmem:s3+$0xFFFFFF90] =	vst v19  }
0x197: {  	v28 =	vperm.xlane v17, v7;
	v22 =	vmul.f32 v25, v50;
	v19 =	vld [tilespmem:s3+$0x0];
	[tilespmem:s3+$0xFFFFFFA0] =	vst v20  }
0x198: {  	v57 =	vld [tilespmem:s3+$0x50];
	v55 =	vperm.xlane v17, v10;
	[tilespmem:s3+$0xFFFFFFB0] =	vst v21;
	v18 =	vmul.f32 v24, v18  }
0x199: {  	v53 =	vld [tilespmem:s3+$0x20];
	v52 =	vperm.xlane v17, v8;
	v23 =	vmul.f32 v49, v28;
	[tilespmem:s3+$0xFFFFFFD0] =	vst v22  }
0x19a: {  	v54 =	vld [tilespmem:s3+$0x30];
	v59 =	vmul.f32 v51, v55;
	[tilespmem:s3+$0xFFFFFFC0] =	vst v18;
	v18 =	vperm.xlane v17, v9  }
0x19b: {  	v56 =	vld [tilespmem:s3+$0x40];
	v62 =	vperm.xlane v17, v14;
	v20 =	vmul.f32 v27, v52;
	[tilespmem:s3+$0xFFFFFFE0] =	vst v23  }
0x19c: {  	v60 =	vld [tilespmem:s3+$0x60];
	v58 =	vperm.xlane v17, v11;
	[tilespmem:s3+$0x10] =	vst v59;
	v18 =	vmul.f32 v19, v18  }
0x19d: {  	v61 =	vld [tilespmem:s3+$0x70];
	v21 =	vmul.f32 v57, v62;
	[tilespmem:s3+$0xFFFFFFF0] =	vst v20;
	v19 =	vperm.xlane v17, v12  }
0x19e: {  	v24 =	vmul.f32 v53, v58;
	[tilespmem:s3+$0x0] =	vst v18;
	v18 =	vperm.xlane v17, v13  }
0x19f: {  	v63 =	vperm.xlane v17, v15;
	[tilespmem:s3+$0x50] =	vst v21;
	v19 =	vmul.f32 v54, v19  }
0x1a0: {  	[tilespmem:s3+$0x20] =	vst v24;
	v17 =	vperm.xlane v17, v16;
	v18 =	vmul.f32 v56, v18  }
.Ltmp5:
0x1a1: {  	[tilespmem:s3+$0x30] =	vst v19;
	v19 =	vmul.f32 v60, v63;
	(pc) =	sbr.rel @p0 .LBB2_5-.Ltmp5, $4  }
0x1a2: {  	s21 =	sshll.u32 s11, $0x7;
	v17 =	vmul.f32 v61, v17;
	[tilespmem:s3+$0x40] =	vst v18  }
0x1a3: {  	p1 =	por $0x0, $0x0;
	s10 =	sand.u32 $0x3FFFFF80, s21;
	[tilespmem:s3+$0x60] =	vst v19  }
0x1a4: {  	p2 =	por $0x1, $0x1;
	s24 =	sadd.s32 $0x400, s10;
	[tilespmem:s3+$0x70] =	vst v17;
	s3 =	simm.s32 $0x1  }
0x1a5: {  	[spmem:s1] =	stream.indirect.scatter.add.f32 [tilespmem:s0], [sflag:$0x8], $0x40, s24, s26, $0xb8;
	[tilespmem:$0x13440] =	vst v63  }
0x1a6: {  	_ =	swait.ge [sflag:s17], $0x2000  }
0x1a7: {  	[sflag:s17] =	ssyncset.done $0x0  }
0x1a8: {  	[sflag:s17] =	ssyncadd.s32 $0xFFFFE000  }
0x1a9: {  	_ =	swait.ge [sflag:s18], $0x2000  }
0x1aa: {  	[sflag:s18] =	ssyncset.done $0x0  }
0x1ab: {  	s9 =	sadd.s32 $0x1, s9;
	[sflag:s18] =	ssyncadd.s32 $0xFFFFE000  }
0x1ac: {  	p0 =	sne.s32 s9, $0x14;
	_ =	swait.ge [sflag:s19], $0x2000  }
.Ltmp6:
0x1ad: {  	[sflag:s19] =	ssyncset.done $0x0;
	(pc) =	sbr.rel @p0 .LBB2_4-.Ltmp6, $4  }
0x1ae: {  	[sflag:s19] =	ssyncadd.s32 $0xFFFFE000  }
0x1af: {  	_ =	swait.ge [sflag:s20], $0x2000  }
0x1b0: {  	[sflag:s20] =	ssyncset.done $0x0  }
0x1b1: {  	[sflag:s20] =	ssyncadd.s32 $0xFFFFE000  }
0x1b2: {  	s3 =	stileid.u32;
	[bflag:$0x0] =	sbarrier.arrive $0xFFFF  }
0x1b3: {  	s10 =	simm.s32 $0x10;
	s3 =	sshll.u32 s3, $0x6;
	s8 =	rddreg [dreg:$0x5]  }
0x1b4: {  	s9 =	rddreg [dreg:$0xa];
	s3 =	sor.u32 $0x1C09, s3;
	s8 =	sshrl.u32 s8, $0x3  }
0x1b5: {  	[hbm:s9@s10], [sflag:s3] =	dma.strided [spmem:s8@s20], $0x3E8, s29, $0x8   }
0x1b6: {  	_ =	swait.ge [sflag:s23], $0x3E8  }
0x1b7: {  	[sflag:s23] =	ssyncset.done $0x0;
	s11 =	rddreg [dreg:$0x6]  }
0x1b8: {  	s12 =	rddreg [dreg:$0xb];
	[sflag:s23] =	ssyncadd.s32 $0xFFFFFC18;
	s8 =	sshrl.u32 s11, $0x3  }
0x1b9: {  	[hbm:s12@s10], [sflag:s3] =	dma.strided [spmem:s8@s20], $0x3E8, s29, $0x8   }
0x1ba: {  	_ =	swait.ge [sflag:s23], $0x3E8  }
0x1bb: {  	[sflag:s23] =	ssyncset.done $0x0;
	s21 =	rddreg [dreg:$0x7]  }
0x1bc: {  	s24 =	rddreg [dreg:$0xc];
	[sflag:s23] =	ssyncadd.s32 $0xFFFFFC18;
	s8 =	sshrl.u32 s21, $0x3  }
0x1bd: {  	[hbm:s24@s10], [sflag:s3] =	dma.strided [spmem:s8@s20], $0x3E8, s29, $0x8   }
0x1be: {  	_ =	swait.ge [sflag:s23], $0x3E8  }
0x1bf: {  	[sflag:s23] =	ssyncset.done $0x0;
	s9 =	rddreg [dreg:$0x8]  }
0x1c0: {  	s11 =	rddreg [dreg:$0xd];
	[sflag:s23] =	ssyncadd.s32 $0xFFFFFC18;
	s8 =	sshrl.u32 s9, $0x3  }
0x1c1: {  	[hbm:s11@s10], [sflag:s3] =	dma.strided [spmem:s8@s20], $0x3E8, s29, $0x8   }
0x1c2: {  	_ =	swait.ge [sflag:s23], $0x3E8  }
0x1c3: {  	[sflag:s23] =	ssyncset.done $0x0;
	s12 =	rddreg [dreg:$0x9]  }
0x1c4: {  	s21 =	rddreg [dreg:$0xe];
	[sflag:s23] =	ssyncadd.s32 $0xFFFFFC18;
	s8 =	sshrl.u32 s12, $0x3  }
0x1c5: {  	[hbm:s21@s10], [sflag:s3] =	dma.strided [spmem:s8@s20], $0x3E8, s29, $0x8   }
0x1c6: {  	_ =	swait.ge [sflag:s23], $0x3E8  }
0x1c7: {  	s21 =	rddreg [dreg:$0x4]  }
0x1c8: {  	s24 =	rddreg [dreg:$0xf];
	s21 =	sadd.s32 $0x1, s21  }
0x1c9: {  	p0 =	sne.s32 s21, s24  }
.Ltmp7:
0x1ca: {  	_ = 	snop;
	(pc) =	sbr.rel @p0 .LBB2_1-.Ltmp7, $3  }
0x1cb: {  	_ =	sdelay $0x1  }
0x1cc: {  	[sflag:s23] =	ssyncset.done $0x0  }
0x1cd: {  	[sflag:s23] =	ssyncadd.s32 $0xFFFFFC18  }
0x1ce: {  	_ =	sfence.sel $0x180000  }
0x1cf: {  	[bflag:$0x0] =	sbarrier.arrive $0xFFFF  }
0x1d0: {  	_ =	strace $0x90000047  }
0x1d1: {  	s0 =	stileid.u32;
	[bflag:$0x2] =	sbarrier.arrive $0xFFFF  }
0x1d2: {  	p0 =	sne.s32 s0, $0x0;
	s0 =	rddreg [dreg:$0x3]  }
0x1d3: {  	s0 =	sadd.s32 @!p0 $0x100000, s0  }
0x1d4: {  	[sflag:s0] =	ssyncadd.tile.s32 @!p0 $0x1;
	_ =	shalt  }
.Lfunc_end2:
_tile_overlayer_lowered:
.L_overlay_start_2:
0x1d5: {  	(tag) =	ssettag $0x2  }
0x1d6: {  	s0 =	rddreg [dreg:$0x0];
	s2 =	stileid.u32  }
0x1d7: {  	s1 =	rddreg [dreg:$0x1];
	p0 =	sne.s32 s2, $0x0  }
0x1d8: {  	s3 =	rddreg [dreg:$0x2];
	[bflag:$0x3] =	sbarrier.arrive $0xFFFF;
	s2 =	simm.s32 @!p0 $0x1C09  }
0x1d9: {  	[timem:s3], [sflag:s2] =	dma.local @!p0 [hbm:s0], s1  }
0x1da: {  	s0 =	simm.s32 @!p0 $0x9  }
0x1db: {  	_ =	swait.ge @!p0 [sflag:s0], s1  }
0x1dc: {  	s1 =	ssub.s32 @!p0 $0x0, s1;
	[sflag:s0] =	ssyncset.done @!p0 $0x0  }
0x1dd: {  	[sflag:s0] =	ssyncadd.s32 @!p0 s1  }
0x1de: {  	[bflag:$0x3] =	sbarrier.arrive $0xFFFF  }
0x1df: {  	_ =	shalt  }

</sc_bundles>
